<compile_context>
chip_gen: v7x
topology: tpu7x:2x2x1
jax: 0.10.2.dev20260603
libtpu: 0.0.44.dev20260713+nightly
codegen_flags: <defaults>
</compile_context>

<pallas_src>
import functools

import jax
import jax.numpy as jnp
from jax import lax
from jax.experimental import pallas as pl
from jax.experimental.pallas import tpu as pltpu
from jax.experimental.pallas import tpu_sc as plsc

NBUF = 4
LANES = 16


def _sc_geometry():
    try:
        info = plsc.get_sparse_core_info()
        return info.num_cores, info.num_subcores
    except Exception:
        return 2, 16


def _make_encoder(B, L, NC, NS):
    NW = NC * NS
    assert B % NW == 0
    BPW = B // NW
    assert BPW % NBUF == 0
    G = BPW // NBUF
    L2 = 2 * L
    inv_l = jnp.float32(1.0 / L)

    mesh = plsc.VectorSubcoreMesh(core_axis_name="c", subcore_axis_name="s")

    @functools.partial(
        pl.kernel,
        out_type=jax.ShapeDtypeStruct((B, 2 * LANES), jnp.float32),
        mesh=mesh,
        scratch_types=[
            pltpu.VMEM((BPW, L2), jnp.int32),
            pltpu.VMEM((NBUF, L2, LANES), jnp.float32),
            pltpu.VMEM((BPW, 2 * LANES), jnp.float32),
        ] + [pltpu.SemaphoreType.DMA] * NBUF,
        compiler_params=pltpu.CompilerParams(use_tc_tiling_on_sc=False),
    )
    def enc(idx_hbm, table_hbm, out_hbm, idx_v, rows_v, out_v, *sems):
        wid = lax.axis_index("s") * NC + lax.axis_index("c")
        base = wid * BPW

        pltpu.sync_copy(idx_hbm.at[pl.ds(base, BPW)], idx_v)

        def start(i, b):
            pltpu.async_copy(table_hbm.at[idx_v.at[i]], rows_v.at[b], sems[b])

        def wait(i, b):
            pltpu.make_async_copy(
                table_hbm.at[idx_v.at[i]], rows_v.at[b], sems[b]
            ).wait()

        for b in range(NBUF):
            start(jnp.int32(b), b)

        def group(g, carry):
            for b in range(NBUF):
                i = g * NBUF + b
                wait(i, b)
                acc0 = jnp.zeros((LANES,), jnp.float32)
                acc1 = jnp.zeros((LANES,), jnp.float32)
                for r in range(L):
                    acc0 = acc0 + rows_v[b, 2 * r]
                    acc1 = acc1 + rows_v[b, 2 * r + 1]
                out_v[i, pl.ds(0, LANES)] = acc0 * inv_l
                out_v[i, pl.ds(LANES, LANES)] = acc1 * inv_l

                @pl.when(g < G - 1)
                def _():
                    start(i + NBUF, b)

            return carry

        lax.fori_loop(0, G, group, jnp.int32(0))

        pltpu.sync_copy(out_v, out_hbm.at[pl.ds(base, BPW)])

    return enc


def kernel(captions, cap_features, w2v_table):
    del cap_features
    B, L = captions.shape
    V, D = w2v_table.shape
    assert D == 2 * LANES
    NC, NS = _sc_geometry()
    table2 = w2v_table.reshape(2 * V, LANES)
    idx2 = (
        captions[:, :, None].astype(jnp.int32) * 2
        + jnp.arange(2, dtype=jnp.int32)
    ).reshape(B, 2 * L)
    enc = _make_encoder(B, L, NC, NS)
    return enc(idx2, table2)

# --- scband reference (transcript-rebuilt; emitter-appended) ---
"""Pipeline reference for scband-w2-vtxt-encoder-30451318129246 (READ-ONLY COPY).

The authoritative reference and input builder live on the scoring server;
editing this copy changes nothing except your own understanding.
"""

import jax, jax.numpy as jnp
import numpy as np

VOCAB = 1000000
EMBED_DIM = 32
BATCH = 4096
CAP_LEN = 50


def setup_inputs(seed: int = 0) -> dict:
    key = jax.random.key(seed)
    k1, k2, k3 = jax.random.split(key, 3)
    captions = jax.random.randint(k1, (BATCH, CAP_LEN), 0, VOCAB, dtype=jnp.int64 if jax.config.jax_enable_x64 else jnp.int32).astype(jnp.int32)
    cap_features = jax.random.normal(k2, (BATCH, 512), dtype=jnp.float32)
    # learned / pretrained word2vec embedding table
    w2v_table = jax.random.normal(k3, (VOCAB, EMBED_DIM), dtype=jnp.float32) * 0.02
    return {"captions": captions, "cap_features": cap_features, "w2v_table": w2v_table}


def reference(captions, cap_features, w2v_table):
    # Faithful translation of W2VTxtEncoder.forward in online mode:
    # self.t2v_w2v.encoding(caption) averages the w2v vectors of the words
    # in each caption; the list comprehension stacks them into [B, embed_dim].
    # cap_features is accepted by the signature but unused by this encoder.
    emb = jnp.take(w2v_table, captions, axis=0)          # gather: [B, L, D]
    w2v_out = jnp.mean(emb, axis=1)                      # mean pool over words -> [B, D]
    return w2v_out

if __name__ == "__main__":
    import jax
    _d = setup_inputs()
    print(jax.jit(kernel)(*tuple(_d.values())))

</pallas_src>

<mosaic_0001>
#map = affine_map<(d0, d1) -> (0, 0)>
#map1 = affine_map<(d0, d1) -> (0)>
module attributes {stable_mosaic.version = 14 : i64} {
  func.func @_rewritten_body(%arg0: i32, %arg1: i32, %arg2: memref<4096x100xi32, #tpu.memory_space<hbm>>, %arg3: memref<2000000x16xf32, #tpu.memory_space<hbm>>, %arg4: memref<1xf32, #tpu.memory_space<hbm>>, %arg5: memref<4096x32xf32, #tpu.memory_space<hbm>>, %arg6: memref<128x100xi32, #tpu.memory_space<vmem>>, %arg7: memref<4x100x16xf32, #tpu.memory_space<vmem>>, %arg8: memref<128x32xf32, #tpu.memory_space<vmem>>, %arg9: memref<!tpu.dma_semaphore, #tpu.memory_space<semaphore_mem>>, %arg10: memref<!tpu.dma_semaphore, #tpu.memory_space<semaphore_mem>>, %arg11: memref<!tpu.dma_semaphore, #tpu.memory_space<semaphore_mem>>, %arg12: memref<!tpu.dma_semaphore, #tpu.memory_space<semaphore_mem>>) attributes {dimension_semantics = [#tpu.dimension_semantics<core_parallel>, #tpu.dimension_semantics<subcore_parallel>], iteration_bounds = array<i64: 2, 16>, scalar_prefetch = 0 : i64, scratch_operands = 7 : i64, tpu.core_type = #tpu.core_type<sc_vector_subcore>, window_params = [{transform_indices = #map}, {transform_indices = #map}, {transform_indices = #map1}, {transform_indices = #map}]} {
    %empty_ref3A = memref.alloca() : memref<16xf32, #tpu.memory_space<vmem>>
    "tpu.region"() ({
      %run_scoped3A = tpu.sem_alloc : memref<!tpu.dma_semaphore, #tpu.memory_space<semaphore_mem>>
      %dma_start3A_57 = arith.constant 0 : i32
      %dma_start3A_58 = tpu.memref_slice %empty_ref3A[%dma_start3A_57] : memref<16xf32, #tpu.memory_space<vmem>> -> memref<1xf32, #tpu.memory_space<vmem>>
      %dma_start3A_59 = arith.constant 0 : i32
      %dma_start3A_60 = tpu.memref_slice %empty_ref3A[%dma_start3A_59] : memref<16xf32, #tpu.memory_space<vmem>> -> memref<1xf32, #tpu.memory_space<vmem>>
      tpu.enqueue_dma source(%arg4 : memref<1xf32, #tpu.memory_space<hbm>>) target(%dma_start3A_60 : memref<1xf32, #tpu.memory_space<vmem>>) target_semaphore(%run_scoped3A : memref<!tpu.dma_semaphore, #tpu.memory_space<semaphore_mem>>)
      %dma_wait3A = arith.constant 0 : i32
      %dma_wait3A_61 = tpu.memref_slice %empty_ref3A[%dma_wait3A] : memref<16xf32, #tpu.memory_space<vmem>> -> memref<1xf32, #tpu.memory_space<vmem>>
      %dma_wait3A_62 = arith.constant 0 : i32
      %dma_wait3A_63 = tpu.memref_slice %empty_ref3A[%dma_wait3A_62] : memref<16xf32, #tpu.memory_space<vmem>> -> memref<1xf32, #tpu.memory_space<vmem>>
      tpu.wait_dma2 semaphore(%run_scoped3A : memref<!tpu.dma_semaphore, #tpu.memory_space<semaphore_mem>>) src(%arg4 : memref<1xf32, #tpu.memory_space<hbm>>) dst(%dma_wait3A_63 : memref<1xf32, #tpu.memory_space<vmem>>)
      tpu.yield
    }) : () -> ()
    %get3A = arith.constant 0 : index
    %get3A_0 = tpu.vector_load %empty_ref3A[%get3A] {strides = array<i32>} : memref<16xf32, #tpu.memory_space<vmem>>, vector<16xf32>,
    %get3A_1 = vector.shape_cast %get3A_0 : vector<16xf32> to vector<16xf32>
    %slice3A = vector.extract_strided_slice %get3A_1 {offsets = [0], sizes = [1], strides = [1]} : vector<16xf32> to vector<1xf32>
    %squeeze3A = vector.extract %slice3A[0] : f32 from vector<1xf32>
    %mul3A = arith.constant 2 : i32
    %mul3A_2 = arith.muli %arg1, %mul3A : i32
    %add3A = arith.addi %mul3A_2, %arg0 : i32
    %mul3A_3 = arith.constant 128 : i32
    %mul3A_4 = arith.muli %add3A, %mul3A_3 : i32
    "tpu.region"() ({
      %run_scoped3A = tpu.sem_alloc : memref<!tpu.dma_semaphore, #tpu.memory_space<semaphore_mem>>
      %dma_start3A_57 = arith.constant 0 : i32
      %dma_start3A_58 = tpu.memref_slice %arg2[%mul3A_4, %dma_start3A_57] : memref<4096x100xi32, #tpu.memory_space<hbm>> -> memref<128x100xi32, #tpu.memory_space<hbm>>
      %dma_start3A_59 = arith.constant 0 : i32
      %dma_start3A_60 = tpu.memref_slice %arg2[%mul3A_4, %dma_start3A_59] : memref<4096x100xi32, #tpu.memory_space<hbm>> -> memref<128x100xi32, #tpu.memory_space<hbm>>
      tpu.enqueue_dma source(%dma_start3A_60 : memref<128x100xi32, #tpu.memory_space<hbm>>) target(%arg6 : memref<128x100xi32, #tpu.memory_space<vmem>>) target_semaphore(%run_scoped3A : memref<!tpu.dma_semaphore, #tpu.memory_space<semaphore_mem>>)
      %dma_wait3A = arith.constant 0 : i32
      %dma_wait3A_61 = tpu.memref_slice %arg2[%mul3A_4, %dma_wait3A] : memref<4096x100xi32, #tpu.memory_space<hbm>> -> memref<128x100xi32, #tpu.memory_space<hbm>>
      %dma_wait3A_62 = arith.constant 0 : i32
      %dma_wait3A_63 = tpu.memref_slice %arg2[%mul3A_4, %dma_wait3A_62] : memref<4096x100xi32, #tpu.memory_space<hbm>> -> memref<128x100xi32, #tpu.memory_space<hbm>>
      tpu.wait_dma2 semaphore(%run_scoped3A : memref<!tpu.dma_semaphore, #tpu.memory_space<semaphore_mem>>) src(%dma_wait3A_63 : memref<128x100xi32, #tpu.memory_space<hbm>>) dst(%arg6 : memref<128x100xi32, #tpu.memory_space<vmem>>)
      tpu.yield
    }) : () -> ()
    %dma_start3A = arith.constant 0 : i32
    %dma_start3A_5 = arith.constant 0 : i32
    %dma_start3A_6 = arith.constant 0 : i32
    %dma_start3A_7 = arith.constant 0 : i32
    %dma_start3A_8 = tpu.memref_slice %arg7[%dma_start3A_5, %dma_start3A_6, %dma_start3A_7] : memref<4x100x16xf32, #tpu.memory_space<vmem>> -> memref<1x100x16xf32, #tpu.memory_space<vmem>>
    %dma_start3A_9 = tpu.memref_squeeze %dma_start3A_8 : memref<1x100x16xf32, #tpu.memory_space<vmem>> -> memref<100x16xf32, #tpu.memory_space<vmem>>
    %dma_start3A_10 = arith.constant 0 : i32
    %dma_start3A_11 = tpu.memref_slice %arg6[%dma_start3A, %dma_start3A_10] : memref<128x100xi32, #tpu.memory_space<vmem>> -> memref<1x100xi32, #tpu.memory_space<vmem>>
    %dma_start3A_12 = tpu.memref_squeeze %dma_start3A_11 : memref<1x100xi32, #tpu.memory_space<vmem>> -> memref<100xi32, #tpu.memory_space<vmem>>
    %dma_start3A_13 = arith.constant 0 : i32
    %dma_start3A_14 = arith.constant 0 : i32
    %dma_start3A_15 = tpu.memref_slice %arg3[%dma_start3A_13, %dma_start3A_14] : memref<2000000x16xf32, #tpu.memory_space<hbm>> -> memref<2000000x16xf32, #tpu.memory_space<hbm>>
    tpu.enqueue_indirect_dma source(%dma_start3A_15 : memref<2000000x16xf32, #tpu.memory_space<hbm>>) target(%dma_start3A_9 : memref<100x16xf32, #tpu.memory_space<vmem>>) offsets(%dma_start3A_12 : memref<100xi32, #tpu.memory_space<vmem>>) semaphore(%arg9 : memref<!tpu.dma_semaphore, #tpu.memory_space<semaphore_mem>>)
    %dma_start3A_16 = arith.constant 1 : i32
    %dma_start3A_17 = arith.constant 1 : i32
    %dma_start3A_18 = arith.constant 0 : i32
    %dma_start3A_19 = arith.constant 0 : i32
    %dma_start3A_20 = tpu.memref_slice %arg7[%dma_start3A_17, %dma_start3A_18, %dma_start3A_19] : memref<4x100x16xf32, #tpu.memory_space<vmem>> -> memref<1x100x16xf32, #tpu.memory_space<vmem>>
    %dma_start3A_21 = tpu.memref_squeeze %dma_start3A_20 : memref<1x100x16xf32, #tpu.memory_space<vmem>> -> memref<100x16xf32, #tpu.memory_space<vmem>>
    %dma_start3A_22 = arith.constant 0 : i32
    %dma_start3A_23 = tpu.memref_slice %arg6[%dma_start3A_16, %dma_start3A_22] : memref<128x100xi32, #tpu.memory_space<vmem>> -> memref<1x100xi32, #tpu.memory_space<vmem>>
    %dma_start3A_24 = tpu.memref_squeeze %dma_start3A_23 : memref<1x100xi32, #tpu.memory_space<vmem>> -> memref<100xi32, #tpu.memory_space<vmem>>
    %dma_start3A_25 = arith.constant 0 : i32
    %dma_start3A_26 = arith.constant 0 : i32
    %dma_start3A_27 = tpu.memref_slice %arg3[%dma_start3A_25, %dma_start3A_26] : memref<2000000x16xf32, #tpu.memory_space<hbm>> -> memref<2000000x16xf32, #tpu.memory_space<hbm>>
    tpu.enqueue_indirect_dma source(%dma_start3A_27 : memref<2000000x16xf32, #tpu.memory_space<hbm>>) target(%dma_start3A_21 : memref<100x16xf32, #tpu.memory_space<vmem>>) offsets(%dma_start3A_24 : memref<100xi32, #tpu.memory_space<vmem>>) semaphore(%arg10 : memref<!tpu.dma_semaphore, #tpu.memory_space<semaphore_mem>>)
    %dma_start3A_28 = arith.constant 2 : i32
    %dma_start3A_29 = arith.constant 2 : i32
    %dma_start3A_30 = arith.constant 0 : i32
    %dma_start3A_31 = arith.constant 0 : i32
    %dma_start3A_32 = tpu.memref_slice %arg7[%dma_start3A_29, %dma_start3A_30, %dma_start3A_31] : memref<4x100x16xf32, #tpu.memory_space<vmem>> -> memref<1x100x16xf32, #tpu.memory_space<vmem>>
    %dma_start3A_33 = tpu.memref_squeeze %dma_start3A_32 : memref<1x100x16xf32, #tpu.memory_space<vmem>> -> memref<100x16xf32, #tpu.memory_space<vmem>>
    %dma_start3A_34 = arith.constant 0 : i32
    %dma_start3A_35 = tpu.memref_slice %arg6[%dma_start3A_28, %dma_start3A_34] : memref<128x100xi32, #tpu.memory_space<vmem>> -> memref<1x100xi32, #tpu.memory_space<vmem>>
    %dma_start3A_36 = tpu.memref_squeeze %dma_start3A_35 : memref<1x100xi32, #tpu.memory_space<vmem>> -> memref<100xi32, #tpu.memory_space<vmem>>
    %dma_start3A_37 = arith.constant 0 : i32
    %dma_start3A_38 = arith.constant 0 : i32
    %dma_start3A_39 = tpu.memref_slice %arg3[%dma_start3A_37, %dma_start3A_38] : memref<2000000x16xf32, #tpu.memory_space<hbm>> -> memref<2000000x16xf32, #tpu.memory_space<hbm>>
    tpu.enqueue_indirect_dma source(%dma_start3A_39 : memref<2000000x16xf32, #tpu.memory_space<hbm>>) target(%dma_start3A_33 : memref<100x16xf32, #tpu.memory_space<vmem>>) offsets(%dma_start3A_36 : memref<100xi32, #tpu.memory_space<vmem>>) semaphore(%arg11 : memref<!tpu.dma_semaphore, #tpu.memory_space<semaphore_mem>>)
    %dma_start3A_40 = arith.constant 3 : i32
    %dma_start3A_41 = arith.constant 3 : i32
    %dma_start3A_42 = arith.constant 0 : i32
    %dma_start3A_43 = arith.constant 0 : i32
    %dma_start3A_44 = tpu.memref_slice %arg7[%dma_start3A_41, %dma_start3A_42, %dma_start3A_43] : memref<4x100x16xf32, #tpu.memory_space<vmem>> -> memref<1x100x16xf32, #tpu.memory_space<vmem>>
    %dma_start3A_45 = tpu.memref_squeeze %dma_start3A_44 : memref<1x100x16xf32, #tpu.memory_space<vmem>> -> memref<100x16xf32, #tpu.memory_space<vmem>>
    %dma_start3A_46 = arith.constant 0 : i32
    %dma_start3A_47 = tpu.memref_slice %arg6[%dma_start3A_40, %dma_start3A_46] : memref<128x100xi32, #tpu.memory_space<vmem>> -> memref<1x100xi32, #tpu.memory_space<vmem>>
    %dma_start3A_48 = tpu.memref_squeeze %dma_start3A_47 : memref<1x100xi32, #tpu.memory_space<vmem>> -> memref<100xi32, #tpu.memory_space<vmem>>
    %dma_start3A_49 = arith.constant 0 : i32
    %dma_start3A_50 = arith.constant 0 : i32
    %dma_start3A_51 = tpu.memref_slice %arg3[%dma_start3A_49, %dma_start3A_50] : memref<2000000x16xf32, #tpu.memory_space<hbm>> -> memref<2000000x16xf32, #tpu.memory_space<hbm>>
    tpu.enqueue_indirect_dma source(%dma_start3A_51 : memref<2000000x16xf32, #tpu.memory_space<hbm>>) target(%dma_start3A_45 : memref<100x16xf32, #tpu.memory_space<vmem>>) offsets(%dma_start3A_48 : memref<100xi32, #tpu.memory_space<vmem>>) semaphore(%arg12 : memref<!tpu.dma_semaphore, #tpu.memory_space<semaphore_mem>>)
    %scan3A = arith.constant 0 : i32
    %scan3A_52 = arith.constant 0 : i32
    %scan3A_53 = arith.constant 32 : i32
    %scan3A_54 = arith.addi %scan3A_52, %scan3A_53 : i32
    %scan3A_55 = arith.constant 1 : i32
    scf.for %scan3A_57 = %scan3A_52 to %scan3A_54 step %scan3A_55  : i32 {
      %mul3A_58 = arith.constant 4 : i32
      %mul3A_59 = arith.muli %scan3A_57, %mul3A_58 : i32
      %add3A_60 = arith.constant 0 : i32
      %add3A_61 = arith.addi %mul3A_59, %add3A_60 : i32
      %dma_wait3A = arith.constant 0 : i32
      %dma_wait3A_62 = arith.constant 0 : i32
      %dma_wait3A_63 = arith.constant 0 : i32
      %dma_wait3A_64 = tpu.memref_slice %arg7[%dma_wait3A, %dma_wait3A_62, %dma_wait3A_63] : memref<4x100x16xf32, #tpu.memory_space<vmem>> -> memref<1x100x16xf32, #tpu.memory_space<vmem>>
      %dma_wait3A_65 = tpu.memref_squeeze %dma_wait3A_64 : memref<1x100x16xf32, #tpu.memory_space<vmem>> -> memref<100x16xf32, #tpu.memory_space<vmem>>
      %dma_wait3A_66 = arith.constant 0 : i32
      %dma_wait3A_67 = tpu.memref_slice %arg6[%add3A_61, %dma_wait3A_66] : memref<128x100xi32, #tpu.memory_space<vmem>> -> memref<1x100xi32, #tpu.memory_space<vmem>>
      %dma_wait3A_68 = tpu.memref_squeeze %dma_wait3A_67 : memref<1x100xi32, #tpu.memory_space<vmem>> -> memref<100xi32, #tpu.memory_space<vmem>>
      %dma_wait3A_69 = arith.constant 0 : i32
      %dma_wait3A_70 = arith.constant 0 : i32
      %dma_wait3A_71 = tpu.memref_slice %arg3[%dma_wait3A_69, %dma_wait3A_70] : memref<2000000x16xf32, #tpu.memory_space<hbm>> -> memref<2000000x16xf32, #tpu.memory_space<hbm>>
      tpu.wait_indirect_dma semaphore(%arg9 : memref<!tpu.dma_semaphore, #tpu.memory_space<semaphore_mem>>) src(%dma_wait3A_71 : memref<2000000x16xf32, #tpu.memory_space<hbm>>) dst(%dma_wait3A_65 : memref<100x16xf32, #tpu.memory_space<vmem>>)
      %broadcast_in_dim3A = arith.constant 0.000000e+00 : f32
      %broadcast_in_dim3A_72 = vector.broadcast %broadcast_in_dim3A : f32 to vector<16xf32>
      %broadcast_in_dim3A_73 = arith.constant 0.000000e+00 : f32
      %broadcast_in_dim3A_74 = vector.broadcast %broadcast_in_dim3A_73 : f32 to vector<16xf32>
      %get3A_75 = arith.constant 0 : i32
      %get3A_76 = arith.constant 0 : i32
      %get3A_77 = arith.index_cast %get3A_75 : i32 to index
      %get3A_78 = arith.index_cast %get3A_76 : i32 to index
      %get3A_79 = arith.constant 0 : index
      %get3A_80 = tpu.vector_load %arg7[%get3A_77, %get3A_78, %get3A_79] {strides = array<i32>} : memref<4x100x16xf32, #tpu.memory_space<vmem>>, vector<1x1x16xf32>,
      %get3A_81 = vector.shape_cast %get3A_80 : vector<1x1x16xf32> to vector<16xf32>
      %add3A_82 = arith.addf %broadcast_in_dim3A_72, %get3A_81 : vector<16xf32>
      %get3A_83 = arith.constant 0 : i32
      %get3A_84 = arith.constant 1 : i32
      %get3A_85 = arith.index_cast %get3A_83 : i32 to index
      %get3A_86 = arith.index_cast %get3A_84 : i32 to index
      %get3A_87 = arith.constant 0 : index
      %get3A_88 = tpu.vector_load %arg7[%get3A_85, %get3A_86, %get3A_87] {strides = array<i32>} : memref<4x100x16xf32, #tpu.memory_space<vmem>>, vector<1x1x16xf32>,
      %get3A_89 = vector.shape_cast %get3A_88 : vector<1x1x16xf32> to vector<16xf32>
      %add3A_90 = arith.addf %broadcast_in_dim3A_74, %get3A_89 : vector<16xf32>
      %get3A_91 = arith.constant 0 : i32
      %get3A_92 = arith.constant 2 : i32
      %get3A_93 = arith.index_cast %get3A_91 : i32 to index
      %get3A_94 = arith.index_cast %get3A_92 : i32 to index
      %get3A_95 = arith.constant 0 : index
      %get3A_96 = tpu.vector_load %arg7[%get3A_93, %get3A_94, %get3A_95] {strides = array<i32>} : memref<4x100x16xf32, #tpu.memory_space<vmem>>, vector<1x1x16xf32>,
      %get3A_97 = vector.shape_cast %get3A_96 : vector<1x1x16xf32> to vector<16xf32>
      %add3A_98 = arith.addf %add3A_82, %get3A_97 : vector<16xf32>
      %get3A_99 = arith.constant 0 : i32
      %get3A_100 = arith.constant 3 : i32
      %get3A_101 = arith.index_cast %get3A_99 : i32 to index
      %get3A_102 = arith.index_cast %get3A_100 : i32 to index
      %get3A_103 = arith.constant 0 : index
      %get3A_104 = tpu.vector_load %arg7[%get3A_101, %get3A_102, %get3A_103] {strides = array<i32>} : memref<4x100x16xf32, #tpu.memory_space<vmem>>, vector<1x1x16xf32>,
      %get3A_105 = vector.shape_cast %get3A_104 : vector<1x1x16xf32> to vector<16xf32>
      %add3A_106 = arith.addf %add3A_90, %get3A_105 : vector<16xf32>
      %get3A_107 = arith.constant 0 : i32
      %get3A_108 = arith.constant 4 : i32
      %get3A_109 = arith.index_cast %get3A_107 : i32 to index
      %get3A_110 = arith.index_cast %get3A_108 : i32 to index
      %get3A_111 = arith.constant 0 : index
      %get3A_112 = tpu.vector_load %arg7[%get3A_109, %get3A_110, %get3A_111] {strides = array<i32>} : memref<4x100x16xf32, #tpu.memory_space<vmem>>, vector<1x1x16xf32>,
      %get3A_113 = vector.shape_cast %get3A_112 : vector<1x1x16xf32> to vector<16xf32>
      %add3A_114 = arith.addf %add3A_98, %get3A_113 : vector<16xf32>
      %get3A_115 = arith.constant 0 : i32
      %get3A_116 = arith.constant 5 : i32
      %get3A_117 = arith.index_cast %get3A_115 : i32 to index
      %get3A_118 = arith.index_cast %get3A_116 : i32 to index
      %get3A_119 = arith.constant 0 : index
      %get3A_120 = tpu.vector_load %arg7[%get3A_117, %get3A_118, %get3A_119] {strides = array<i32>} : memref<4x100x16xf32, #tpu.memory_space<vmem>>, vector<1x1x16xf32>,
      %get3A_121 = vector.shape_cast %get3A_120 : vector<1x1x16xf32> to vector<16xf32>
      %add3A_122 = arith.addf %add3A_106, %get3A_121 : vector<16xf32>
      %get3A_123 = arith.constant 0 : i32
      %get3A_124 = arith.constant 6 : i32
      %get3A_125 = arith.index_cast %get3A_123 : i32 to index
      %get3A_126 = arith.index_cast %get3A_124 : i32 to index
      %get3A_127 = arith.constant 0 : index
      %get3A_128 = tpu.vector_load %arg7[%get3A_125, %get3A_126, %get3A_127] {strides = array<i32>} : memref<4x100x16xf32, #tpu.memory_space<vmem>>, vector<1x1x16xf32>,
      %get3A_129 = vector.shape_cast %get3A_128 : vector<1x1x16xf32> to vector<16xf32>
      %add3A_130 = arith.addf %add3A_114, %get3A_129 : vector<16xf32>
      %get3A_131 = arith.constant 0 : i32
      %get3A_132 = arith.constant 7 : i32
      %get3A_133 = arith.index_cast %get3A_131 : i32 to index
      %get3A_134 = arith.index_cast %get3A_132 : i32 to index
      %get3A_135 = arith.constant 0 : index
      %get3A_136 = tpu.vector_load %arg7[%get3A_133, %get3A_134, %get3A_135] {strides = array<i32>} : memref<4x100x16xf32, #tpu.memory_space<vmem>>, vector<1x1x16xf32>,
      %get3A_137 = vector.shape_cast %get3A_136 : vector<1x1x16xf32> to vector<16xf32>
      %add3A_138 = arith.addf %add3A_122, %get3A_137 : vector<16xf32>
      %get3A_139 = arith.constant 0 : i32
      %get3A_140 = arith.constant 8 : i32
      %get3A_141 = arith.index_cast %get3A_139 : i32 to index
      %get3A_142 = arith.index_cast %get3A_140 : i32 to index
      %get3A_143 = arith.constant 0 : index
      %get3A_144 = tpu.vector_load %arg7[%get3A_141, %get3A_142, %get3A_143] {strides = array<i32>} : memref<4x100x16xf32, #tpu.memory_space<vmem>>, vector<1x1x16xf32>,
      %get3A_145 = vector.shape_cast %get3A_144 : vector<1x1x16xf32> to vector<16xf32>
      %add3A_146 = arith.addf %add3A_130, %get3A_145 : vector<16xf32>
      %get3A_147 = arith.constant 0 : i32
      %get3A_148 = arith.constant 9 : i32
      %get3A_149 = arith.index_cast %get3A_147 : i32 to index
      %get3A_150 = arith.index_cast %get3A_148 : i32 to index
      %get3A_151 = arith.constant 0 : index
      %get3A_152 = tpu.vector_load %arg7[%get3A_149, %get3A_150, %get3A_151] {strides = array<i32>} : memref<4x100x16xf32, #tpu.memory_space<vmem>>, vector<1x1x16xf32>,
      %get3A_153 = vector.shape_cast %get3A_152 : vector<1x1x16xf32> to vector<16xf32>
      %add3A_154 = arith.addf %add3A_138, %get3A_153 : vector<16xf32>
      %get3A_155 = arith.constant 0 : i32
      %get3A_156 = arith.constant 10 : i32
      %get3A_157 = arith.index_cast %get3A_155 : i32 to index
      %get3A_158 = arith.index_cast %get3A_156 : i32 to index
      %get3A_159 = arith.constant 0 : index
      %get3A_160 = tpu.vector_load %arg7[%get3A_157, %get3A_158, %get3A_159] {strides = array<i32>} : memref<4x100x16xf32, #tpu.memory_space<vmem>>, vector<1x1x16xf32>,
      %get3A_161 = vector.shape_cast %get3A_160 : vector<1x1x16xf32> to vector<16xf32>
      %add3A_162 = arith.addf %add3A_146, %get3A_161 : vector<16xf32>
      %get3A_163 = arith.constant 0 : i32
      %get3A_164 = arith.constant 11 : i32
      %get3A_165 = arith.index_cast %get3A_163 : i32 to index
      %get3A_166 = arith.index_cast %get3A_164 : i32 to index
      %get3A_167 = arith.constant 0 : index
      %get3A_168 = tpu.vector_load %arg7[%get3A_165, %get3A_166, %get3A_167] {strides = array<i32>} : memref<4x100x16xf32, #tpu.memory_space<vmem>>, vector<1x1x16xf32>,
      %get3A_169 = vector.shape_cast %get3A_168 : vector<1x1x16xf32> to vector<16xf32>
      %add3A_170 = arith.addf %add3A_154, %get3A_169 : vector<16xf32>
      %get3A_171 = arith.constant 0 : i32
      %get3A_172 = arith.constant 12 : i32
      %get3A_173 = arith.index_cast %get3A_171 : i32 to index
      %get3A_174 = arith.index_cast %get3A_172 : i32 to index
      %get3A_175 = arith.constant 0 : index
      %get3A_176 = tpu.vector_load %arg7[%get3A_173, %get3A_174, %get3A_175] {strides = array<i32>} : memref<4x100x16xf32, #tpu.memory_space<vmem>>, vector<1x1x16xf32>,
      %get3A_177 = vector.shape_cast %get3A_176 : vector<1x1x16xf32> to vector<16xf32>
      %add3A_178 = arith.addf %add3A_162, %get3A_177 : vector<16xf32>
      %get3A_179 = arith.constant 0 : i32
      %get3A_180 = arith.constant 13 : i32
      %get3A_181 = arith.index_cast %get3A_179 : i32 to index
      %get3A_182 = arith.index_cast %get3A_180 : i32 to index
      %get3A_183 = arith.constant 0 : index
      %get3A_184 = tpu.vector_load %arg7[%get3A_181, %get3A_182, %get3A_183] {strides = array<i32>} : memref<4x100x16xf32, #tpu.memory_space<vmem>>, vector<1x1x16xf32>,
      %get3A_185 = vector.shape_cast %get3A_184 : vector<1x1x16xf32> to vector<16xf32>
      %add3A_186 = arith.addf %add3A_170, %get3A_185 : vector<16xf32>
      %get3A_187 = arith.constant 0 : i32
      %get3A_188 = arith.constant 14 : i32
      %get3A_189 = arith.index_cast %get3A_187 : i32 to index
      %get3A_190 = arith.index_cast %get3A_188 : i32 to index
      %get3A_191 = arith.constant 0 : index
      %get3A_192 = tpu.vector_load %arg7[%get3A_189, %get3A_190, %get3A_191] {strides = array<i32>} : memref<4x100x16xf32, #tpu.memory_space<vmem>>, vector<1x1x16xf32>,
      %get3A_193 = vector.shape_cast %get3A_192 : vector<1x1x16xf32> to vector<16xf32>
      %add3A_194 = arith.addf %add3A_178, %get3A_193 : vector<16xf32>
      %get3A_195 = arith.constant 0 : i32
      %get3A_196 = arith.constant 15 : i32
      %get3A_197 = arith.index_cast %get3A_195 : i32 to index
      %get3A_198 = arith.index_cast %get3A_196 : i32 to index
      %get3A_199 = arith.constant 0 : index
      %get3A_200 = tpu.vector_load %arg7[%get3A_197, %get3A_198, %get3A_199] {strides = array<i32>} : memref<4x100x16xf32, #tpu.memory_space<vmem>>, vector<1x1x16xf32>,
      %get3A_201 = vector.shape_cast %get3A_200 : vector<1x1x16xf32> to vector<16xf32>
      %add3A_202 = arith.addf %add3A_186, %get3A_201 : vector<16xf32>
      %get3A_203 = arith.constant 0 : i32
      %get3A_204 = arith.constant 16 : i32
      %get3A_205 = arith.index_cast %get3A_203 : i32 to index
      %get3A_206 = arith.index_cast %get3A_204 : i32 to index
      %get3A_207 = arith.constant 0 : index
      %get3A_208 = tpu.vector_load %arg7[%get3A_205, %get3A_206, %get3A_207] {strides = array<i32>} : memref<4x100x16xf32, #tpu.memory_space<vmem>>, vector<1x1x16xf32>,
      %get3A_209 = vector.shape_cast %get3A_208 : vector<1x1x16xf32> to vector<16xf32>
      %add3A_210 = arith.addf %add3A_194, %get3A_209 : vector<16xf32>
      %get3A_211 = arith.constant 0 : i32
      %get3A_212 = arith.constant 17 : i32
      %get3A_213 = arith.index_cast %get3A_211 : i32 to index
      %get3A_214 = arith.index_cast %get3A_212 : i32 to index
      %get3A_215 = arith.constant 0 : index
      %get3A_216 = tpu.vector_load %arg7[%get3A_213, %get3A_214, %get3A_215] {strides = array<i32>} : memref<4x100x16xf32, #tpu.memory_space<vmem>>, vector<1x1x16xf32>,
      %get3A_217 = vector.shape_cast %get3A_216 : vector<1x1x16xf32> to vector<16xf32>
      %add3A_218 = arith.addf %add3A_202, %get3A_217 : vector<16xf32>
      %get3A_219 = arith.constant 0 : i32
      %get3A_220 = arith.constant 18 : i32
      %get3A_221 = arith.index_cast %get3A_219 : i32 to index
      %get3A_222 = arith.index_cast %get3A_220 : i32 to index
      %get3A_223 = arith.constant 0 : index
      %get3A_224 = tpu.vector_load %arg7[%get3A_221, %get3A_222, %get3A_223] {strides = array<i32>} : memref<4x100x16xf32, #tpu.memory_space<vmem>>, vector<1x1x16xf32>,
      %get3A_225 = vector.shape_cast %get3A_224 : vector<1x1x16xf32> to vector<16xf32>
      %add3A_226 = arith.addf %add3A_210, %get3A_225 : vector<16xf32>
      %get3A_227 = arith.constant 0 : i32
      %get3A_228 = arith.constant 19 : i32
      %get3A_229 = arith.index_cast %get3A_227 : i32 to index
      %get3A_230 = arith.index_cast %get3A_228 : i32 to index
      %get3A_231 = arith.constant 0 : index
      %get3A_232 = tpu.vector_load %arg7[%get3A_229, %get3A_230, %get3A_231] {strides = array<i32>} : memref<4x100x16xf32, #tpu.memory_space<vmem>>, vector<1x1x16xf32>,
      %get3A_233 = vector.shape_cast %get3A_232 : vector<1x1x16xf32> to vector<16xf32>
      %add3A_234 = arith.addf %add3A_218, %get3A_233 : vector<16xf32>
      %get3A_235 = arith.constant 0 : i32
      %get3A_236 = arith.constant 20 : i32
      %get3A_237 = arith.index_cast %get3A_235 : i32 to index
      %get3A_238 = arith.index_cast %get3A_236 : i32 to index
      %get3A_239 = arith.constant 0 : index
      %get3A_240 = tpu.vector_load %arg7[%get3A_237, %get3A_238, %get3A_239] {strides = array<i32>} : memref<4x100x16xf32, #tpu.memory_space<vmem>>, vector<1x1x16xf32>,
      %get3A_241 = vector.shape_cast %get3A_240 : vector<1x1x16xf32> to vector<16xf32>
      %add3A_242 = arith.addf %add3A_226, %get3A_241 : vector<16xf32>
      %get3A_243 = arith.constant 0 : i32
      %get3A_244 = arith.constant 21 : i32
      %get3A_245 = arith.index_cast %get3A_243 : i32 to index
      %get3A_246 = arith.index_cast %get3A_244 : i32 to index
      %get3A_247 = arith.constant 0 : index
      %get3A_248 = tpu.vector_load %arg7[%get3A_245, %get3A_246, %get3A_247] {strides = array<i32>} : memref<4x100x16xf32, #tpu.memory_space<vmem>>, vector<1x1x16xf32>,
      %get3A_249 = vector.shape_cast %get3A_248 : vector<1x1x16xf32> to vector<16xf32>
      %add3A_250 = arith.addf %add3A_234, %get3A_249 : vector<16xf32>
      %get3A_251 = arith.constant 0 : i32
      %get3A_252 = arith.constant 22 : i32
      %get3A_253 = arith.index_cast %get3A_251 : i32 to index
      %get3A_254 = arith.index_cast %get3A_252 : i32 to index
      %get3A_255 = arith.constant 0 : index
      %get3A_256 = tpu.vector_load %arg7[%get3A_253, %get3A_254, %get3A_255] {strides = array<i32>} : memref<4x100x16xf32, #tpu.memory_space<vmem>>, vector<1x1x16xf32>,
      %get3A_257 = vector.shape_cast %get3A_256 : vector<1x1x16xf32> to vector<16xf32>
      %add3A_258 = arith.addf %add3A_242, %get3A_257 : vector<16xf32>
      %get3A_259 = arith.constant 0 : i32
      %get3A_260 = arith.constant 23 : i32
      %get3A_261 = arith.index_cast %get3A_259 : i32 to index
      %get3A_262 = arith.index_cast %get3A_260 : i32 to index
      %get3A_263 = arith.constant 0 : index
      %get3A_264 = tpu.vector_load %arg7[%get3A_261, %get3A_262, %get3A_263] {strides = array<i32>} : memref<4x100x16xf32, #tpu.memory_space<vmem>>, vector<1x1x16xf32>,
      %get3A_265 = vector.shape_cast %get3A_264 : vector<1x1x16xf32> to vector<16xf32>
      %add3A_266 = arith.addf %add3A_250, %get3A_265 : vector<16xf32>
      %get3A_267 = arith.constant 0 : i32
      %get3A_268 = arith.constant 24 : i32
      %get3A_269 = arith.index_cast %get3A_267 : i32 to index
      %get3A_270 = arith.index_cast %get3A_268 : i32 to index
      %get3A_271 = arith.constant 0 : index
      %get3A_272 = tpu.vector_load %arg7[%get3A_269, %get3A_270, %get3A_271] {strides = array<i32>} : memref<4x100x16xf32, #tpu.memory_space<vmem>>, vector<1x1x16xf32>,
      %get3A_273 = vector.shape_cast %get3A_272 : vector<1x1x16xf32> to vector<16xf32>
      %add3A_274 = arith.addf %add3A_258, %get3A_273 : vector<16xf32>
      %get3A_275 = arith.constant 0 : i32
      %get3A_276 = arith.constant 25 : i32
      %get3A_277 = arith.index_cast %get3A_275 : i32 to index
      %get3A_278 = arith.index_cast %get3A_276 : i32 to index
      %get3A_279 = arith.constant 0 : index
      %get3A_280 = tpu.vector_load %arg7[%get3A_277, %get3A_278, %get3A_279] {strides = array<i32>} : memref<4x100x16xf32, #tpu.memory_space<vmem>>, vector<1x1x16xf32>,
      %get3A_281 = vector.shape_cast %get3A_280 : vector<1x1x16xf32> to vector<16xf32>
      %add3A_282 = arith.addf %add3A_266, %get3A_281 : vector<16xf32>
      %get3A_283 = arith.constant 0 : i32
      %get3A_284 = arith.constant 26 : i32
      %get3A_285 = arith.index_cast %get3A_283 : i32 to index
      %get3A_286 = arith.index_cast %get3A_284 : i32 to index
      %get3A_287 = arith.constant 0 : index
      %get3A_288 = tpu.vector_load %arg7[%get3A_285, %get3A_286, %get3A_287] {strides = array<i32>} : memref<4x100x16xf32, #tpu.memory_space<vmem>>, vector<1x1x16xf32>,
      %get3A_289 = vector.shape_cast %get3A_288 : vector<1x1x16xf32> to vector<16xf32>
      %add3A_290 = arith.addf %add3A_274, %get3A_289 : vector<16xf32>
      %get3A_291 = arith.constant 0 : i32
      %get3A_292 = arith.constant 27 : i32
      %get3A_293 = arith.index_cast %get3A_291 : i32 to index
      %get3A_294 = arith.index_cast %get3A_292 : i32 to index
      %get3A_295 = arith.constant 0 : index
      %get3A_296 = tpu.vector_load %arg7[%get3A_293, %get3A_294, %get3A_295] {strides = array<i32>} : memref<4x100x16xf32, #tpu.memory_space<vmem>>, vector<1x1x16xf32>,
      %get3A_297 = vector.shape_cast %get3A_296 : vector<1x1x16xf32> to vector<16xf32>
      %add3A_298 = arith.addf %add3A_282, %get3A_297 : vector<16xf32>
      %get3A_299 = arith.constant 0 : i32
      %get3A_300 = arith.constant 28 : i32
      %get3A_301 = arith.index_cast %get3A_299 : i32 to index
      %get3A_302 = arith.index_cast %get3A_300 : i32 to index
      %get3A_303 = arith.constant 0 : index
      %get3A_304 = tpu.vector_load %arg7[%get3A_301, %get3A_302, %get3A_303] {strides = array<i32>} : memref<4x100x16xf32, #tpu.memory_space<vmem>>, vector<1x1x16xf32>,
      %get3A_305 = vector.shape_cast %get3A_304 : vector<1x1x16xf32> to vector<16xf32>
      %add3A_306 = arith.addf %add3A_290, %get3A_305 : vector<16xf32>
      %get3A_307 = arith.constant 0 : i32
      %get3A_308 = arith.constant 29 : i32
      %get3A_309 = arith.index_cast %get3A_307 : i32 to index
      %get3A_310 = arith.index_cast %get3A_308 : i32 to index
      %get3A_311 = arith.constant 0 : index
      %get3A_312 = tpu.vector_load %arg7[%get3A_309, %get3A_310, %get3A_311] {strides = array<i32>} : memref<4x100x16xf32, #tpu.memory_space<vmem>>, vector<1x1x16xf32>,
      %get3A_313 = vector.shape_cast %get3A_312 : vector<1x1x16xf32> to vector<16xf32>
      %add3A_314 = arith.addf %add3A_298, %get3A_313 : vector<16xf32>
      %get3A_315 = arith.constant 0 : i32
      %get3A_316 = arith.constant 30 : i32
      %get3A_317 = arith.index_cast %get3A_315 : i32 to index
      %get3A_318 = arith.index_cast %get3A_316 : i32 to index
      %get3A_319 = arith.constant 0 : index
      %get3A_320 = tpu.vector_load %arg7[%get3A_317, %get3A_318, %get3A_319] {strides = array<i32>} : memref<4x100x16xf32, #tpu.memory_space<vmem>>, vector<1x1x16xf32>,
      %get3A_321 = vector.shape_cast %get3A_320 : vector<1x1x16xf32> to vector<16xf32>
      %add3A_322 = arith.addf %add3A_306, %get3A_321 : vector<16xf32>
      %get3A_323 = arith.constant 0 : i32
      %get3A_324 = arith.constant 31 : i32
      %get3A_325 = arith.index_cast %get3A_323 : i32 to index
      %get3A_326 = arith.index_cast %get3A_324 : i32 to index
      %get3A_327 = arith.constant 0 : index
      %get3A_328 = tpu.vector_load %arg7[%get3A_325, %get3A_326, %get3A_327] {strides = array<i32>} : memref<4x100x16xf32, #tpu.memory_space<vmem>>, vector<1x1x16xf32>,
      %get3A_329 = vector.shape_cast %get3A_328 : vector<1x1x16xf32> to vector<16xf32>
      %add3A_330 = arith.addf %add3A_314, %get3A_329 : vector<16xf32>
      %get3A_331 = arith.constant 0 : i32
      %get3A_332 = arith.constant 32 : i32
      %get3A_333 = arith.index_cast %get3A_331 : i32 to index
      %get3A_334 = arith.index_cast %get3A_332 : i32 to index
      %get3A_335 = arith.constant 0 : index
      %get3A_336 = tpu.vector_load %arg7[%get3A_333, %get3A_334, %get3A_335] {strides = array<i32>} : memref<4x100x16xf32, #tpu.memory_space<vmem>>, vector<1x1x16xf32>,
      %get3A_337 = vector.shape_cast %get3A_336 : vector<1x1x16xf32> to vector<16xf32>
      %add3A_338 = arith.addf %add3A_322, %get3A_337 : vector<16xf32>
      %get3A_339 = arith.constant 0 : i32
      %get3A_340 = arith.constant 33 : i32
      %get3A_341 = arith.index_cast %get3A_339 : i32 to index
      %get3A_342 = arith.index_cast %get3A_340 : i32 to index
      %get3A_343 = arith.constant 0 : index
      %get3A_344 = tpu.vector_load %arg7[%get3A_341, %get3A_342, %get3A_343] {strides = array<i32>} : memref<4x100x16xf32, #tpu.memory_space<vmem>>, vector<1x1x16xf32>,
      %get3A_345 = vector.shape_cast %get3A_344 : vector<1x1x16xf32> to vector<16xf32>
      %add3A_346 = arith.addf %add3A_330, %get3A_345 : vector<16xf32>
      %get3A_347 = arith.constant 0 : i32
      %get3A_348 = arith.constant 34 : i32
      %get3A_349 = arith.index_cast %get3A_347 : i32 to index
      %get3A_350 = arith.index_cast %get3A_348 : i32 to index
      %get3A_351 = arith.constant 0 : index
      %get3A_352 = tpu.vector_load %arg7[%get3A_349, %get3A_350, %get3A_351] {strides = array<i32>} : memref<4x100x16xf32, #tpu.memory_space<vmem>>, vector<1x1x16xf32>,
      %get3A_353 = vector.shape_cast %get3A_352 : vector<1x1x16xf32> to vector<16xf32>
      %add3A_354 = arith.addf %add3A_338, %get3A_353 : vector<16xf32>
      %get3A_355 = arith.constant 0 : i32
      %get3A_356 = arith.constant 35 : i32
      %get3A_357 = arith.index_cast %get3A_355 : i32 to index
      %get3A_358 = arith.index_cast %get3A_356 : i32 to index
      %get3A_359 = arith.constant 0 : index
      %get3A_360 = tpu.vector_load %arg7[%get3A_357, %get3A_358, %get3A_359] {strides = array<i32>} : memref<4x100x16xf32, #tpu.memory_space<vmem>>, vector<1x1x16xf32>,
      %get3A_361 = vector.shape_cast %get3A_360 : vector<1x1x16xf32> to vector<16xf32>
      %add3A_362 = arith.addf %add3A_346, %get3A_361 : vector<16xf32>
      %get3A_363 = arith.constant 0 : i32
      %get3A_364 = arith.constant 36 : i32
      %get3A_365 = arith.index_cast %get3A_363 : i32 to index
      %get3A_366 = arith.index_cast %get3A_364 : i32 to index
      %get3A_367 = arith.constant 0 : index
      %get3A_368 = tpu.vector_load %arg7[%get3A_365, %get3A_366, %get3A_367] {strides = array<i32>} : memref<4x100x16xf32, #tpu.memory_space<vmem>>, vector<1x1x16xf32>,
      %get3A_369 = vector.shape_cast %get3A_368 : vector<1x1x16xf32> to vector<16xf32>
      %add3A_370 = arith.addf %add3A_354, %get3A_369 : vector<16xf32>
      %get3A_371 = arith.constant 0 : i32
      %get3A_372 = arith.constant 37 : i32
      %get3A_373 = arith.index_cast %get3A_371 : i32 to index
      %get3A_374 = arith.index_cast %get3A_372 : i32 to index
      %get3A_375 = arith.constant 0 : index
      %get3A_376 = tpu.vector_load %arg7[%get3A_373, %get3A_374, %get3A_375] {strides = array<i32>} : memref<4x100x16xf32, #tpu.memory_space<vmem>>, vector<1x1x16xf32>,
      %get3A_377 = vector.shape_cast %get3A_376 : vector<1x1x16xf32> to vector<16xf32>
      %add3A_378 = arith.addf %add3A_362, %get3A_377 : vector<16xf32>
      %get3A_379 = arith.constant 0 : i32
      %get3A_380 = arith.constant 38 : i32
      %get3A_381 = arith.index_cast %get3A_379 : i32 to index
      %get3A_382 = arith.index_cast %get3A_380 : i32 to index
      %get3A_383 = arith.constant 0 : index
      %get3A_384 = tpu.vector_load %arg7[%get3A_381, %get3A_382, %get3A_383] {strides = array<i32>} : memref<4x100x16xf32, #tpu.memory_space<vmem>>, vector<1x1x16xf32>,
      %get3A_385 = vector.shape_cast %get3A_384 : vector<1x1x16xf32> to vector<16xf32>
      %add3A_386 = arith.addf %add3A_370, %get3A_385 : vector<16xf32>
      %get3A_387 = arith.constant 0 : i32
      %get3A_388 = arith.constant 39 : i32
      %get3A_389 = arith.index_cast %get3A_387 : i32 to index
      %get3A_390 = arith.index_cast %get3A_388 : i32 to index
      %get3A_391 = arith.constant 0 : index
      %get3A_392 = tpu.vector_load %arg7[%get3A_389, %get3A_390, %get3A_391] {strides = array<i32>} : memref<4x100x16xf32, #tpu.memory_space<vmem>>, vector<1x1x16xf32>,
      %get3A_393 = vector.shape_cast %get3A_392 : vector<1x1x16xf32> to vector<16xf32>
      %add3A_394 = arith.addf %add3A_378, %get3A_393 : vector<16xf32>
      %get3A_395 = arith.constant 0 : i32
      %get3A_396 = arith.constant 40 : i32
      %get3A_397 = arith.index_cast %get3A_395 : i32 to index
      %get3A_398 = arith.index_cast %get3A_396 : i32 to index
      %get3A_399 = arith.constant 0 : index
      %get3A_400 = tpu.vector_load %arg7[%get3A_397, %get3A_398, %get3A_399] {strides = array<i32>} : memref<4x100x16xf32, #tpu.memory_space<vmem>>, vector<1x1x16xf32>,
      %get3A_401 = vector.shape_cast %get3A_400 : vector<1x1x16xf32> to vector<16xf32>
      %add3A_402 = arith.addf %add3A_386, %get3A_401 : vector<16xf32>
      %get3A_403 = arith.constant 0 : i32
      %get3A_404 = arith.constant 41 : i32
      %get3A_405 = arith.index_cast %get3A_403 : i32 to index
      %get3A_406 = arith.index_cast %get3A_404 : i32 to index
      %get3A_407 = arith.constant 0 : index
      %get3A_408 = tpu.vector_load %arg7[%get3A_405, %get3A_406, %get3A_407] {strides = array<i32>} : memref<4x100x16xf32, #tpu.memory_space<vmem>>, vector<1x1x16xf32>,
      %get3A_409 = vector.shape_cast %get3A_408 : vector<1x1x16xf32> to vector<16xf32>
      %add3A_410 = arith.addf %add3A_394, %get3A_409 : vector<16xf32>
      %get3A_411 = arith.constant 0 : i32
      %get3A_412 = arith.constant 42 : i32
      %get3A_413 = arith.index_cast %get3A_411 : i32 to index
      %get3A_414 = arith.index_cast %get3A_412 : i32 to index
      %get3A_415 = arith.constant 0 : index
      %get3A_416 = tpu.vector_load %arg7[%get3A_413, %get3A_414, %get3A_415] {strides = array<i32>} : memref<4x100x16xf32, #tpu.memory_space<vmem>>, vector<1x1x16xf32>,
      %get3A_417 = vector.shape_cast %get3A_416 : vector<1x1x16xf32> to vector<16xf32>
      %add3A_418 = arith.addf %add3A_402, %get3A_417 : vector<16xf32>
      %get3A_419 = arith.constant 0 : i32
      %get3A_420 = arith.constant 43 : i32
      %get3A_421 = arith.index_cast %get3A_419 : i32 to index
      %get3A_422 = arith.index_cast %get3A_420 : i32 to index
      %get3A_423 = arith.constant 0 : index
      %get3A_424 = tpu.vector_load %arg7[%get3A_421, %get3A_422, %get3A_423] {strides = array<i32>} : memref<4x100x16xf32, #tpu.memory_space<vmem>>, vector<1x1x16xf32>,
      %get3A_425 = vector.shape_cast %get3A_424 : vector<1x1x16xf32> to vector<16xf32>
      %add3A_426 = arith.addf %add3A_410, %get3A_425 : vector<16xf32>
      %get3A_427 = arith.constant 0 : i32
      %get3A_428 = arith.constant 44 : i32
      %get3A_429 = arith.index_cast %get3A_427 : i32 to index
      %get3A_430 = arith.index_cast %get3A_428 : i32 to index
      %get3A_431 = arith.constant 0 : index
      %get3A_432 = tpu.vector_load %arg7[%get3A_429, %get3A_430, %get3A_431] {strides = array<i32>} : memref<4x100x16xf32, #tpu.memory_space<vmem>>, vector<1x1x16xf32>,
      %get3A_433 = vector.shape_cast %get3A_432 : vector<1x1x16xf32> to vector<16xf32>
      %add3A_434 = arith.addf %add3A_418, %get3A_433 : vector<16xf32>
      %get3A_435 = arith.constant 0 : i32
      %get3A_436 = arith.constant 45 : i32
      %get3A_437 = arith.index_cast %get3A_435 : i32 to index
      %get3A_438 = arith.index_cast %get3A_436 : i32 to index
      %get3A_439 = arith.constant 0 : index
      %get3A_440 = tpu.vector_load %arg7[%get3A_437, %get3A_438, %get3A_439] {strides = array<i32>} : memref<4x100x16xf32, #tpu.memory_space<vmem>>, vector<1x1x16xf32>,
      %get3A_441 = vector.shape_cast %get3A_440 : vector<1x1x16xf32> to vector<16xf32>
      %add3A_442 = arith.addf %add3A_426, %get3A_441 : vector<16xf32>
      %get3A_443 = arith.constant 0 : i32
      %get3A_444 = arith.constant 46 : i32
      %get3A_445 = arith.index_cast %get3A_443 : i32 to index
      %get3A_446 = arith.index_cast %get3A_444 : i32 to index
      %get3A_447 = arith.constant 0 : index
      %get3A_448 = tpu.vector_load %arg7[%get3A_445, %get3A_446, %get3A_447] {strides = array<i32>} : memref<4x100x16xf32, #tpu.memory_space<vmem>>, vector<1x1x16xf32>,
      %get3A_449 = vector.shape_cast %get3A_448 : vector<1x1x16xf32> to vector<16xf32>
      %add3A_450 = arith.addf %add3A_434, %get3A_449 : vector<16xf32>
      %get3A_451 = arith.constant 0 : i32
      %get3A_452 = arith.constant 47 : i32
      %get3A_453 = arith.index_cast %get3A_451 : i32 to index
      %get3A_454 = arith.index_cast %get3A_452 : i32 to index
      %get3A_455 = arith.constant 0 : index
      %get3A_456 = tpu.vector_load %arg7[%get3A_453, %get3A_454, %get3A_455] {strides = array<i32>} : memref<4x100x16xf32, #tpu.memory_space<vmem>>, vector<1x1x16xf32>,
      %get3A_457 = vector.shape_cast %get3A_456 : vector<1x1x16xf32> to vector<16xf32>
      %add3A_458 = arith.addf %add3A_442, %get3A_457 : vector<16xf32>
      %get3A_459 = arith.constant 0 : i32
      %get3A_460 = arith.constant 48 : i32
      %get3A_461 = arith.index_cast %get3A_459 : i32 to index
      %get3A_462 = arith.index_cast %get3A_460 : i32 to index
      %get3A_463 = arith.constant 0 : index
      %get3A_464 = tpu.vector_load %arg7[%get3A_461, %get3A_462, %get3A_463] {strides = array<i32>} : memref<4x100x16xf32, #tpu.memory_space<vmem>>, vector<1x1x16xf32>,
      %get3A_465 = vector.shape_cast %get3A_464 : vector<1x1x16xf32> to vector<16xf32>
      %add3A_466 = arith.addf %add3A_450, %get3A_465 : vector<16xf32>
      %get3A_467 = arith.constant 0 : i32
      %get3A_468 = arith.constant 49 : i32
      %get3A_469 = arith.index_cast %get3A_467 : i32 to index
      %get3A_470 = arith.index_cast %get3A_468 : i32 to index
      %get3A_471 = arith.constant 0 : index
      %get3A_472 = tpu.vector_load %arg7[%get3A_469, %get3A_470, %get3A_471] {strides = array<i32>} : memref<4x100x16xf32, #tpu.memory_space<vmem>>, vector<1x1x16xf32>,
      %get3A_473 = vector.shape_cast %get3A_472 : vector<1x1x16xf32> to vector<16xf32>
      %add3A_474 = arith.addf %add3A_458, %get3A_473 : vector<16xf32>
      %get3A_475 = arith.constant 0 : i32
      %get3A_476 = arith.constant 50 : i32
      %get3A_477 = arith.index_cast %get3A_475 : i32 to index
      %get3A_478 = arith.index_cast %get3A_476 : i32 to index
      %get3A_479 = arith.constant 0 : index
      %get3A_480 = tpu.vector_load %arg7[%get3A_477, %get3A_478, %get3A_479] {strides = array<i32>} : memref<4x100x16xf32, #tpu.memory_space<vmem>>, vector<1x1x16xf32>,
      %get3A_481 = vector.shape_cast %get3A_480 : vector<1x1x16xf32> to vector<16xf32>
      %add3A_482 = arith.addf %add3A_466, %get3A_481 : vector<16xf32>
      %get3A_483 = arith.constant 0 : i32
      %get3A_484 = arith.constant 51 : i32
      %get3A_485 = arith.index_cast %get3A_483 : i32 to index
      %get3A_486 = arith.index_cast %get3A_484 : i32 to index
      %get3A_487 = arith.constant 0 : index
      %get3A_488 = tpu.vector_load %arg7[%get3A_485, %get3A_486, %get3A_487] {strides = array<i32>} : memref<4x100x16xf32, #tpu.memory_space<vmem>>, vector<1x1x16xf32>,
      %get3A_489 = vector.shape_cast %get3A_488 : vector<1x1x16xf32> to vector<16xf32>
      %add3A_490 = arith.addf %add3A_474, %get3A_489 : vector<16xf32>
      %get3A_491 = arith.constant 0 : i32
      %get3A_492 = arith.constant 52 : i32
      %get3A_493 = arith.index_cast %get3A_491 : i32 to index
      %get3A_494 = arith.index_cast %get3A_492 : i32 to index
      %get3A_495 = arith.constant 0 : index
      %get3A_496 = tpu.vector_load %arg7[%get3A_493, %get3A_494, %get3A_495] {strides = array<i32>} : memref<4x100x16xf32, #tpu.memory_space<vmem>>, vector<1x1x16xf32>,
      %get3A_497 = vector.shape_cast %get3A_496 : vector<1x1x16xf32> to vector<16xf32>
      %add3A_498 = arith.addf %add3A_482, %get3A_497 : vector<16xf32>
      %get3A_499 = arith.constant 0 : i32
      %get3A_500 = arith.constant 53 : i32
      %get3A_501 = arith.index_cast %get3A_499 : i32 to index
      %get3A_502 = arith.index_cast %get3A_500 : i32 to index
      %get3A_503 = arith.constant 0 : index
      %get3A_504 = tpu.vector_load %arg7[%get3A_501, %get3A_502, %get3A_503] {strides = array<i32>} : memref<4x100x16xf32, #tpu.memory_space<vmem>>, vector<1x1x16xf32>,
      %get3A_505 = vector.shape_cast %get3A_504 : vector<1x1x16xf32> to vector<16xf32>
      %add3A_506 = arith.addf %add3A_490, %get3A_505 : vector<16xf32>
      %get3A_507 = arith.constant 0 : i32
      %get3A_508 = arith.constant 54 : i32
      %get3A_509 = arith.index_cast %get3A_507 : i32 to index
      %get3A_510 = arith.index_cast %get3A_508 : i32 to index
      %get3A_511 = arith.constant 0 : index
      %get3A_512 = tpu.vector_load %arg7[%get3A_509, %get3A_510, %get3A_511] {strides = array<i32>} : memref<4x100x16xf32, #tpu.memory_space<vmem>>, vector<1x1x16xf32>,
      %get3A_513 = vector.shape_cast %get3A_512 : vector<1x1x16xf32> to vector<16xf32>
      %add3A_514 = arith.addf %add3A_498, %get3A_513 : vector<16xf32>
      %get3A_515 = arith.constant 0 : i32
      %get3A_516 = arith.constant 55 : i32
      %get3A_517 = arith.index_cast %get3A_515 : i32 to index
      %get3A_518 = arith.index_cast %get3A_516 : i32 to index
      %get3A_519 = arith.constant 0 : index
      %get3A_520 = tpu.vector_load %arg7[%get3A_517, %get3A_518, %get3A_519] {strides = array<i32>} : memref<4x100x16xf32, #tpu.memory_space<vmem>>, vector<1x1x16xf32>,
      %get3A_521 = vector.shape_cast %get3A_520 : vector<1x1x16xf32> to vector<16xf32>
      %add3A_522 = arith.addf %add3A_506, %get3A_521 : vector<16xf32>
      %get3A_523 = arith.constant 0 : i32
      %get3A_524 = arith.constant 56 : i32
      %get3A_525 = arith.index_cast %get3A_523 : i32 to index
      %get3A_526 = arith.index_cast %get3A_524 : i32 to index
      %get3A_527 = arith.constant 0 : index
      %get3A_528 = tpu.vector_load %arg7[%get3A_525, %get3A_526, %get3A_527] {strides = array<i32>} : memref<4x100x16xf32, #tpu.memory_space<vmem>>, vector<1x1x16xf32>,
      %get3A_529 = vector.shape_cast %get3A_528 : vector<1x1x16xf32> to vector<16xf32>
      %add3A_530 = arith.addf %add3A_514, %get3A_529 : vector<16xf32>
      %get3A_531 = arith.constant 0 : i32
      %get3A_532 = arith.constant 57 : i32
      %get3A_533 = arith.index_cast %get3A_531 : i32 to index
      %get3A_534 = arith.index_cast %get3A_532 : i32 to index
      %get3A_535 = arith.constant 0 : index
      %get3A_536 = tpu.vector_load %arg7[%get3A_533, %get3A_534, %get3A_535] {strides = array<i32>} : memref<4x100x16xf32, #tpu.memory_space<vmem>>, vector<1x1x16xf32>,
      %get3A_537 = vector.shape_cast %get3A_536 : vector<1x1x16xf32> to vector<16xf32>
      %add3A_538 = arith.addf %add3A_522, %get3A_537 : vector<16xf32>
      %get3A_539 = arith.constant 0 : i32
      %get3A_540 = arith.constant 58 : i32
      %get3A_541 = arith.index_cast %get3A_539 : i32 to index
      %get3A_542 = arith.index_cast %get3A_540 : i32 to index
      %get3A_543 = arith.constant 0 : index
      %get3A_544 = tpu.vector_load %arg7[%get3A_541, %get3A_542, %get3A_543] {strides = array<i32>} : memref<4x100x16xf32, #tpu.memory_space<vmem>>, vector<1x1x16xf32>,
      %get3A_545 = vector.shape_cast %get3A_544 : vector<1x1x16xf32> to vector<16xf32>
      %add3A_546 = arith.addf %add3A_530, %get3A_545 : vector<16xf32>
      %get3A_547 = arith.constant 0 : i32
      %get3A_548 = arith.constant 59 : i32
      %get3A_549 = arith.index_cast %get3A_547 : i32 to index
      %get3A_550 = arith.index_cast %get3A_548 : i32 to index
      %get3A_551 = arith.constant 0 : index
      %get3A_552 = tpu.vector_load %arg7[%get3A_549, %get3A_550, %get3A_551] {strides = array<i32>} : memref<4x100x16xf32, #tpu.memory_space<vmem>>, vector<1x1x16xf32>,
      %get3A_553 = vector.shape_cast %get3A_552 : vector<1x1x16xf32> to vector<16xf32>
      %add3A_554 = arith.addf %add3A_538, %get3A_553 : vector<16xf32>
      %get3A_555 = arith.constant 0 : i32
      %get3A_556 = arith.constant 60 : i32
      %get3A_557 = arith.index_cast %get3A_555 : i32 to index
      %get3A_558 = arith.index_cast %get3A_556 : i32 to index
      %get3A_559 = arith.constant 0 : index
      %get3A_560 = tpu.vector_load %arg7[%get3A_557, %get3A_558, %get3A_559] {strides = array<i32>} : memref<4x100x16xf32, #tpu.memory_space<vmem>>, vector<1x1x16xf32>,
      %get3A_561 = vector.shape_cast %get3A_560 : vector<1x1x16xf32> to vector<16xf32>
      %add3A_562 = arith.addf %add3A_546, %get3A_561 : vector<16xf32>
      %get3A_563 = arith.constant 0 : i32
      %get3A_564 = arith.constant 61 : i32
      %get3A_565 = arith.index_cast %get3A_563 : i32 to index
      %get3A_566 = arith.index_cast %get3A_564 : i32 to index
      %get3A_567 = arith.constant 0 : index
      %get3A_568 = tpu.vector_load %arg7[%get3A_565, %get3A_566, %get3A_567] {strides = array<i32>} : memref<4x100x16xf32, #tpu.memory_space<vmem>>, vector<1x1x16xf32>,
      %get3A_569 = vector.shape_cast %get3A_568 : vector<1x1x16xf32> to vector<16xf32>
      %add3A_570 = arith.addf %add3A_554, %get3A_569 : vector<16xf32>
      %get3A_571 = arith.constant 0 : i32
      %get3A_572 = arith.constant 62 : i32
      %get3A_573 = arith.index_cast %get3A_571 : i32 to index
      %get3A_574 = arith.index_cast %get3A_572 : i32 to index
      %get3A_575 = arith.constant 0 : index
      %get3A_576 = tpu.vector_load %arg7[%get3A_573, %get3A_574, %get3A_575] {strides = array<i32>} : memref<4x100x16xf32, #tpu.memory_space<vmem>>, vector<1x1x16xf32>,
      %get3A_577 = vector.shape_cast %get3A_576 : vector<1x1x16xf32> to vector<16xf32>
      %add3A_578 = arith.addf %add3A_562, %get3A_577 : vector<16xf32>
      %get3A_579 = arith.constant 0 : i32
      %get3A_580 = arith.constant 63 : i32
      %get3A_581 = arith.index_cast %get3A_579 : i32 to index
      %get3A_582 = arith.index_cast %get3A_580 : i32 to index
      %get3A_583 = arith.constant 0 : index
      %get3A_584 = tpu.vector_load %arg7[%get3A_581, %get3A_582, %get3A_583] {strides = array<i32>} : memref<4x100x16xf32, #tpu.memory_space<vmem>>, vector<1x1x16xf32>,
      %get3A_585 = vector.shape_cast %get3A_584 : vector<1x1x16xf32> to vector<16xf32>
      %add3A_586 = arith.addf %add3A_570, %get3A_585 : vector<16xf32>
      %get3A_587 = arith.constant 0 : i32
      %get3A_588 = arith.constant 64 : i32
      %get3A_589 = arith.index_cast %get3A_587 : i32 to index
      %get3A_590 = arith.index_cast %get3A_588 : i32 to index
      %get3A_591 = arith.constant 0 : index
      %get3A_592 = tpu.vector_load %arg7[%get3A_589, %get3A_590, %get3A_591] {strides = array<i32>} : memref<4x100x16xf32, #tpu.memory_space<vmem>>, vector<1x1x16xf32>,
      %get3A_593 = vector.shape_cast %get3A_592 : vector<1x1x16xf32> to vector<16xf32>
      %add3A_594 = arith.addf %add3A_578, %get3A_593 : vector<16xf32>
      %get3A_595 = arith.constant 0 : i32
      %get3A_596 = arith.constant 65 : i32
      %get3A_597 = arith.index_cast %get3A_595 : i32 to index
      %get3A_598 = arith.index_cast %get3A_596 : i32 to index
      %get3A_599 = arith.constant 0 : index
      %get3A_600 = tpu.vector_load %arg7[%get3A_597, %get3A_598, %get3A_599] {strides = array<i32>} : memref<4x100x16xf32, #tpu.memory_space<vmem>>, vector<1x1x16xf32>,
      %get3A_601 = vector.shape_cast %get3A_600 : vector<1x1x16xf32> to vector<16xf32>
      %add3A_602 = arith.addf %add3A_586, %get3A_601 : vector<16xf32>
      %get3A_603 = arith.constant 0 : i32
      %get3A_604 = arith.constant 66 : i32
      %get3A_605 = arith.index_cast %get3A_603 : i32 to index
      %get3A_606 = arith.index_cast %get3A_604 : i32 to index
      %get3A_607 = arith.constant 0 : index
      %get3A_608 = tpu.vector_load %arg7[%get3A_605, %get3A_606, %get3A_607] {strides = array<i32>} : memref<4x100x16xf32, #tpu.memory_space<vmem>>, vector<1x1x16xf32>,
      %get3A_609 = vector.shape_cast %get3A_608 : vector<1x1x16xf32> to vector<16xf32>
      %add3A_610 = arith.addf %add3A_594, %get3A_609 : vector<16xf32>
      %get3A_611 = arith.constant 0 : i32
      %get3A_612 = arith.constant 67 : i32
      %get3A_613 = arith.index_cast %get3A_611 : i32 to index
      %get3A_614 = arith.index_cast %get3A_612 : i32 to index
      %get3A_615 = arith.constant 0 : index
      %get3A_616 = tpu.vector_load %arg7[%get3A_613, %get3A_614, %get3A_615] {strides = array<i32>} : memref<4x100x16xf32, #tpu.memory_space<vmem>>, vector<1x1x16xf32>,
      %get3A_617 = vector.shape_cast %get3A_616 : vector<1x1x16xf32> to vector<16xf32>
      %add3A_618 = arith.addf %add3A_602, %get3A_617 : vector<16xf32>
      %get3A_619 = arith.constant 0 : i32
      %get3A_620 = arith.constant 68 : i32
      %get3A_621 = arith.index_cast %get3A_619 : i32 to index
      %get3A_622 = arith.index_cast %get3A_620 : i32 to index
      %get3A_623 = arith.constant 0 : index
      %get3A_624 = tpu.vector_load %arg7[%get3A_621, %get3A_622, %get3A_623] {strides = array<i32>} : memref<4x100x16xf32, #tpu.memory_space<vmem>>, vector<1x1x16xf32>,
      %get3A_625 = vector.shape_cast %get3A_624 : vector<1x1x16xf32> to vector<16xf32>
      %add3A_626 = arith.addf %add3A_610, %get3A_625 : vector<16xf32>
      %get3A_627 = arith.constant 0 : i32
      %get3A_628 = arith.constant 69 : i32
      %get3A_629 = arith.index_cast %get3A_627 : i32 to index
      %get3A_630 = arith.index_cast %get3A_628 : i32 to index
      %get3A_631 = arith.constant 0 : index
      %get3A_632 = tpu.vector_load %arg7[%get3A_629, %get3A_630, %get3A_631] {strides = array<i32>} : memref<4x100x16xf32, #tpu.memory_space<vmem>>, vector<1x1x16xf32>,
      %get3A_633 = vector.shape_cast %get3A_632 : vector<1x1x16xf32> to vector<16xf32>
      %add3A_634 = arith.addf %add3A_618, %get3A_633 : vector<16xf32>
      %get3A_635 = arith.constant 0 : i32
      %get3A_636 = arith.constant 70 : i32
      %get3A_637 = arith.index_cast %get3A_635 : i32 to index
      %get3A_638 = arith.index_cast %get3A_636 : i32 to index
      %get3A_639 = arith.constant 0 : index
      %get3A_640 = tpu.vector_load %arg7[%get3A_637, %get3A_638, %get3A_639] {strides = array<i32>} : memref<4x100x16xf32, #tpu.memory_space<vmem>>, vector<1x1x16xf32>,
      %get3A_641 = vector.shape_cast %get3A_640 : vector<1x1x16xf32> to vector<16xf32>
      %add3A_642 = arith.addf %add3A_626, %get3A_641 : vector<16xf32>
      %get3A_643 = arith.constant 0 : i32
      %get3A_644 = arith.constant 71 : i32
      %get3A_645 = arith.index_cast %get3A_643 : i32 to index
      %get3A_646 = arith.index_cast %get3A_644 : i32 to index
      %get3A_647 = arith.constant 0 : index
      %get3A_648 = tpu.vector_load %arg7[%get3A_645, %get3A_646, %get3A_647] {strides = array<i32>} : memref<4x100x16xf32, #tpu.memory_space<vmem>>, vector<1x1x16xf32>,
      %get3A_649 = vector.shape_cast %get3A_648 : vector<1x1x16xf32> to vector<16xf32>
      %add3A_650 = arith.addf %add3A_634, %get3A_649 : vector<16xf32>
      %get3A_651 = arith.constant 0 : i32
      %get3A_652 = arith.constant 72 : i32
      %get3A_653 = arith.index_cast %get3A_651 : i32 to index
      %get3A_654 = arith.index_cast %get3A_652 : i32 to index
      %get3A_655 = arith.constant 0 : index
      %get3A_656 = tpu.vector_load %arg7[%get3A_653, %get3A_654, %get3A_655] {strides = array<i32>} : memref<4x100x16xf32, #tpu.memory_space<vmem>>, vector<1x1x16xf32>,
      %get3A_657 = vector.shape_cast %get3A_656 : vector<1x1x16xf32> to vector<16xf32>
      %add3A_658 = arith.addf %add3A_642, %get3A_657 : vector<16xf32>
      %get3A_659 = arith.constant 0 : i32
      %get3A_660 = arith.constant 73 : i32
      %get3A_661 = arith.index_cast %get3A_659 : i32 to index
      %get3A_662 = arith.index_cast %get3A_660 : i32 to index
      %get3A_663 = arith.constant 0 : index
      %get3A_664 = tpu.vector_load %arg7[%get3A_661, %get3A_662, %get3A_663] {strides = array<i32>} : memref<4x100x16xf32, #tpu.memory_space<vmem>>, vector<1x1x16xf32>,
      %get3A_665 = vector.shape_cast %get3A_664 : vector<1x1x16xf32> to vector<16xf32>
      %add3A_666 = arith.addf %add3A_650, %get3A_665 : vector<16xf32>
      %get3A_667 = arith.constant 0 : i32
      %get3A_668 = arith.constant 74 : i32
      %get3A_669 = arith.index_cast %get3A_667 : i32 to index
      %get3A_670 = arith.index_cast %get3A_668 : i32 to index
      %get3A_671 = arith.constant 0 : index
      %get3A_672 = tpu.vector_load %arg7[%get3A_669, %get3A_670, %get3A_671] {strides = array<i32>} : memref<4x100x16xf32, #tpu.memory_space<vmem>>, vector<1x1x16xf32>,
      %get3A_673 = vector.shape_cast %get3A_672 : vector<1x1x16xf32> to vector<16xf32>
      %add3A_674 = arith.addf %add3A_658, %get3A_673 : vector<16xf32>
      %get3A_675 = arith.constant 0 : i32
      %get3A_676 = arith.constant 75 : i32
      %get3A_677 = arith.index_cast %get3A_675 : i32 to index
      %get3A_678 = arith.index_cast %get3A_676 : i32 to index
      %get3A_679 = arith.constant 0 : index
      %get3A_680 = tpu.vector_load %arg7[%get3A_677, %get3A_678, %get3A_679] {strides = array<i32>} : memref<4x100x16xf32, #tpu.memory_space<vmem>>, vector<1x1x16xf32>,
      %get3A_681 = vector.shape_cast %get3A_680 : vector<1x1x16xf32> to vector<16xf32>
      %add3A_682 = arith.addf %add3A_666, %get3A_681 : vector<16xf32>
      %get3A_683 = arith.constant 0 : i32
      %get3A_684 = arith.constant 76 : i32
      %get3A_685 = arith.index_cast %get3A_683 : i32 to index
      %get3A_686 = arith.index_cast %get3A_684 : i32 to index
      %get3A_687 = arith.constant 0 : index
      %get3A_688 = tpu.vector_load %arg7[%get3A_685, %get3A_686, %get3A_687] {strides = array<i32>} : memref<4x100x16xf32, #tpu.memory_space<vmem>>, vector<1x1x16xf32>,
      %get3A_689 = vector.shape_cast %get3A_688 : vector<1x1x16xf32> to vector<16xf32>
      %add3A_690 = arith.addf %add3A_674, %get3A_689 : vector<16xf32>
      %get3A_691 = arith.constant 0 : i32
      %get3A_692 = arith.constant 77 : i32
      %get3A_693 = arith.index_cast %get3A_691 : i32 to index
      %get3A_694 = arith.index_cast %get3A_692 : i32 to index
      %get3A_695 = arith.constant 0 : index
      %get3A_696 = tpu.vector_load %arg7[%get3A_693, %get3A_694, %get3A_695] {strides = array<i32>} : memref<4x100x16xf32, #tpu.memory_space<vmem>>, vector<1x1x16xf32>,
      %get3A_697 = vector.shape_cast %get3A_696 : vector<1x1x16xf32> to vector<16xf32>
      %add3A_698 = arith.addf %add3A_682, %get3A_697 : vector<16xf32>
      %get3A_699 = arith.constant 0 : i32
      %get3A_700 = arith.constant 78 : i32
      %get3A_701 = arith.index_cast %get3A_699 : i32 to index
      %get3A_702 = arith.index_cast %get3A_700 : i32 to index
      %get3A_703 = arith.constant 0 : index
      %get3A_704 = tpu.vector_load %arg7[%get3A_701, %get3A_702, %get3A_703] {strides = array<i32>} : memref<4x100x16xf32, #tpu.memory_space<vmem>>, vector<1x1x16xf32>,
      %get3A_705 = vector.shape_cast %get3A_704 : vector<1x1x16xf32> to vector<16xf32>
      %add3A_706 = arith.addf %add3A_690, %get3A_705 : vector<16xf32>
      %get3A_707 = arith.constant 0 : i32
      %get3A_708 = arith.constant 79 : i32
      %get3A_709 = arith.index_cast %get3A_707 : i32 to index
      %get3A_710 = arith.index_cast %get3A_708 : i32 to index
      %get3A_711 = arith.constant 0 : index
      %get3A_712 = tpu.vector_load %arg7[%get3A_709, %get3A_710, %get3A_711] {strides = array<i32>} : memref<4x100x16xf32, #tpu.memory_space<vmem>>, vector<1x1x16xf32>,
      %get3A_713 = vector.shape_cast %get3A_712 : vector<1x1x16xf32> to vector<16xf32>
      %add3A_714 = arith.addf %add3A_698, %get3A_713 : vector<16xf32>
      %get3A_715 = arith.constant 0 : i32
      %get3A_716 = arith.constant 80 : i32
      %get3A_717 = arith.index_cast %get3A_715 : i32 to index
      %get3A_718 = arith.index_cast %get3A_716 : i32 to index
      %get3A_719 = arith.constant 0 : index
      %get3A_720 = tpu.vector_load %arg7[%get3A_717, %get3A_718, %get3A_719] {strides = array<i32>} : memref<4x100x16xf32, #tpu.memory_space<vmem>>, vector<1x1x16xf32>,
      %get3A_721 = vector.shape_cast %get3A_720 : vector<1x1x16xf32> to vector<16xf32>
      %add3A_722 = arith.addf %add3A_706, %get3A_721 : vector<16xf32>
      %get3A_723 = arith.constant 0 : i32
      %get3A_724 = arith.constant 81 : i32
      %get3A_725 = arith.index_cast %get3A_723 : i32 to index
      %get3A_726 = arith.index_cast %get3A_724 : i32 to index
      %get3A_727 = arith.constant 0 : index
      %get3A_728 = tpu.vector_load %arg7[%get3A_725, %get3A_726, %get3A_727] {strides = array<i32>} : memref<4x100x16xf32, #tpu.memory_space<vmem>>, vector<1x1x16xf32>,
      %get3A_729 = vector.shape_cast %get3A_728 : vector<1x1x16xf32> to vector<16xf32>
      %add3A_730 = arith.addf %add3A_714, %get3A_729 : vector<16xf32>
      %get3A_731 = arith.constant 0 : i32
      %get3A_732 = arith.constant 82 : i32
      %get3A_733 = arith.index_cast %get3A_731 : i32 to index
      %get3A_734 = arith.index_cast %get3A_732 : i32 to index
      %get3A_735 = arith.constant 0 : index
      %get3A_736 = tpu.vector_load %arg7[%get3A_733, %get3A_734, %get3A_735] {strides = array<i32>} : memref<4x100x16xf32, #tpu.memory_space<vmem>>, vector<1x1x16xf32>,
      %get3A_737 = vector.shape_cast %get3A_736 : vector<1x1x16xf32> to vector<16xf32>
      %add3A_738 = arith.addf %add3A_722, %get3A_737 : vector<16xf32>
      %get3A_739 = arith.constant 0 : i32
      %get3A_740 = arith.constant 83 : i32
      %get3A_741 = arith.index_cast %get3A_739 : i32 to index
      %get3A_742 = arith.index_cast %get3A_740 : i32 to index
      %get3A_743 = arith.constant 0 : index
      %get3A_744 = tpu.vector_load %arg7[%get3A_741, %get3A_742, %get3A_743] {strides = array<i32>} : memref<4x100x16xf32, #tpu.memory_space<vmem>>, vector<1x1x16xf32>,
      %get3A_745 = vector.shape_cast %get3A_744 : vector<1x1x16xf32> to vector<16xf32>
      %add3A_746 = arith.addf %add3A_730, %get3A_745 : vector<16xf32>
      %get3A_747 = arith.constant 0 : i32
      %get3A_748 = arith.constant 84 : i32
      %get3A_749 = arith.index_cast %get3A_747 : i32 to index
      %get3A_750 = arith.index_cast %get3A_748 : i32 to index
      %get3A_751 = arith.constant 0 : index
      %get3A_752 = tpu.vector_load %arg7[%get3A_749, %get3A_750, %get3A_751] {strides = array<i32>} : memref<4x100x16xf32, #tpu.memory_space<vmem>>, vector<1x1x16xf32>,
      %get3A_753 = vector.shape_cast %get3A_752 : vector<1x1x16xf32> to vector<16xf32>
      %add3A_754 = arith.addf %add3A_738, %get3A_753 : vector<16xf32>
      %get3A_755 = arith.constant 0 : i32
      %get3A_756 = arith.constant 85 : i32
      %get3A_757 = arith.index_cast %get3A_755 : i32 to index
      %get3A_758 = arith.index_cast %get3A_756 : i32 to index
      %get3A_759 = arith.constant 0 : index
      %get3A_760 = tpu.vector_load %arg7[%get3A_757, %get3A_758, %get3A_759] {strides = array<i32>} : memref<4x100x16xf32, #tpu.memory_space<vmem>>, vector<1x1x16xf32>,
      %get3A_761 = vector.shape_cast %get3A_760 : vector<1x1x16xf32> to vector<16xf32>
      %add3A_762 = arith.addf %add3A_746, %get3A_761 : vector<16xf32>
      %get3A_763 = arith.constant 0 : i32
      %get3A_764 = arith.constant 86 : i32
      %get3A_765 = arith.index_cast %get3A_763 : i32 to index
      %get3A_766 = arith.index_cast %get3A_764 : i32 to index
      %get3A_767 = arith.constant 0 : index
      %get3A_768 = tpu.vector_load %arg7[%get3A_765, %get3A_766, %get3A_767] {strides = array<i32>} : memref<4x100x16xf32, #tpu.memory_space<vmem>>, vector<1x1x16xf32>,
      %get3A_769 = vector.shape_cast %get3A_768 : vector<1x1x16xf32> to vector<16xf32>
      %add3A_770 = arith.addf %add3A_754, %get3A_769 : vector<16xf32>
      %get3A_771 = arith.constant 0 : i32
      %get3A_772 = arith.constant 87 : i32
      %get3A_773 = arith.index_cast %get3A_771 : i32 to index
      %get3A_774 = arith.index_cast %get3A_772 : i32 to index
      %get3A_775 = arith.constant 0 : index
      %get3A_776 = tpu.vector_load %arg7[%get3A_773, %get3A_774, %get3A_775] {strides = array<i32>} : memref<4x100x16xf32, #tpu.memory_space<vmem>>, vector<1x1x16xf32>,
      %get3A_777 = vector.shape_cast %get3A_776 : vector<1x1x16xf32> to vector<16xf32>
      %add3A_778 = arith.addf %add3A_762, %get3A_777 : vector<16xf32>
      %get3A_779 = arith.constant 0 : i32
      %get3A_780 = arith.constant 88 : i32
      %get3A_781 = arith.index_cast %get3A_779 : i32 to index
      %get3A_782 = arith.index_cast %get3A_780 : i32 to index
      %get3A_783 = arith.constant 0 : index
      %get3A_784 = tpu.vector_load %arg7[%get3A_781, %get3A_782, %get3A_783] {strides = array<i32>} : memref<4x100x16xf32, #tpu.memory_space<vmem>>, vector<1x1x16xf32>,
      %get3A_785 = vector.shape_cast %get3A_784 : vector<1x1x16xf32> to vector<16xf32>
      %add3A_786 = arith.addf %add3A_770, %get3A_785 : vector<16xf32>
      %get3A_787 = arith.constant 0 : i32
      %get3A_788 = arith.constant 89 : i32
      %get3A_789 = arith.index_cast %get3A_787 : i32 to index
      %get3A_790 = arith.index_cast %get3A_788 : i32 to index
      %get3A_791 = arith.constant 0 : index
      %get3A_792 = tpu.vector_load %arg7[%get3A_789, %get3A_790, %get3A_791] {strides = array<i32>} : memref<4x100x16xf32, #tpu.memory_space<vmem>>, vector<1x1x16xf32>,
      %get3A_793 = vector.shape_cast %get3A_792 : vector<1x1x16xf32> to vector<16xf32>
      %add3A_794 = arith.addf %add3A_778, %get3A_793 : vector<16xf32>
      %get3A_795 = arith.constant 0 : i32
      %get3A_796 = arith.constant 90 : i32
      %get3A_797 = arith.index_cast %get3A_795 : i32 to index
      %get3A_798 = arith.index_cast %get3A_796 : i32 to index
      %get3A_799 = arith.constant 0 : index
      %get3A_800 = tpu.vector_load %arg7[%get3A_797, %get3A_798, %get3A_799] {strides = array<i32>} : memref<4x100x16xf32, #tpu.memory_space<vmem>>, vector<1x1x16xf32>,
      %get3A_801 = vector.shape_cast %get3A_800 : vector<1x1x16xf32> to vector<16xf32>
      %add3A_802 = arith.addf %add3A_786, %get3A_801 : vector<16xf32>
      %get3A_803 = arith.constant 0 : i32
      %get3A_804 = arith.constant 91 : i32
      %get3A_805 = arith.index_cast %get3A_803 : i32 to index
      %get3A_806 = arith.index_cast %get3A_804 : i32 to index
      %get3A_807 = arith.constant 0 : index
      %get3A_808 = tpu.vector_load %arg7[%get3A_805, %get3A_806, %get3A_807] {strides = array<i32>} : memref<4x100x16xf32, #tpu.memory_space<vmem>>, vector<1x1x16xf32>,
      %get3A_809 = vector.shape_cast %get3A_808 : vector<1x1x16xf32> to vector<16xf32>
      %add3A_810 = arith.addf %add3A_794, %get3A_809 : vector<16xf32>
      %get3A_811 = arith.constant 0 : i32
      %get3A_812 = arith.constant 92 : i32
      %get3A_813 = arith.index_cast %get3A_811 : i32 to index
      %get3A_814 = arith.index_cast %get3A_812 : i32 to index
      %get3A_815 = arith.constant 0 : index
      %get3A_816 = tpu.vector_load %arg7[%get3A_813, %get3A_814, %get3A_815] {strides = array<i32>} : memref<4x100x16xf32, #tpu.memory_space<vmem>>, vector<1x1x16xf32>,
      %get3A_817 = vector.shape_cast %get3A_816 : vector<1x1x16xf32> to vector<16xf32>
      %add3A_818 = arith.addf %add3A_802, %get3A_817 : vector<16xf32>
      %get3A_819 = arith.constant 0 : i32
      %get3A_820 = arith.constant 93 : i32
      %get3A_821 = arith.index_cast %get3A_819 : i32 to index
      %get3A_822 = arith.index_cast %get3A_820 : i32 to index
      %get3A_823 = arith.constant 0 : index
      %get3A_824 = tpu.vector_load %arg7[%get3A_821, %get3A_822, %get3A_823] {strides = array<i32>} : memref<4x100x16xf32, #tpu.memory_space<vmem>>, vector<1x1x16xf32>,
      %get3A_825 = vector.shape_cast %get3A_824 : vector<1x1x16xf32> to vector<16xf32>
      %add3A_826 = arith.addf %add3A_810, %get3A_825 : vector<16xf32>
      %get3A_827 = arith.constant 0 : i32
      %get3A_828 = arith.constant 94 : i32
      %get3A_829 = arith.index_cast %get3A_827 : i32 to index
      %get3A_830 = arith.index_cast %get3A_828 : i32 to index
      %get3A_831 = arith.constant 0 : index
      %get3A_832 = tpu.vector_load %arg7[%get3A_829, %get3A_830, %get3A_831] {strides = array<i32>} : memref<4x100x16xf32, #tpu.memory_space<vmem>>, vector<1x1x16xf32>,
      %get3A_833 = vector.shape_cast %get3A_832 : vector<1x1x16xf32> to vector<16xf32>
      %add3A_834 = arith.addf %add3A_818, %get3A_833 : vector<16xf32>
      %get3A_835 = arith.constant 0 : i32
      %get3A_836 = arith.constant 95 : i32
      %get3A_837 = arith.index_cast %get3A_835 : i32 to index
      %get3A_838 = arith.index_cast %get3A_836 : i32 to index
      %get3A_839 = arith.constant 0 : index
      %get3A_840 = tpu.vector_load %arg7[%get3A_837, %get3A_838, %get3A_839] {strides = array<i32>} : memref<4x100x16xf32, #tpu.memory_space<vmem>>, vector<1x1x16xf32>,
      %get3A_841 = vector.shape_cast %get3A_840 : vector<1x1x16xf32> to vector<16xf32>
      %add3A_842 = arith.addf %add3A_826, %get3A_841 : vector<16xf32>
      %get3A_843 = arith.constant 0 : i32
      %get3A_844 = arith.constant 96 : i32
      %get3A_845 = arith.index_cast %get3A_843 : i32 to index
      %get3A_846 = arith.index_cast %get3A_844 : i32 to index
      %get3A_847 = arith.constant 0 : index
      %get3A_848 = tpu.vector_load %arg7[%get3A_845, %get3A_846, %get3A_847] {strides = array<i32>} : memref<4x100x16xf32, #tpu.memory_space<vmem>>, vector<1x1x16xf32>,
      %get3A_849 = vector.shape_cast %get3A_848 : vector<1x1x16xf32> to vector<16xf32>
      %add3A_850 = arith.addf %add3A_834, %get3A_849 : vector<16xf32>
      %get3A_851 = arith.constant 0 : i32
      %get3A_852 = arith.constant 97 : i32
      %get3A_853 = arith.index_cast %get3A_851 : i32 to index
      %get3A_854 = arith.index_cast %get3A_852 : i32 to index
      %get3A_855 = arith.constant 0 : index
      %get3A_856 = tpu.vector_load %arg7[%get3A_853, %get3A_854, %get3A_855] {strides = array<i32>} : memref<4x100x16xf32, #tpu.memory_space<vmem>>, vector<1x1x16xf32>,
      %get3A_857 = vector.shape_cast %get3A_856 : vector<1x1x16xf32> to vector<16xf32>
      %add3A_858 = arith.addf %add3A_842, %get3A_857 : vector<16xf32>
      %get3A_859 = arith.constant 0 : i32
      %get3A_860 = arith.constant 98 : i32
      %get3A_861 = arith.index_cast %get3A_859 : i32 to index
      %get3A_862 = arith.index_cast %get3A_860 : i32 to index
      %get3A_863 = arith.constant 0 : index
      %get3A_864 = tpu.vector_load %arg7[%get3A_861, %get3A_862, %get3A_863] {strides = array<i32>} : memref<4x100x16xf32, #tpu.memory_space<vmem>>, vector<1x1x16xf32>,
      %get3A_865 = vector.shape_cast %get3A_864 : vector<1x1x16xf32> to vector<16xf32>
      %add3A_866 = arith.addf %add3A_850, %get3A_865 : vector<16xf32>
      %get3A_867 = arith.constant 0 : i32
      %get3A_868 = arith.constant 99 : i32
      %get3A_869 = arith.index_cast %get3A_867 : i32 to index
      %get3A_870 = arith.index_cast %get3A_868 : i32 to index
      %get3A_871 = arith.constant 0 : index
      %get3A_872 = tpu.vector_load %arg7[%get3A_869, %get3A_870, %get3A_871] {strides = array<i32>} : memref<4x100x16xf32, #tpu.memory_space<vmem>>, vector<1x1x16xf32>,
      %get3A_873 = vector.shape_cast %get3A_872 : vector<1x1x16xf32> to vector<16xf32>
      %add3A_874 = arith.addf %add3A_858, %get3A_873 : vector<16xf32>
      %mul3A_875 = vector.broadcast %squeeze3A : f32 to vector<16xf32>
      %mul3A_876 = arith.mulf %add3A_866, %mul3A_875 : vector<16xf32>
      %swap3A = arith.index_cast %add3A_61 : i32 to index
      %swap3A_877 = arith.constant 0 : index
      %swap3A_878 = tpu.vector_load %arg8[%swap3A, %swap3A_877] {strides = array<i32>} : memref<128x32xf32, #tpu.memory_space<vmem>>, vector<1x16xf32>,
      %swap3A_879 = vector.shape_cast %swap3A_878 : vector<1x16xf32> to vector<16xf32>
      %swap3A_880 = vector.shape_cast %mul3A_876 : vector<16xf32> to vector<1x16xf32>
      tpu.vector_store %arg8[%swap3A, %swap3A_877], %swap3A_880 {strides = array<i32>} : memref<128x32xf32, #tpu.memory_space<vmem>>, vector<1x16xf32>,
      %mul3A_881 = vector.broadcast %squeeze3A : f32 to vector<16xf32>
      %mul3A_882 = arith.mulf %add3A_874, %mul3A_881 : vector<16xf32>
      %swap3A_883 = arith.index_cast %add3A_61 : i32 to index
      %swap3A_884 = arith.constant 16 : index
      %swap3A_885 = tpu.vector_load %arg8[%swap3A_883, %swap3A_884] {strides = array<i32>} : memref<128x32xf32, #tpu.memory_space<vmem>>, vector<1x16xf32>,
      %swap3A_886 = vector.shape_cast %swap3A_885 : vector<1x16xf32> to vector<16xf32>
      %swap3A_887 = vector.shape_cast %mul3A_882 : vector<16xf32> to vector<1x16xf32>
      tpu.vector_store %arg8[%swap3A_883, %swap3A_884], %swap3A_887 {strides = array<i32>} : memref<128x32xf32, #tpu.memory_space<vmem>>, vector<1x16xf32>,
      %lt3A = arith.constant 31 : i32
      %lt3A_888 = arith.cmpi slt, %scan3A_57, %lt3A : i32
      %convert_element_type3A = arith.extui %lt3A_888 : i1 to i32
      %cond3A = arith.constant 0 : i32
      %cond3A_889 = arith.cmpi ne, %convert_element_type3A, %cond3A : i32
      scf.if %cond3A_889 {
        %add3A_3404 = arith.constant 4 : i32
        %add3A_3405 = arith.addi %add3A_61, %add3A_3404 : i32
        %dma_start3A_3406 = arith.constant 0 : i32
        %dma_start3A_3407 = arith.constant 0 : i32
        %dma_start3A_3408 = arith.constant 0 : i32
        %dma_start3A_3409 = tpu.memref_slice %arg7[%dma_start3A_3406, %dma_start3A_3407, %dma_start3A_3408] : memref<4x100x16xf32, #tpu.memory_space<vmem>> -> memref<1x100x16xf32, #tpu.memory_space<vmem>>
        %dma_start3A_3410 = tpu.memref_squeeze %dma_start3A_3409 : memref<1x100x16xf32, #tpu.memory_space<vmem>> -> memref<100x16xf32, #tpu.memory_space<vmem>>
        %dma_start3A_3411 = arith.constant 0 : i32
        %dma_start3A_3412 = tpu.memref_slice %arg6[%add3A_3405, %dma_start3A_3411] : memref<128x100xi32, #tpu.memory_space<vmem>> -> memref<1x100xi32, #tpu.memory_space<vmem>>
        %dma_start3A_3413 = tpu.memref_squeeze %dma_start3A_3412 : memref<1x100xi32, #tpu.memory_space<vmem>> -> memref<100xi32, #tpu.memory_space<vmem>>
        %dma_start3A_3414 = arith.constant 0 : i32
        %dma_start3A_3415 = arith.constant 0 : i32
        %dma_start3A_3416 = tpu.memref_slice %arg3[%dma_start3A_3414, %dma_start3A_3415] : memref<2000000x16xf32, #tpu.memory_space<hbm>> -> memref<2000000x16xf32, #tpu.memory_space<hbm>>
        tpu.enqueue_indirect_dma source(%dma_start3A_3416 : memref<2000000x16xf32, #tpu.memory_space<hbm>>) target(%dma_start3A_3410 : memref<100x16xf32, #tpu.memory_space<vmem>>) offsets(%dma_start3A_3413 : memref<100xi32, #tpu.memory_space<vmem>>) semaphore(%arg9 : memref<!tpu.dma_semaphore, #tpu.memory_space<semaphore_mem>>)
      } else {
      }
      %mul3A_890 = arith.constant 4 : i32
      %mul3A_891 = arith.muli %scan3A_57, %mul3A_890 : i32
      %add3A_892 = arith.constant 1 : i32
      %add3A_893 = arith.addi %mul3A_891, %add3A_892 : i32
      %dma_wait3A_894 = arith.constant 1 : i32
      %dma_wait3A_895 = arith.constant 0 : i32
      %dma_wait3A_896 = arith.constant 0 : i32
      %dma_wait3A_897 = tpu.memref_slice %arg7[%dma_wait3A_894, %dma_wait3A_895, %dma_wait3A_896] : memref<4x100x16xf32, #tpu.memory_space<vmem>> -> memref<1x100x16xf32, #tpu.memory_space<vmem>>
      %dma_wait3A_898 = tpu.memref_squeeze %dma_wait3A_897 : memref<1x100x16xf32, #tpu.memory_space<vmem>> -> memref<100x16xf32, #tpu.memory_space<vmem>>
      %dma_wait3A_899 = arith.constant 0 : i32
      %dma_wait3A_900 = tpu.memref_slice %arg6[%add3A_893, %dma_wait3A_899] : memref<128x100xi32, #tpu.memory_space<vmem>> -> memref<1x100xi32, #tpu.memory_space<vmem>>
      %dma_wait3A_901 = tpu.memref_squeeze %dma_wait3A_900 : memref<1x100xi32, #tpu.memory_space<vmem>> -> memref<100xi32, #tpu.memory_space<vmem>>
      %dma_wait3A_902 = arith.constant 0 : i32
      %dma_wait3A_903 = arith.constant 0 : i32
      %dma_wait3A_904 = tpu.memref_slice %arg3[%dma_wait3A_902, %dma_wait3A_903] : memref<2000000x16xf32, #tpu.memory_space<hbm>> -> memref<2000000x16xf32, #tpu.memory_space<hbm>>
      tpu.wait_indirect_dma semaphore(%arg10 : memref<!tpu.dma_semaphore, #tpu.memory_space<semaphore_mem>>) src(%dma_wait3A_904 : memref<2000000x16xf32, #tpu.memory_space<hbm>>) dst(%dma_wait3A_898 : memref<100x16xf32, #tpu.memory_space<vmem>>)
      %broadcast_in_dim3A_905 = arith.constant 0.000000e+00 : f32
      %broadcast_in_dim3A_906 = vector.broadcast %broadcast_in_dim3A_905 : f32 to vector<16xf32>
      %broadcast_in_dim3A_907 = arith.constant 0.000000e+00 : f32
      %broadcast_in_dim3A_908 = vector.broadcast %broadcast_in_dim3A_907 : f32 to vector<16xf32>
      %get3A_909 = arith.constant 1 : i32
      %get3A_910 = arith.constant 0 : i32
      %get3A_911 = arith.index_cast %get3A_909 : i32 to index
      %get3A_912 = arith.index_cast %get3A_910 : i32 to index
      %get3A_913 = arith.constant 0 : index
      %get3A_914 = tpu.vector_load %arg7[%get3A_911, %get3A_912, %get3A_913] {strides = array<i32>} : memref<4x100x16xf32, #tpu.memory_space<vmem>>, vector<1x1x16xf32>,
      %get3A_915 = vector.shape_cast %get3A_914 : vector<1x1x16xf32> to vector<16xf32>
      %add3A_916 = arith.addf %broadcast_in_dim3A_906, %get3A_915 : vector<16xf32>
      %get3A_917 = arith.constant 1 : i32
      %get3A_918 = arith.constant 1 : i32
      %get3A_919 = arith.index_cast %get3A_917 : i32 to index
      %get3A_920 = arith.index_cast %get3A_918 : i32 to index
      %get3A_921 = arith.constant 0 : index
      %get3A_922 = tpu.vector_load %arg7[%get3A_919, %get3A_920, %get3A_921] {strides = array<i32>} : memref<4x100x16xf32, #tpu.memory_space<vmem>>, vector<1x1x16xf32>,
      %get3A_923 = vector.shape_cast %get3A_922 : vector<1x1x16xf32> to vector<16xf32>
      %add3A_924 = arith.addf %broadcast_in_dim3A_908, %get3A_923 : vector<16xf32>
      %get3A_925 = arith.constant 1 : i32
      %get3A_926 = arith.constant 2 : i32
      %get3A_927 = arith.index_cast %get3A_925 : i32 to index
      %get3A_928 = arith.index_cast %get3A_926 : i32 to index
      %get3A_929 = arith.constant 0 : index
      %get3A_930 = tpu.vector_load %arg7[%get3A_927, %get3A_928, %get3A_929] {strides = array<i32>} : memref<4x100x16xf32, #tpu.memory_space<vmem>>, vector<1x1x16xf32>,
      %get3A_931 = vector.shape_cast %get3A_930 : vector<1x1x16xf32> to vector<16xf32>
      %add3A_932 = arith.addf %add3A_916, %get3A_931 : vector<16xf32>
      %get3A_933 = arith.constant 1 : i32
      %get3A_934 = arith.constant 3 : i32
      %get3A_935 = arith.index_cast %get3A_933 : i32 to index
      %get3A_936 = arith.index_cast %get3A_934 : i32 to index
      %get3A_937 = arith.constant 0 : index
      %get3A_938 = tpu.vector_load %arg7[%get3A_935, %get3A_936, %get3A_937] {strides = array<i32>} : memref<4x100x16xf32, #tpu.memory_space<vmem>>, vector<1x1x16xf32>,
      %get3A_939 = vector.shape_cast %get3A_938 : vector<1x1x16xf32> to vector<16xf32>
      %add3A_940 = arith.addf %add3A_924, %get3A_939 : vector<16xf32>
      %get3A_941 = arith.constant 1 : i32
      %get3A_942 = arith.constant 4 : i32
      %get3A_943 = arith.index_cast %get3A_941 : i32 to index
      %get3A_944 = arith.index_cast %get3A_942 : i32 to index
      %get3A_945 = arith.constant 0 : index
      %get3A_946 = tpu.vector_load %arg7[%get3A_943, %get3A_944, %get3A_945] {strides = array<i32>} : memref<4x100x16xf32, #tpu.memory_space<vmem>>, vector<1x1x16xf32>,
      %get3A_947 = vector.shape_cast %get3A_946 : vector<1x1x16xf32> to vector<16xf32>
      %add3A_948 = arith.addf %add3A_932, %get3A_947 : vector<16xf32>
      %get3A_949 = arith.constant 1 : i32
      %get3A_950 = arith.constant 5 : i32
      %get3A_951 = arith.index_cast %get3A_949 : i32 to index
      %get3A_952 = arith.index_cast %get3A_950 : i32 to index
      %get3A_953 = arith.constant 0 : index
      %get3A_954 = tpu.vector_load %arg7[%get3A_951, %get3A_952, %get3A_953] {strides = array<i32>} : memref<4x100x16xf32, #tpu.memory_space<vmem>>, vector<1x1x16xf32>,
      %get3A_955 = vector.shape_cast %get3A_954 : vector<1x1x16xf32> to vector<16xf32>
      %add3A_956 = arith.addf %add3A_940, %get3A_955 : vector<16xf32>
      %get3A_957 = arith.constant 1 : i32
      %get3A_958 = arith.constant 6 : i32
      %get3A_959 = arith.index_cast %get3A_957 : i32 to index
      %get3A_960 = arith.index_cast %get3A_958 : i32 to index
      %get3A_961 = arith.constant 0 : index
      %get3A_962 = tpu.vector_load %arg7[%get3A_959, %get3A_960, %get3A_961] {strides = array<i32>} : memref<4x100x16xf32, #tpu.memory_space<vmem>>, vector<1x1x16xf32>,
      %get3A_963 = vector.shape_cast %get3A_962 : vector<1x1x16xf32> to vector<16xf32>
      %add3A_964 = arith.addf %add3A_948, %get3A_963 : vector<16xf32>
      %get3A_965 = arith.constant 1 : i32
      %get3A_966 = arith.constant 7 : i32
      %get3A_967 = arith.index_cast %get3A_965 : i32 to index
      %get3A_968 = arith.index_cast %get3A_966 : i32 to index
      %get3A_969 = arith.constant 0 : index
      %get3A_970 = tpu.vector_load %arg7[%get3A_967, %get3A_968, %get3A_969] {strides = array<i32>} : memref<4x100x16xf32, #tpu.memory_space<vmem>>, vector<1x1x16xf32>,
      %get3A_971 = vector.shape_cast %get3A_970 : vector<1x1x16xf32> to vector<16xf32>
      %add3A_972 = arith.addf %add3A_956, %get3A_971 : vector<16xf32>
      %get3A_973 = arith.constant 1 : i32
      %get3A_974 = arith.constant 8 : i32
      %get3A_975 = arith.index_cast %get3A_973 : i32 to index
      %get3A_976 = arith.index_cast %get3A_974 : i32 to index
      %get3A_977 = arith.constant 0 : index
      %get3A_978 = tpu.vector_load %arg7[%get3A_975, %get3A_976, %get3A_977] {strides = array<i32>} : memref<4x100x16xf32, #tpu.memory_space<vmem>>, vector<1x1x16xf32>,
      %get3A_979 = vector.shape_cast %get3A_978 : vector<1x1x16xf32> to vector<16xf32>
      %add3A_980 = arith.addf %add3A_964, %get3A_979 : vector<16xf32>
      %get3A_981 = arith.constant 1 : i32
      %get3A_982 = arith.constant 9 : i32
      %get3A_983 = arith.index_cast %get3A_981 : i32 to index
      %get3A_984 = arith.index_cast %get3A_982 : i32 to index
      %get3A_985 = arith.constant 0 : index
      %get3A_986 = tpu.vector_load %arg7[%get3A_983, %get3A_984, %get3A_985] {strides = array<i32>} : memref<4x100x16xf32, #tpu.memory_space<vmem>>, vector<1x1x16xf32>,
      %get3A_987 = vector.shape_cast %get3A_986 : vector<1x1x16xf32> to vector<16xf32>
      %add3A_988 = arith.addf %add3A_972, %get3A_987 : vector<16xf32>
      %get3A_989 = arith.constant 1 : i32
      %get3A_990 = arith.constant 10 : i32
      %get3A_991 = arith.index_cast %get3A_989 : i32 to index
      %get3A_992 = arith.index_cast %get3A_990 : i32 to index
      %get3A_993 = arith.constant 0 : index
      %get3A_994 = tpu.vector_load %arg7[%get3A_991, %get3A_992, %get3A_993] {strides = array<i32>} : memref<4x100x16xf32, #tpu.memory_space<vmem>>, vector<1x1x16xf32>,
      %get3A_995 = vector.shape_cast %get3A_994 : vector<1x1x16xf32> to vector<16xf32>
      %add3A_996 = arith.addf %add3A_980, %get3A_995 : vector<16xf32>
      %get3A_997 = arith.constant 1 : i32
      %get3A_998 = arith.constant 11 : i32
      %get3A_999 = arith.index_cast %get3A_997 : i32 to index
      %get3A_1000 = arith.index_cast %get3A_998 : i32 to index
      %get3A_1001 = arith.constant 0 : index
      %get3A_1002 = tpu.vector_load %arg7[%get3A_999, %get3A_1000, %get3A_1001] {strides = array<i32>} : memref<4x100x16xf32, #tpu.memory_space<vmem>>, vector<1x1x16xf32>,
      %get3A_1003 = vector.shape_cast %get3A_1002 : vector<1x1x16xf32> to vector<16xf32>
      %add3A_1004 = arith.addf %add3A_988, %get3A_1003 : vector<16xf32>
      %get3A_1005 = arith.constant 1 : i32
      %get3A_1006 = arith.constant 12 : i32
      %get3A_1007 = arith.index_cast %get3A_1005 : i32 to index
      %get3A_1008 = arith.index_cast %get3A_1006 : i32 to index
      %get3A_1009 = arith.constant 0 : index
      %get3A_1010 = tpu.vector_load %arg7[%get3A_1007, %get3A_1008, %get3A_1009] {strides = array<i32>} : memref<4x100x16xf32, #tpu.memory_space<vmem>>, vector<1x1x16xf32>,
      %get3A_1011 = vector.shape_cast %get3A_1010 : vector<1x1x16xf32> to vector<16xf32>
      %add3A_1012 = arith.addf %add3A_996, %get3A_1011 : vector<16xf32>
      %get3A_1013 = arith.constant 1 : i32
      %get3A_1014 = arith.constant 13 : i32
      %get3A_1015 = arith.index_cast %get3A_1013 : i32 to index
      %get3A_1016 = arith.index_cast %get3A_1014 : i32 to index
      %get3A_1017 = arith.constant 0 : index
      %get3A_1018 = tpu.vector_load %arg7[%get3A_1015, %get3A_1016, %get3A_1017] {strides = array<i32>} : memref<4x100x16xf32, #tpu.memory_space<vmem>>, vector<1x1x16xf32>,
      %get3A_1019 = vector.shape_cast %get3A_1018 : vector<1x1x16xf32> to vector<16xf32>
      %add3A_1020 = arith.addf %add3A_1004, %get3A_1019 : vector<16xf32>
      %get3A_1021 = arith.constant 1 : i32
      %get3A_1022 = arith.constant 14 : i32
      %get3A_1023 = arith.index_cast %get3A_1021 : i32 to index
      %get3A_1024 = arith.index_cast %get3A_1022 : i32 to index
      %get3A_1025 = arith.constant 0 : index
      %get3A_1026 = tpu.vector_load %arg7[%get3A_1023, %get3A_1024, %get3A_1025] {strides = array<i32>} : memref<4x100x16xf32, #tpu.memory_space<vmem>>, vector<1x1x16xf32>,
      %get3A_1027 = vector.shape_cast %get3A_1026 : vector<1x1x16xf32> to vector<16xf32>
      %add3A_1028 = arith.addf %add3A_1012, %get3A_1027 : vector<16xf32>
      %get3A_1029 = arith.constant 1 : i32
      %get3A_1030 = arith.constant 15 : i32
      %get3A_1031 = arith.index_cast %get3A_1029 : i32 to index
      %get3A_1032 = arith.index_cast %get3A_1030 : i32 to index
      %get3A_1033 = arith.constant 0 : index
      %get3A_1034 = tpu.vector_load %arg7[%get3A_1031, %get3A_1032, %get3A_1033] {strides = array<i32>} : memref<4x100x16xf32, #tpu.memory_space<vmem>>, vector<1x1x16xf32>,
      %get3A_1035 = vector.shape_cast %get3A_1034 : vector<1x1x16xf32> to vector<16xf32>
      %add3A_1036 = arith.addf %add3A_1020, %get3A_1035 : vector<16xf32>
      %get3A_1037 = arith.constant 1 : i32
      %get3A_1038 = arith.constant 16 : i32
      %get3A_1039 = arith.index_cast %get3A_1037 : i32 to index
      %get3A_1040 = arith.index_cast %get3A_1038 : i32 to index
      %get3A_1041 = arith.constant 0 : index
      %get3A_1042 = tpu.vector_load %arg7[%get3A_1039, %get3A_1040, %get3A_1041] {strides = array<i32>} : memref<4x100x16xf32, #tpu.memory_space<vmem>>, vector<1x1x16xf32>,
      %get3A_1043 = vector.shape_cast %get3A_1042 : vector<1x1x16xf32> to vector<16xf32>
      %add3A_1044 = arith.addf %add3A_1028, %get3A_1043 : vector<16xf32>
      %get3A_1045 = arith.constant 1 : i32
      %get3A_1046 = arith.constant 17 : i32
      %get3A_1047 = arith.index_cast %get3A_1045 : i32 to index
      %get3A_1048 = arith.index_cast %get3A_1046 : i32 to index
      %get3A_1049 = arith.constant 0 : index
      %get3A_1050 = tpu.vector_load %arg7[%get3A_1047, %get3A_1048, %get3A_1049] {strides = array<i32>} : memref<4x100x16xf32, #tpu.memory_space<vmem>>, vector<1x1x16xf32>,
      %get3A_1051 = vector.shape_cast %get3A_1050 : vector<1x1x16xf32> to vector<16xf32>
      %add3A_1052 = arith.addf %add3A_1036, %get3A_1051 : vector<16xf32>
      %get3A_1053 = arith.constant 1 : i32
      %get3A_1054 = arith.constant 18 : i32
      %get3A_1055 = arith.index_cast %get3A_1053 : i32 to index
      %get3A_1056 = arith.index_cast %get3A_1054 : i32 to index
      %get3A_1057 = arith.constant 0 : index
      %get3A_1058 = tpu.vector_load %arg7[%get3A_1055, %get3A_1056, %get3A_1057] {strides = array<i32>} : memref<4x100x16xf32, #tpu.memory_space<vmem>>, vector<1x1x16xf32>,
      %get3A_1059 = vector.shape_cast %get3A_1058 : vector<1x1x16xf32> to vector<16xf32>
      %add3A_1060 = arith.addf %add3A_1044, %get3A_1059 : vector<16xf32>
      %get3A_1061 = arith.constant 1 : i32
      %get3A_1062 = arith.constant 19 : i32
      %get3A_1063 = arith.index_cast %get3A_1061 : i32 to index
      %get3A_1064 = arith.index_cast %get3A_1062 : i32 to index
      %get3A_1065 = arith.constant 0 : index
      %get3A_1066 = tpu.vector_load %arg7[%get3A_1063, %get3A_1064, %get3A_1065] {strides = array<i32>} : memref<4x100x16xf32, #tpu.memory_space<vmem>>, vector<1x1x16xf32>,
      %get3A_1067 = vector.shape_cast %get3A_1066 : vector<1x1x16xf32> to vector<16xf32>
      %add3A_1068 = arith.addf %add3A_1052, %get3A_1067 : vector<16xf32>
      %get3A_1069 = arith.constant 1 : i32
      %get3A_1070 = arith.constant 20 : i32
      %get3A_1071 = arith.index_cast %get3A_1069 : i32 to index
      %get3A_1072 = arith.index_cast %get3A_1070 : i32 to index
      %get3A_1073 = arith.constant 0 : index
      %get3A_1074 = tpu.vector_load %arg7[%get3A_1071, %get3A_1072, %get3A_1073] {strides = array<i32>} : memref<4x100x16xf32, #tpu.memory_space<vmem>>, vector<1x1x16xf32>,
      %get3A_1075 = vector.shape_cast %get3A_1074 : vector<1x1x16xf32> to vector<16xf32>
      %add3A_1076 = arith.addf %add3A_1060, %get3A_1075 : vector<16xf32>
      %get3A_1077 = arith.constant 1 : i32
      %get3A_1078 = arith.constant 21 : i32
      %get3A_1079 = arith.index_cast %get3A_1077 : i32 to index
      %get3A_1080 = arith.index_cast %get3A_1078 : i32 to index
      %get3A_1081 = arith.constant 0 : index
      %get3A_1082 = tpu.vector_load %arg7[%get3A_1079, %get3A_1080, %get3A_1081] {strides = array<i32>} : memref<4x100x16xf32, #tpu.memory_space<vmem>>, vector<1x1x16xf32>,
      %get3A_1083 = vector.shape_cast %get3A_1082 : vector<1x1x16xf32> to vector<16xf32>
      %add3A_1084 = arith.addf %add3A_1068, %get3A_1083 : vector<16xf32>
      %get3A_1085 = arith.constant 1 : i32
      %get3A_1086 = arith.constant 22 : i32
      %get3A_1087 = arith.index_cast %get3A_1085 : i32 to index
      %get3A_1088 = arith.index_cast %get3A_1086 : i32 to index
      %get3A_1089 = arith.constant 0 : index
      %get3A_1090 = tpu.vector_load %arg7[%get3A_1087, %get3A_1088, %get3A_1089] {strides = array<i32>} : memref<4x100x16xf32, #tpu.memory_space<vmem>>, vector<1x1x16xf32>,
      %get3A_1091 = vector.shape_cast %get3A_1090 : vector<1x1x16xf32> to vector<16xf32>
      %add3A_1092 = arith.addf %add3A_1076, %get3A_1091 : vector<16xf32>
      %get3A_1093 = arith.constant 1 : i32
      %get3A_1094 = arith.constant 23 : i32
      %get3A_1095 = arith.index_cast %get3A_1093 : i32 to index
      %get3A_1096 = arith.index_cast %get3A_1094 : i32 to index
      %get3A_1097 = arith.constant 0 : index
      %get3A_1098 = tpu.vector_load %arg7[%get3A_1095, %get3A_1096, %get3A_1097] {strides = array<i32>} : memref<4x100x16xf32, #tpu.memory_space<vmem>>, vector<1x1x16xf32>,
      %get3A_1099 = vector.shape_cast %get3A_1098 : vector<1x1x16xf32> to vector<16xf32>
      %add3A_1100 = arith.addf %add3A_1084, %get3A_1099 : vector<16xf32>
      %get3A_1101 = arith.constant 1 : i32
      %get3A_1102 = arith.constant 24 : i32
      %get3A_1103 = arith.index_cast %get3A_1101 : i32 to index
      %get3A_1104 = arith.index_cast %get3A_1102 : i32 to index
      %get3A_1105 = arith.constant 0 : index
      %get3A_1106 = tpu.vector_load %arg7[%get3A_1103, %get3A_1104, %get3A_1105] {strides = array<i32>} : memref<4x100x16xf32, #tpu.memory_space<vmem>>, vector<1x1x16xf32>,
      %get3A_1107 = vector.shape_cast %get3A_1106 : vector<1x1x16xf32> to vector<16xf32>
      %add3A_1108 = arith.addf %add3A_1092, %get3A_1107 : vector<16xf32>
      %get3A_1109 = arith.constant 1 : i32
      %get3A_1110 = arith.constant 25 : i32
      %get3A_1111 = arith.index_cast %get3A_1109 : i32 to index
      %get3A_1112 = arith.index_cast %get3A_1110 : i32 to index
      %get3A_1113 = arith.constant 0 : index
      %get3A_1114 = tpu.vector_load %arg7[%get3A_1111, %get3A_1112, %get3A_1113] {strides = array<i32>} : memref<4x100x16xf32, #tpu.memory_space<vmem>>, vector<1x1x16xf32>,
      %get3A_1115 = vector.shape_cast %get3A_1114 : vector<1x1x16xf32> to vector<16xf32>
      %add3A_1116 = arith.addf %add3A_1100, %get3A_1115 : vector<16xf32>
      %get3A_1117 = arith.constant 1 : i32
      %get3A_1118 = arith.constant 26 : i32
      %get3A_1119 = arith.index_cast %get3A_1117 : i32 to index
      %get3A_1120 = arith.index_cast %get3A_1118 : i32 to index
      %get3A_1121 = arith.constant 0 : index
      %get3A_1122 = tpu.vector_load %arg7[%get3A_1119, %get3A_1120, %get3A_1121] {strides = array<i32>} : memref<4x100x16xf32, #tpu.memory_space<vmem>>, vector<1x1x16xf32>,
      %get3A_1123 = vector.shape_cast %get3A_1122 : vector<1x1x16xf32> to vector<16xf32>
      %add3A_1124 = arith.addf %add3A_1108, %get3A_1123 : vector<16xf32>
      %get3A_1125 = arith.constant 1 : i32
      %get3A_1126 = arith.constant 27 : i32
      %get3A_1127 = arith.index_cast %get3A_1125 : i32 to index
      %get3A_1128 = arith.index_cast %get3A_1126 : i32 to index
      %get3A_1129 = arith.constant 0 : index
      %get3A_1130 = tpu.vector_load %arg7[%get3A_1127, %get3A_1128, %get3A_1129] {strides = array<i32>} : memref<4x100x16xf32, #tpu.memory_space<vmem>>, vector<1x1x16xf32>,
      %get3A_1131 = vector.shape_cast %get3A_1130 : vector<1x1x16xf32> to vector<16xf32>
      %add3A_1132 = arith.addf %add3A_1116, %get3A_1131 : vector<16xf32>
      %get3A_1133 = arith.constant 1 : i32
      %get3A_1134 = arith.constant 28 : i32
      %get3A_1135 = arith.index_cast %get3A_1133 : i32 to index
      %get3A_1136 = arith.index_cast %get3A_1134 : i32 to index
      %get3A_1137 = arith.constant 0 : index
      %get3A_1138 = tpu.vector_load %arg7[%get3A_1135, %get3A_1136, %get3A_1137] {strides = array<i32>} : memref<4x100x16xf32, #tpu.memory_space<vmem>>, vector<1x1x16xf32>,
      %get3A_1139 = vector.shape_cast %get3A_1138 : vector<1x1x16xf32> to vector<16xf32>
      %add3A_1140 = arith.addf %add3A_1124, %get3A_1139 : vector<16xf32>
      %get3A_1141 = arith.constant 1 : i32
      %get3A_1142 = arith.constant 29 : i32
      %get3A_1143 = arith.index_cast %get3A_1141 : i32 to index
      %get3A_1144 = arith.index_cast %get3A_1142 : i32 to index
      %get3A_1145 = arith.constant 0 : index
      %get3A_1146 = tpu.vector_load %arg7[%get3A_1143, %get3A_1144, %get3A_1145] {strides = array<i32>} : memref<4x100x16xf32, #tpu.memory_space<vmem>>, vector<1x1x16xf32>,
      %get3A_1147 = vector.shape_cast %get3A_1146 : vector<1x1x16xf32> to vector<16xf32>
      %add3A_1148 = arith.addf %add3A_1132, %get3A_1147 : vector<16xf32>
      %get3A_1149 = arith.constant 1 : i32
      %get3A_1150 = arith.constant 30 : i32
      %get3A_1151 = arith.index_cast %get3A_1149 : i32 to index
      %get3A_1152 = arith.index_cast %get3A_1150 : i32 to index
      %get3A_1153 = arith.constant 0 : index
      %get3A_1154 = tpu.vector_load %arg7[%get3A_1151, %get3A_1152, %get3A_1153] {strides = array<i32>} : memref<4x100x16xf32, #tpu.memory_space<vmem>>, vector<1x1x16xf32>,
      %get3A_1155 = vector.shape_cast %get3A_1154 : vector<1x1x16xf32> to vector<16xf32>
      %add3A_1156 = arith.addf %add3A_1140, %get3A_1155 : vector<16xf32>
      %get3A_1157 = arith.constant 1 : i32
      %get3A_1158 = arith.constant 31 : i32
      %get3A_1159 = arith.index_cast %get3A_1157 : i32 to index
      %get3A_1160 = arith.index_cast %get3A_1158 : i32 to index
      %get3A_1161 = arith.constant 0 : index
      %get3A_1162 = tpu.vector_load %arg7[%get3A_1159, %get3A_1160, %get3A_1161] {strides = array<i32>} : memref<4x100x16xf32, #tpu.memory_space<vmem>>, vector<1x1x16xf32>,
      %get3A_1163 = vector.shape_cast %get3A_1162 : vector<1x1x16xf32> to vector<16xf32>
      %add3A_1164 = arith.addf %add3A_1148, %get3A_1163 : vector<16xf32>
      %get3A_1165 = arith.constant 1 : i32
      %get3A_1166 = arith.constant 32 : i32
      %get3A_1167 = arith.index_cast %get3A_1165 : i32 to index
      %get3A_1168 = arith.index_cast %get3A_1166 : i32 to index
      %get3A_1169 = arith.constant 0 : index
      %get3A_1170 = tpu.vector_load %arg7[%get3A_1167, %get3A_1168, %get3A_1169] {strides = array<i32>} : memref<4x100x16xf32, #tpu.memory_space<vmem>>, vector<1x1x16xf32>,
      %get3A_1171 = vector.shape_cast %get3A_1170 : vector<1x1x16xf32> to vector<16xf32>
      %add3A_1172 = arith.addf %add3A_1156, %get3A_1171 : vector<16xf32>
      %get3A_1173 = arith.constant 1 : i32
      %get3A_1174 = arith.constant 33 : i32
      %get3A_1175 = arith.index_cast %get3A_1173 : i32 to index
      %get3A_1176 = arith.index_cast %get3A_1174 : i32 to index
      %get3A_1177 = arith.constant 0 : index
      %get3A_1178 = tpu.vector_load %arg7[%get3A_1175, %get3A_1176, %get3A_1177] {strides = array<i32>} : memref<4x100x16xf32, #tpu.memory_space<vmem>>, vector<1x1x16xf32>,
      %get3A_1179 = vector.shape_cast %get3A_1178 : vector<1x1x16xf32> to vector<16xf32>
      %add3A_1180 = arith.addf %add3A_1164, %get3A_1179 : vector<16xf32>
      %get3A_1181 = arith.constant 1 : i32
      %get3A_1182 = arith.constant 34 : i32
      %get3A_1183 = arith.index_cast %get3A_1181 : i32 to index
      %get3A_1184 = arith.index_cast %get3A_1182 : i32 to index
      %get3A_1185 = arith.constant 0 : index
      %get3A_1186 = tpu.vector_load %arg7[%get3A_1183, %get3A_1184, %get3A_1185] {strides = array<i32>} : memref<4x100x16xf32, #tpu.memory_space<vmem>>, vector<1x1x16xf32>,
      %get3A_1187 = vector.shape_cast %get3A_1186 : vector<1x1x16xf32> to vector<16xf32>
      %add3A_1188 = arith.addf %add3A_1172, %get3A_1187 : vector<16xf32>
      %get3A_1189 = arith.constant 1 : i32
      %get3A_1190 = arith.constant 35 : i32
      %get3A_1191 = arith.index_cast %get3A_1189 : i32 to index
      %get3A_1192 = arith.index_cast %get3A_1190 : i32 to index
      %get3A_1193 = arith.constant 0 : index
      %get3A_1194 = tpu.vector_load %arg7[%get3A_1191, %get3A_1192, %get3A_1193] {strides = array<i32>} : memref<4x100x16xf32, #tpu.memory_space<vmem>>, vector<1x1x16xf32>,
      %get3A_1195 = vector.shape_cast %get3A_1194 : vector<1x1x16xf32> to vector<16xf32>
      %add3A_1196 = arith.addf %add3A_1180, %get3A_1195 : vector<16xf32>
      %get3A_1197 = arith.constant 1 : i32
      %get3A_1198 = arith.constant 36 : i32
      %get3A_1199 = arith.index_cast %get3A_1197 : i32 to index
      %get3A_1200 = arith.index_cast %get3A_1198 : i32 to index
      %get3A_1201 = arith.constant 0 : index
      %get3A_1202 = tpu.vector_load %arg7[%get3A_1199, %get3A_1200, %get3A_1201] {strides = array<i32>} : memref<4x100x16xf32, #tpu.memory_space<vmem>>, vector<1x1x16xf32>,
      %get3A_1203 = vector.shape_cast %get3A_1202 : vector<1x1x16xf32> to vector<16xf32>
      %add3A_1204 = arith.addf %add3A_1188, %get3A_1203 : vector<16xf32>
      %get3A_1205 = arith.constant 1 : i32
      %get3A_1206 = arith.constant 37 : i32
      %get3A_1207 = arith.index_cast %get3A_1205 : i32 to index
      %get3A_1208 = arith.index_cast %get3A_1206 : i32 to index
      %get3A_1209 = arith.constant 0 : index
      %get3A_1210 = tpu.vector_load %arg7[%get3A_1207, %get3A_1208, %get3A_1209] {strides = array<i32>} : memref<4x100x16xf32, #tpu.memory_space<vmem>>, vector<1x1x16xf32>,
      %get3A_1211 = vector.shape_cast %get3A_1210 : vector<1x1x16xf32> to vector<16xf32>
      %add3A_1212 = arith.addf %add3A_1196, %get3A_1211 : vector<16xf32>
      %get3A_1213 = arith.constant 1 : i32
      %get3A_1214 = arith.constant 38 : i32
      %get3A_1215 = arith.index_cast %get3A_1213 : i32 to index
      %get3A_1216 = arith.index_cast %get3A_1214 : i32 to index
      %get3A_1217 = arith.constant 0 : index
      %get3A_1218 = tpu.vector_load %arg7[%get3A_1215, %get3A_1216, %get3A_1217] {strides = array<i32>} : memref<4x100x16xf32, #tpu.memory_space<vmem>>, vector<1x1x16xf32>,
      %get3A_1219 = vector.shape_cast %get3A_1218 : vector<1x1x16xf32> to vector<16xf32>
      %add3A_1220 = arith.addf %add3A_1204, %get3A_1219 : vector<16xf32>
      %get3A_1221 = arith.constant 1 : i32
      %get3A_1222 = arith.constant 39 : i32
      %get3A_1223 = arith.index_cast %get3A_1221 : i32 to index
      %get3A_1224 = arith.index_cast %get3A_1222 : i32 to index
      %get3A_1225 = arith.constant 0 : index
      %get3A_1226 = tpu.vector_load %arg7[%get3A_1223, %get3A_1224, %get3A_1225] {strides = array<i32>} : memref<4x100x16xf32, #tpu.memory_space<vmem>>, vector<1x1x16xf32>,
      %get3A_1227 = vector.shape_cast %get3A_1226 : vector<1x1x16xf32> to vector<16xf32>
      %add3A_1228 = arith.addf %add3A_1212, %get3A_1227 : vector<16xf32>
      %get3A_1229 = arith.constant 1 : i32
      %get3A_1230 = arith.constant 40 : i32
      %get3A_1231 = arith.index_cast %get3A_1229 : i32 to index
      %get3A_1232 = arith.index_cast %get3A_1230 : i32 to index
      %get3A_1233 = arith.constant 0 : index
      %get3A_1234 = tpu.vector_load %arg7[%get3A_1231, %get3A_1232, %get3A_1233] {strides = array<i32>} : memref<4x100x16xf32, #tpu.memory_space<vmem>>, vector<1x1x16xf32>,
      %get3A_1235 = vector.shape_cast %get3A_1234 : vector<1x1x16xf32> to vector<16xf32>
      %add3A_1236 = arith.addf %add3A_1220, %get3A_1235 : vector<16xf32>
      %get3A_1237 = arith.constant 1 : i32
      %get3A_1238 = arith.constant 41 : i32
      %get3A_1239 = arith.index_cast %get3A_1237 : i32 to index
      %get3A_1240 = arith.index_cast %get3A_1238 : i32 to index
      %get3A_1241 = arith.constant 0 : index
      %get3A_1242 = tpu.vector_load %arg7[%get3A_1239, %get3A_1240, %get3A_1241] {strides = array<i32>} : memref<4x100x16xf32, #tpu.memory_space<vmem>>, vector<1x1x16xf32>,
      %get3A_1243 = vector.shape_cast %get3A_1242 : vector<1x1x16xf32> to vector<16xf32>
      %add3A_1244 = arith.addf %add3A_1228, %get3A_1243 : vector<16xf32>
      %get3A_1245 = arith.constant 1 : i32
      %get3A_1246 = arith.constant 42 : i32
      %get3A_1247 = arith.index_cast %get3A_1245 : i32 to index
      %get3A_1248 = arith.index_cast %get3A_1246 : i32 to index
      %get3A_1249 = arith.constant 0 : index
      %get3A_1250 = tpu.vector_load %arg7[%get3A_1247, %get3A_1248, %get3A_1249] {strides = array<i32>} : memref<4x100x16xf32, #tpu.memory_space<vmem>>, vector<1x1x16xf32>,
      %get3A_1251 = vector.shape_cast %get3A_1250 : vector<1x1x16xf32> to vector<16xf32>
      %add3A_1252 = arith.addf %add3A_1236, %get3A_1251 : vector<16xf32>
      %get3A_1253 = arith.constant 1 : i32
      %get3A_1254 = arith.constant 43 : i32
      %get3A_1255 = arith.index_cast %get3A_1253 : i32 to index
      %get3A_1256 = arith.index_cast %get3A_1254 : i32 to index
      %get3A_1257 = arith.constant 0 : index
      %get3A_1258 = tpu.vector_load %arg7[%get3A_1255, %get3A_1256, %get3A_1257] {strides = array<i32>} : memref<4x100x16xf32, #tpu.memory_space<vmem>>, vector<1x1x16xf32>,
      %get3A_1259 = vector.shape_cast %get3A_1258 : vector<1x1x16xf32> to vector<16xf32>
      %add3A_1260 = arith.addf %add3A_1244, %get3A_1259 : vector<16xf32>
      %get3A_1261 = arith.constant 1 : i32
      %get3A_1262 = arith.constant 44 : i32
      %get3A_1263 = arith.index_cast %get3A_1261 : i32 to index
      %get3A_1264 = arith.index_cast %get3A_1262 : i32 to index
      %get3A_1265 = arith.constant 0 : index
      %get3A_1266 = tpu.vector_load %arg7[%get3A_1263, %get3A_1264, %get3A_1265] {strides = array<i32>} : memref<4x100x16xf32, #tpu.memory_space<vmem>>, vector<1x1x16xf32>,
      %get3A_1267 = vector.shape_cast %get3A_1266 : vector<1x1x16xf32> to vector<16xf32>
      %add3A_1268 = arith.addf %add3A_1252, %get3A_1267 : vector<16xf32>
      %get3A_1269 = arith.constant 1 : i32
      %get3A_1270 = arith.constant 45 : i32
      %get3A_1271 = arith.index_cast %get3A_1269 : i32 to index
      %get3A_1272 = arith.index_cast %get3A_1270 : i32 to index
      %get3A_1273 = arith.constant 0 : index
      %get3A_1274 = tpu.vector_load %arg7[%get3A_1271, %get3A_1272, %get3A_1273] {strides = array<i32>} : memref<4x100x16xf32, #tpu.memory_space<vmem>>, vector<1x1x16xf32>,
      %get3A_1275 = vector.shape_cast %get3A_1274 : vector<1x1x16xf32> to vector<16xf32>
      %add3A_1276 = arith.addf %add3A_1260, %get3A_1275 : vector<16xf32>
      %get3A_1277 = arith.constant 1 : i32
      %get3A_1278 = arith.constant 46 : i32
      %get3A_1279 = arith.index_cast %get3A_1277 : i32 to index
      %get3A_1280 = arith.index_cast %get3A_1278 : i32 to index
      %get3A_1281 = arith.constant 0 : index
      %get3A_1282 = tpu.vector_load %arg7[%get3A_1279, %get3A_1280, %get3A_1281] {strides = array<i32>} : memref<4x100x16xf32, #tpu.memory_space<vmem>>, vector<1x1x16xf32>,
      %get3A_1283 = vector.shape_cast %get3A_1282 : vector<1x1x16xf32> to vector<16xf32>
      %add3A_1284 = arith.addf %add3A_1268, %get3A_1283 : vector<16xf32>
      %get3A_1285 = arith.constant 1 : i32
      %get3A_1286 = arith.constant 47 : i32
      %get3A_1287 = arith.index_cast %get3A_1285 : i32 to index
      %get3A_1288 = arith.index_cast %get3A_1286 : i32 to index
      %get3A_1289 = arith.constant 0 : index
      %get3A_1290 = tpu.vector_load %arg7[%get3A_1287, %get3A_1288, %get3A_1289] {strides = array<i32>} : memref<4x100x16xf32, #tpu.memory_space<vmem>>, vector<1x1x16xf32>,
      %get3A_1291 = vector.shape_cast %get3A_1290 : vector<1x1x16xf32> to vector<16xf32>
      %add3A_1292 = arith.addf %add3A_1276, %get3A_1291 : vector<16xf32>
      %get3A_1293 = arith.constant 1 : i32
      %get3A_1294 = arith.constant 48 : i32
      %get3A_1295 = arith.index_cast %get3A_1293 : i32 to index
      %get3A_1296 = arith.index_cast %get3A_1294 : i32 to index
      %get3A_1297 = arith.constant 0 : index
      %get3A_1298 = tpu.vector_load %arg7[%get3A_1295, %get3A_1296, %get3A_1297] {strides = array<i32>} : memref<4x100x16xf32, #tpu.memory_space<vmem>>, vector<1x1x16xf32>,
      %get3A_1299 = vector.shape_cast %get3A_1298 : vector<1x1x16xf32> to vector<16xf32>
      %add3A_1300 = arith.addf %add3A_1284, %get3A_1299 : vector<16xf32>
      %get3A_1301 = arith.constant 1 : i32
      %get3A_1302 = arith.constant 49 : i32
      %get3A_1303 = arith.index_cast %get3A_1301 : i32 to index
      %get3A_1304 = arith.index_cast %get3A_1302 : i32 to index
      %get3A_1305 = arith.constant 0 : index
      %get3A_1306 = tpu.vector_load %arg7[%get3A_1303, %get3A_1304, %get3A_1305] {strides = array<i32>} : memref<4x100x16xf32, #tpu.memory_space<vmem>>, vector<1x1x16xf32>,
      %get3A_1307 = vector.shape_cast %get3A_1306 : vector<1x1x16xf32> to vector<16xf32>
      %add3A_1308 = arith.addf %add3A_1292, %get3A_1307 : vector<16xf32>
      %get3A_1309 = arith.constant 1 : i32
      %get3A_1310 = arith.constant 50 : i32
      %get3A_1311 = arith.index_cast %get3A_1309 : i32 to index
      %get3A_1312 = arith.index_cast %get3A_1310 : i32 to index
      %get3A_1313 = arith.constant 0 : index
      %get3A_1314 = tpu.vector_load %arg7[%get3A_1311, %get3A_1312, %get3A_1313] {strides = array<i32>} : memref<4x100x16xf32, #tpu.memory_space<vmem>>, vector<1x1x16xf32>,
      %get3A_1315 = vector.shape_cast %get3A_1314 : vector<1x1x16xf32> to vector<16xf32>
      %add3A_1316 = arith.addf %add3A_1300, %get3A_1315 : vector<16xf32>
      %get3A_1317 = arith.constant 1 : i32
      %get3A_1318 = arith.constant 51 : i32
      %get3A_1319 = arith.index_cast %get3A_1317 : i32 to index
      %get3A_1320 = arith.index_cast %get3A_1318 : i32 to index
      %get3A_1321 = arith.constant 0 : index
      %get3A_1322 = tpu.vector_load %arg7[%get3A_1319, %get3A_1320, %get3A_1321] {strides = array<i32>} : memref<4x100x16xf32, #tpu.memory_space<vmem>>, vector<1x1x16xf32>,
      %get3A_1323 = vector.shape_cast %get3A_1322 : vector<1x1x16xf32> to vector<16xf32>
      %add3A_1324 = arith.addf %add3A_1308, %get3A_1323 : vector<16xf32>
      %get3A_1325 = arith.constant 1 : i32
      %get3A_1326 = arith.constant 52 : i32
      %get3A_1327 = arith.index_cast %get3A_1325 : i32 to index
      %get3A_1328 = arith.index_cast %get3A_1326 : i32 to index
      %get3A_1329 = arith.constant 0 : index
      %get3A_1330 = tpu.vector_load %arg7[%get3A_1327, %get3A_1328, %get3A_1329] {strides = array<i32>} : memref<4x100x16xf32, #tpu.memory_space<vmem>>, vector<1x1x16xf32>,
      %get3A_1331 = vector.shape_cast %get3A_1330 : vector<1x1x16xf32> to vector<16xf32>
      %add3A_1332 = arith.addf %add3A_1316, %get3A_1331 : vector<16xf32>
      %get3A_1333 = arith.constant 1 : i32
      %get3A_1334 = arith.constant 53 : i32
      %get3A_1335 = arith.index_cast %get3A_1333 : i32 to index
      %get3A_1336 = arith.index_cast %get3A_1334 : i32 to index
      %get3A_1337 = arith.constant 0 : index
      %get3A_1338 = tpu.vector_load %arg7[%get3A_1335, %get3A_1336, %get3A_1337] {strides = array<i32>} : memref<4x100x16xf32, #tpu.memory_space<vmem>>, vector<1x1x16xf32>,
      %get3A_1339 = vector.shape_cast %get3A_1338 : vector<1x1x16xf32> to vector<16xf32>
      %add3A_1340 = arith.addf %add3A_1324, %get3A_1339 : vector<16xf32>
      %get3A_1341 = arith.constant 1 : i32
      %get3A_1342 = arith.constant 54 : i32
      %get3A_1343 = arith.index_cast %get3A_1341 : i32 to index
      %get3A_1344 = arith.index_cast %get3A_1342 : i32 to index
      %get3A_1345 = arith.constant 0 : index
      %get3A_1346 = tpu.vector_load %arg7[%get3A_1343, %get3A_1344, %get3A_1345] {strides = array<i32>} : memref<4x100x16xf32, #tpu.memory_space<vmem>>, vector<1x1x16xf32>,
      %get3A_1347 = vector.shape_cast %get3A_1346 : vector<1x1x16xf32> to vector<16xf32>
      %add3A_1348 = arith.addf %add3A_1332, %get3A_1347 : vector<16xf32>
      %get3A_1349 = arith.constant 1 : i32
      %get3A_1350 = arith.constant 55 : i32
      %get3A_1351 = arith.index_cast %get3A_1349 : i32 to index
      %get3A_1352 = arith.index_cast %get3A_1350 : i32 to index
      %get3A_1353 = arith.constant 0 : index
      %get3A_1354 = tpu.vector_load %arg7[%get3A_1351, %get3A_1352, %get3A_1353] {strides = array<i32>} : memref<4x100x16xf32, #tpu.memory_space<vmem>>, vector<1x1x16xf32>,
      %get3A_1355 = vector.shape_cast %get3A_1354 : vector<1x1x16xf32> to vector<16xf32>
      %add3A_1356 = arith.addf %add3A_1340, %get3A_1355 : vector<16xf32>
      %get3A_1357 = arith.constant 1 : i32
      %get3A_1358 = arith.constant 56 : i32
      %get3A_1359 = arith.index_cast %get3A_1357 : i32 to index
      %get3A_1360 = arith.index_cast %get3A_1358 : i32 to index
      %get3A_1361 = arith.constant 0 : index
      %get3A_1362 = tpu.vector_load %arg7[%get3A_1359, %get3A_1360, %get3A_1361] {strides = array<i32>} : memref<4x100x16xf32, #tpu.memory_space<vmem>>, vector<1x1x16xf32>,
      %get3A_1363 = vector.shape_cast %get3A_1362 : vector<1x1x16xf32> to vector<16xf32>
      %add3A_1364 = arith.addf %add3A_1348, %get3A_1363 : vector<16xf32>
      %get3A_1365 = arith.constant 1 : i32
      %get3A_1366 = arith.constant 57 : i32
      %get3A_1367 = arith.index_cast %get3A_1365 : i32 to index
      %get3A_1368 = arith.index_cast %get3A_1366 : i32 to index
      %get3A_1369 = arith.constant 0 : index
      %get3A_1370 = tpu.vector_load %arg7[%get3A_1367, %get3A_1368, %get3A_1369] {strides = array<i32>} : memref<4x100x16xf32, #tpu.memory_space<vmem>>, vector<1x1x16xf32>,
      %get3A_1371 = vector.shape_cast %get3A_1370 : vector<1x1x16xf32> to vector<16xf32>
      %add3A_1372 = arith.addf %add3A_1356, %get3A_1371 : vector<16xf32>
      %get3A_1373 = arith.constant 1 : i32
      %get3A_1374 = arith.constant 58 : i32
      %get3A_1375 = arith.index_cast %get3A_1373 : i32 to index
      %get3A_1376 = arith.index_cast %get3A_1374 : i32 to index
      %get3A_1377 = arith.constant 0 : index
      %get3A_1378 = tpu.vector_load %arg7[%get3A_1375, %get3A_1376, %get3A_1377] {strides = array<i32>} : memref<4x100x16xf32, #tpu.memory_space<vmem>>, vector<1x1x16xf32>,
      %get3A_1379 = vector.shape_cast %get3A_1378 : vector<1x1x16xf32> to vector<16xf32>
      %add3A_1380 = arith.addf %add3A_1364, %get3A_1379 : vector<16xf32>
      %get3A_1381 = arith.constant 1 : i32
      %get3A_1382 = arith.constant 59 : i32
      %get3A_1383 = arith.index_cast %get3A_1381 : i32 to index
      %get3A_1384 = arith.index_cast %get3A_1382 : i32 to index
      %get3A_1385 = arith.constant 0 : index
      %get3A_1386 = tpu.vector_load %arg7[%get3A_1383, %get3A_1384, %get3A_1385] {strides = array<i32>} : memref<4x100x16xf32, #tpu.memory_space<vmem>>, vector<1x1x16xf32>,
      %get3A_1387 = vector.shape_cast %get3A_1386 : vector<1x1x16xf32> to vector<16xf32>
      %add3A_1388 = arith.addf %add3A_1372, %get3A_1387 : vector<16xf32>
      %get3A_1389 = arith.constant 1 : i32
      %get3A_1390 = arith.constant 60 : i32
      %get3A_1391 = arith.index_cast %get3A_1389 : i32 to index
      %get3A_1392 = arith.index_cast %get3A_1390 : i32 to index
      %get3A_1393 = arith.constant 0 : index
      %get3A_1394 = tpu.vector_load %arg7[%get3A_1391, %get3A_1392, %get3A_1393] {strides = array<i32>} : memref<4x100x16xf32, #tpu.memory_space<vmem>>, vector<1x1x16xf32>,
      %get3A_1395 = vector.shape_cast %get3A_1394 : vector<1x1x16xf32> to vector<16xf32>
      %add3A_1396 = arith.addf %add3A_1380, %get3A_1395 : vector<16xf32>
      %get3A_1397 = arith.constant 1 : i32
      %get3A_1398 = arith.constant 61 : i32
      %get3A_1399 = arith.index_cast %get3A_1397 : i32 to index
      %get3A_1400 = arith.index_cast %get3A_1398 : i32 to index
      %get3A_1401 = arith.constant 0 : index
      %get3A_1402 = tpu.vector_load %arg7[%get3A_1399, %get3A_1400, %get3A_1401] {strides = array<i32>} : memref<4x100x16xf32, #tpu.memory_space<vmem>>, vector<1x1x16xf32>,
      %get3A_1403 = vector.shape_cast %get3A_1402 : vector<1x1x16xf32> to vector<16xf32>
      %add3A_1404 = arith.addf %add3A_1388, %get3A_1403 : vector<16xf32>
      %get3A_1405 = arith.constant 1 : i32
      %get3A_1406 = arith.constant 62 : i32
      %get3A_1407 = arith.index_cast %get3A_1405 : i32 to index
      %get3A_1408 = arith.index_cast %get3A_1406 : i32 to index
      %get3A_1409 = arith.constant 0 : index
      %get3A_1410 = tpu.vector_load %arg7[%get3A_1407, %get3A_1408, %get3A_1409] {strides = array<i32>} : memref<4x100x16xf32, #tpu.memory_space<vmem>>, vector<1x1x16xf32>,
      %get3A_1411 = vector.shape_cast %get3A_1410 : vector<1x1x16xf32> to vector<16xf32>
      %add3A_1412 = arith.addf %add3A_1396, %get3A_1411 : vector<16xf32>
      %get3A_1413 = arith.constant 1 : i32
      %get3A_1414 = arith.constant 63 : i32
      %get3A_1415 = arith.index_cast %get3A_1413 : i32 to index
      %get3A_1416 = arith.index_cast %get3A_1414 : i32 to index
      %get3A_1417 = arith.constant 0 : index
      %get3A_1418 = tpu.vector_load %arg7[%get3A_1415, %get3A_1416, %get3A_1417] {strides = array<i32>} : memref<4x100x16xf32, #tpu.memory_space<vmem>>, vector<1x1x16xf32>,
      %get3A_1419 = vector.shape_cast %get3A_1418 : vector<1x1x16xf32> to vector<16xf32>
      %add3A_1420 = arith.addf %add3A_1404, %get3A_1419 : vector<16xf32>
      %get3A_1421 = arith.constant 1 : i32
      %get3A_1422 = arith.constant 64 : i32
      %get3A_1423 = arith.index_cast %get3A_1421 : i32 to index
      %get3A_1424 = arith.index_cast %get3A_1422 : i32 to index
      %get3A_1425 = arith.constant 0 : index
      %get3A_1426 = tpu.vector_load %arg7[%get3A_1423, %get3A_1424, %get3A_1425] {strides = array<i32>} : memref<4x100x16xf32, #tpu.memory_space<vmem>>, vector<1x1x16xf32>,
      %get3A_1427 = vector.shape_cast %get3A_1426 : vector<1x1x16xf32> to vector<16xf32>
      %add3A_1428 = arith.addf %add3A_1412, %get3A_1427 : vector<16xf32>
      %get3A_1429 = arith.constant 1 : i32
      %get3A_1430 = arith.constant 65 : i32
      %get3A_1431 = arith.index_cast %get3A_1429 : i32 to index
      %get3A_1432 = arith.index_cast %get3A_1430 : i32 to index
      %get3A_1433 = arith.constant 0 : index
      %get3A_1434 = tpu.vector_load %arg7[%get3A_1431, %get3A_1432, %get3A_1433] {strides = array<i32>} : memref<4x100x16xf32, #tpu.memory_space<vmem>>, vector<1x1x16xf32>,
      %get3A_1435 = vector.shape_cast %get3A_1434 : vector<1x1x16xf32> to vector<16xf32>
      %add3A_1436 = arith.addf %add3A_1420, %get3A_1435 : vector<16xf32>
      %get3A_1437 = arith.constant 1 : i32
      %get3A_1438 = arith.constant 66 : i32
      %get3A_1439 = arith.index_cast %get3A_1437 : i32 to index
      %get3A_1440 = arith.index_cast %get3A_1438 : i32 to index
      %get3A_1441 = arith.constant 0 : index
      %get3A_1442 = tpu.vector_load %arg7[%get3A_1439, %get3A_1440, %get3A_1441] {strides = array<i32>} : memref<4x100x16xf32, #tpu.memory_space<vmem>>, vector<1x1x16xf32>,
      %get3A_1443 = vector.shape_cast %get3A_1442 : vector<1x1x16xf32> to vector<16xf32>
      %add3A_1444 = arith.addf %add3A_1428, %get3A_1443 : vector<16xf32>
      %get3A_1445 = arith.constant 1 : i32
      %get3A_1446 = arith.constant 67 : i32
      %get3A_1447 = arith.index_cast %get3A_1445 : i32 to index
      %get3A_1448 = arith.index_cast %get3A_1446 : i32 to index
      %get3A_1449 = arith.constant 0 : index
      %get3A_1450 = tpu.vector_load %arg7[%get3A_1447, %get3A_1448, %get3A_1449] {strides = array<i32>} : memref<4x100x16xf32, #tpu.memory_space<vmem>>, vector<1x1x16xf32>,
      %get3A_1451 = vector.shape_cast %get3A_1450 : vector<1x1x16xf32> to vector<16xf32>
      %add3A_1452 = arith.addf %add3A_1436, %get3A_1451 : vector<16xf32>
      %get3A_1453 = arith.constant 1 : i32
      %get3A_1454 = arith.constant 68 : i32
      %get3A_1455 = arith.index_cast %get3A_1453 : i32 to index
      %get3A_1456 = arith.index_cast %get3A_1454 : i32 to index
      %get3A_1457 = arith.constant 0 : index
      %get3A_1458 = tpu.vector_load %arg7[%get3A_1455, %get3A_1456, %get3A_1457] {strides = array<i32>} : memref<4x100x16xf32, #tpu.memory_space<vmem>>, vector<1x1x16xf32>,
      %get3A_1459 = vector.shape_cast %get3A_1458 : vector<1x1x16xf32> to vector<16xf32>
      %add3A_1460 = arith.addf %add3A_1444, %get3A_1459 : vector<16xf32>
      %get3A_1461 = arith.constant 1 : i32
      %get3A_1462 = arith.constant 69 : i32
      %get3A_1463 = arith.index_cast %get3A_1461 : i32 to index
      %get3A_1464 = arith.index_cast %get3A_1462 : i32 to index
      %get3A_1465 = arith.constant 0 : index
      %get3A_1466 = tpu.vector_load %arg7[%get3A_1463, %get3A_1464, %get3A_1465] {strides = array<i32>} : memref<4x100x16xf32, #tpu.memory_space<vmem>>, vector<1x1x16xf32>,
      %get3A_1467 = vector.shape_cast %get3A_1466 : vector<1x1x16xf32> to vector<16xf32>
      %add3A_1468 = arith.addf %add3A_1452, %get3A_1467 : vector<16xf32>
      %get3A_1469 = arith.constant 1 : i32
      %get3A_1470 = arith.constant 70 : i32
      %get3A_1471 = arith.index_cast %get3A_1469 : i32 to index
      %get3A_1472 = arith.index_cast %get3A_1470 : i32 to index
      %get3A_1473 = arith.constant 0 : index
      %get3A_1474 = tpu.vector_load %arg7[%get3A_1471, %get3A_1472, %get3A_1473] {strides = array<i32>} : memref<4x100x16xf32, #tpu.memory_space<vmem>>, vector<1x1x16xf32>,
      %get3A_1475 = vector.shape_cast %get3A_1474 : vector<1x1x16xf32> to vector<16xf32>
      %add3A_1476 = arith.addf %add3A_1460, %get3A_1475 : vector<16xf32>
      %get3A_1477 = arith.constant 1 : i32
      %get3A_1478 = arith.constant 71 : i32
      %get3A_1479 = arith.index_cast %get3A_1477 : i32 to index
      %get3A_1480 = arith.index_cast %get3A_1478 : i32 to index
      %get3A_1481 = arith.constant 0 : index
      %get3A_1482 = tpu.vector_load %arg7[%get3A_1479, %get3A_1480, %get3A_1481] {strides = array<i32>} : memref<4x100x16xf32, #tpu.memory_space<vmem>>, vector<1x1x16xf32>,
      %get3A_1483 = vector.shape_cast %get3A_1482 : vector<1x1x16xf32> to vector<16xf32>
      %add3A_1484 = arith.addf %add3A_1468, %get3A_1483 : vector<16xf32>
      %get3A_1485 = arith.constant 1 : i32
      %get3A_1486 = arith.constant 72 : i32
      %get3A_1487 = arith.index_cast %get3A_1485 : i32 to index
      %get3A_1488 = arith.index_cast %get3A_1486 : i32 to index
      %get3A_1489 = arith.constant 0 : index
      %get3A_1490 = tpu.vector_load %arg7[%get3A_1487, %get3A_1488, %get3A_1489] {strides = array<i32>} : memref<4x100x16xf32, #tpu.memory_space<vmem>>, vector<1x1x16xf32>,
      %get3A_1491 = vector.shape_cast %get3A_1490 : vector<1x1x16xf32> to vector<16xf32>
      %add3A_1492 = arith.addf %add3A_1476, %get3A_1491 : vector<16xf32>
      %get3A_1493 = arith.constant 1 : i32
      %get3A_1494 = arith.constant 73 : i32
      %get3A_1495 = arith.index_cast %get3A_1493 : i32 to index
      %get3A_1496 = arith.index_cast %get3A_1494 : i32 to index
      %get3A_1497 = arith.constant 0 : index
      %get3A_1498 = tpu.vector_load %arg7[%get3A_1495, %get3A_1496, %get3A_1497] {strides = array<i32>} : memref<4x100x16xf32, #tpu.memory_space<vmem>>, vector<1x1x16xf32>,
      %get3A_1499 = vector.shape_cast %get3A_1498 : vector<1x1x16xf32> to vector<16xf32>
      %add3A_1500 = arith.addf %add3A_1484, %get3A_1499 : vector<16xf32>
      %get3A_1501 = arith.constant 1 : i32
      %get3A_1502 = arith.constant 74 : i32
      %get3A_1503 = arith.index_cast %get3A_1501 : i32 to index
      %get3A_1504 = arith.index_cast %get3A_1502 : i32 to index
      %get3A_1505 = arith.constant 0 : index
      %get3A_1506 = tpu.vector_load %arg7[%get3A_1503, %get3A_1504, %get3A_1505] {strides = array<i32>} : memref<4x100x16xf32, #tpu.memory_space<vmem>>, vector<1x1x16xf32>,
      %get3A_1507 = vector.shape_cast %get3A_1506 : vector<1x1x16xf32> to vector<16xf32>
      %add3A_1508 = arith.addf %add3A_1492, %get3A_1507 : vector<16xf32>
      %get3A_1509 = arith.constant 1 : i32
      %get3A_1510 = arith.constant 75 : i32
      %get3A_1511 = arith.index_cast %get3A_1509 : i32 to index
      %get3A_1512 = arith.index_cast %get3A_1510 : i32 to index
      %get3A_1513 = arith.constant 0 : index
      %get3A_1514 = tpu.vector_load %arg7[%get3A_1511, %get3A_1512, %get3A_1513] {strides = array<i32>} : memref<4x100x16xf32, #tpu.memory_space<vmem>>, vector<1x1x16xf32>,
      %get3A_1515 = vector.shape_cast %get3A_1514 : vector<1x1x16xf32> to vector<16xf32>
      %add3A_1516 = arith.addf %add3A_1500, %get3A_1515 : vector<16xf32>
      %get3A_1517 = arith.constant 1 : i32
      %get3A_1518 = arith.constant 76 : i32
      %get3A_1519 = arith.index_cast %get3A_1517 : i32 to index
      %get3A_1520 = arith.index_cast %get3A_1518 : i32 to index
      %get3A_1521 = arith.constant 0 : index
      %get3A_1522 = tpu.vector_load %arg7[%get3A_1519, %get3A_1520, %get3A_1521] {strides = array<i32>} : memref<4x100x16xf32, #tpu.memory_space<vmem>>, vector<1x1x16xf32>,
      %get3A_1523 = vector.shape_cast %get3A_1522 : vector<1x1x16xf32> to vector<16xf32>
      %add3A_1524 = arith.addf %add3A_1508, %get3A_1523 : vector<16xf32>
      %get3A_1525 = arith.constant 1 : i32
      %get3A_1526 = arith.constant 77 : i32
      %get3A_1527 = arith.index_cast %get3A_1525 : i32 to index
      %get3A_1528 = arith.index_cast %get3A_1526 : i32 to index
      %get3A_1529 = arith.constant 0 : index
      %get3A_1530 = tpu.vector_load %arg7[%get3A_1527, %get3A_1528, %get3A_1529] {strides = array<i32>} : memref<4x100x16xf32, #tpu.memory_space<vmem>>, vector<1x1x16xf32>,
      %get3A_1531 = vector.shape_cast %get3A_1530 : vector<1x1x16xf32> to vector<16xf32>
      %add3A_1532 = arith.addf %add3A_1516, %get3A_1531 : vector<16xf32>
      %get3A_1533 = arith.constant 1 : i32
      %get3A_1534 = arith.constant 78 : i32
      %get3A_1535 = arith.index_cast %get3A_1533 : i32 to index
      %get3A_1536 = arith.index_cast %get3A_1534 : i32 to index
      %get3A_1537 = arith.constant 0 : index
      %get3A_1538 = tpu.vector_load %arg7[%get3A_1535, %get3A_1536, %get3A_1537] {strides = array<i32>} : memref<4x100x16xf32, #tpu.memory_space<vmem>>, vector<1x1x16xf32>,
      %get3A_1539 = vector.shape_cast %get3A_1538 : vector<1x1x16xf32> to vector<16xf32>
      %add3A_1540 = arith.addf %add3A_1524, %get3A_1539 : vector<16xf32>
      %get3A_1541 = arith.constant 1 : i32
      %get3A_1542 = arith.constant 79 : i32
      %get3A_1543 = arith.index_cast %get3A_1541 : i32 to index
      %get3A_1544 = arith.index_cast %get3A_1542 : i32 to index
      %get3A_1545 = arith.constant 0 : index
      %get3A_1546 = tpu.vector_load %arg7[%get3A_1543, %get3A_1544, %get3A_1545] {strides = array<i32>} : memref<4x100x16xf32, #tpu.memory_space<vmem>>, vector<1x1x16xf32>,
      %get3A_1547 = vector.shape_cast %get3A_1546 : vector<1x1x16xf32> to vector<16xf32>
      %add3A_1548 = arith.addf %add3A_1532, %get3A_1547 : vector<16xf32>
      %get3A_1549 = arith.constant 1 : i32
      %get3A_1550 = arith.constant 80 : i32
      %get3A_1551 = arith.index_cast %get3A_1549 : i32 to index
      %get3A_1552 = arith.index_cast %get3A_1550 : i32 to index
      %get3A_1553 = arith.constant 0 : index
      %get3A_1554 = tpu.vector_load %arg7[%get3A_1551, %get3A_1552, %get3A_1553] {strides = array<i32>} : memref<4x100x16xf32, #tpu.memory_space<vmem>>, vector<1x1x16xf32>,
      %get3A_1555 = vector.shape_cast %get3A_1554 : vector<1x1x16xf32> to vector<16xf32>
      %add3A_1556 = arith.addf %add3A_1540, %get3A_1555 : vector<16xf32>
      %get3A_1557 = arith.constant 1 : i32
      %get3A_1558 = arith.constant 81 : i32
      %get3A_1559 = arith.index_cast %get3A_1557 : i32 to index
      %get3A_1560 = arith.index_cast %get3A_1558 : i32 to index
      %get3A_1561 = arith.constant 0 : index
      %get3A_1562 = tpu.vector_load %arg7[%get3A_1559, %get3A_1560, %get3A_1561] {strides = array<i32>} : memref<4x100x16xf32, #tpu.memory_space<vmem>>, vector<1x1x16xf32>,
      %get3A_1563 = vector.shape_cast %get3A_1562 : vector<1x1x16xf32> to vector<16xf32>
      %add3A_1564 = arith.addf %add3A_1548, %get3A_1563 : vector<16xf32>
      %get3A_1565 = arith.constant 1 : i32
      %get3A_1566 = arith.constant 82 : i32
      %get3A_1567 = arith.index_cast %get3A_1565 : i32 to index
      %get3A_1568 = arith.index_cast %get3A_1566 : i32 to index
      %get3A_1569 = arith.constant 0 : index
      %get3A_1570 = tpu.vector_load %arg7[%get3A_1567, %get3A_1568, %get3A_1569] {strides = array<i32>} : memref<4x100x16xf32, #tpu.memory_space<vmem>>, vector<1x1x16xf32>,
      %get3A_1571 = vector.shape_cast %get3A_1570 : vector<1x1x16xf32> to vector<16xf32>
      %add3A_1572 = arith.addf %add3A_1556, %get3A_1571 : vector<16xf32>
      %get3A_1573 = arith.constant 1 : i32
      %get3A_1574 = arith.constant 83 : i32
      %get3A_1575 = arith.index_cast %get3A_1573 : i32 to index
      %get3A_1576 = arith.index_cast %get3A_1574 : i32 to index
      %get3A_1577 = arith.constant 0 : index
      %get3A_1578 = tpu.vector_load %arg7[%get3A_1575, %get3A_1576, %get3A_1577] {strides = array<i32>} : memref<4x100x16xf32, #tpu.memory_space<vmem>>, vector<1x1x16xf32>,
      %get3A_1579 = vector.shape_cast %get3A_1578 : vector<1x1x16xf32> to vector<16xf32>
      %add3A_1580 = arith.addf %add3A_1564, %get3A_1579 : vector<16xf32>
      %get3A_1581 = arith.constant 1 : i32
      %get3A_1582 = arith.constant 84 : i32
      %get3A_1583 = arith.index_cast %get3A_1581 : i32 to index
      %get3A_1584 = arith.index_cast %get3A_1582 : i32 to index
      %get3A_1585 = arith.constant 0 : index
      %get3A_1586 = tpu.vector_load %arg7[%get3A_1583, %get3A_1584, %get3A_1585] {strides = array<i32>} : memref<4x100x16xf32, #tpu.memory_space<vmem>>, vector<1x1x16xf32>,
      %get3A_1587 = vector.shape_cast %get3A_1586 : vector<1x1x16xf32> to vector<16xf32>
      %add3A_1588 = arith.addf %add3A_1572, %get3A_1587 : vector<16xf32>
      %get3A_1589 = arith.constant 1 : i32
      %get3A_1590 = arith.constant 85 : i32
      %get3A_1591 = arith.index_cast %get3A_1589 : i32 to index
      %get3A_1592 = arith.index_cast %get3A_1590 : i32 to index
      %get3A_1593 = arith.constant 0 : index
      %get3A_1594 = tpu.vector_load %arg7[%get3A_1591, %get3A_1592, %get3A_1593] {strides = array<i32>} : memref<4x100x16xf32, #tpu.memory_space<vmem>>, vector<1x1x16xf32>,
      %get3A_1595 = vector.shape_cast %get3A_1594 : vector<1x1x16xf32> to vector<16xf32>
      %add3A_1596 = arith.addf %add3A_1580, %get3A_1595 : vector<16xf32>
      %get3A_1597 = arith.constant 1 : i32
      %get3A_1598 = arith.constant 86 : i32
      %get3A_1599 = arith.index_cast %get3A_1597 : i32 to index
      %get3A_1600 = arith.index_cast %get3A_1598 : i32 to index
      %get3A_1601 = arith.constant 0 : index
      %get3A_1602 = tpu.vector_load %arg7[%get3A_1599, %get3A_1600, %get3A_1601] {strides = array<i32>} : memref<4x100x16xf32, #tpu.memory_space<vmem>>, vector<1x1x16xf32>,
      %get3A_1603 = vector.shape_cast %get3A_1602 : vector<1x1x16xf32> to vector<16xf32>
      %add3A_1604 = arith.addf %add3A_1588, %get3A_1603 : vector<16xf32>
      %get3A_1605 = arith.constant 1 : i32
      %get3A_1606 = arith.constant 87 : i32
      %get3A_1607 = arith.index_cast %get3A_1605 : i32 to index
      %get3A_1608 = arith.index_cast %get3A_1606 : i32 to index
      %get3A_1609 = arith.constant 0 : index
      %get3A_1610 = tpu.vector_load %arg7[%get3A_1607, %get3A_1608, %get3A_1609] {strides = array<i32>} : memref<4x100x16xf32, #tpu.memory_space<vmem>>, vector<1x1x16xf32>,
      %get3A_1611 = vector.shape_cast %get3A_1610 : vector<1x1x16xf32> to vector<16xf32>
      %add3A_1612 = arith.addf %add3A_1596, %get3A_1611 : vector<16xf32>
      %get3A_1613 = arith.constant 1 : i32
      %get3A_1614 = arith.constant 88 : i32
      %get3A_1615 = arith.index_cast %get3A_1613 : i32 to index
      %get3A_1616 = arith.index_cast %get3A_1614 : i32 to index
      %get3A_1617 = arith.constant 0 : index
      %get3A_1618 = tpu.vector_load %arg7[%get3A_1615, %get3A_1616, %get3A_1617] {strides = array<i32>} : memref<4x100x16xf32, #tpu.memory_space<vmem>>, vector<1x1x16xf32>,
      %get3A_1619 = vector.shape_cast %get3A_1618 : vector<1x1x16xf32> to vector<16xf32>
      %add3A_1620 = arith.addf %add3A_1604, %get3A_1619 : vector<16xf32>
      %get3A_1621 = arith.constant 1 : i32
      %get3A_1622 = arith.constant 89 : i32
      %get3A_1623 = arith.index_cast %get3A_1621 : i32 to index
      %get3A_1624 = arith.index_cast %get3A_1622 : i32 to index
      %get3A_1625 = arith.constant 0 : index
      %get3A_1626 = tpu.vector_load %arg7[%get3A_1623, %get3A_1624, %get3A_1625] {strides = array<i32>} : memref<4x100x16xf32, #tpu.memory_space<vmem>>, vector<1x1x16xf32>,
      %get3A_1627 = vector.shape_cast %get3A_1626 : vector<1x1x16xf32> to vector<16xf32>
      %add3A_1628 = arith.addf %add3A_1612, %get3A_1627 : vector<16xf32>
      %get3A_1629 = arith.constant 1 : i32
      %get3A_1630 = arith.constant 90 : i32
      %get3A_1631 = arith.index_cast %get3A_1629 : i32 to index
      %get3A_1632 = arith.index_cast %get3A_1630 : i32 to index
      %get3A_1633 = arith.constant 0 : index
      %get3A_1634 = tpu.vector_load %arg7[%get3A_1631, %get3A_1632, %get3A_1633] {strides = array<i32>} : memref<4x100x16xf32, #tpu.memory_space<vmem>>, vector<1x1x16xf32>,
      %get3A_1635 = vector.shape_cast %get3A_1634 : vector<1x1x16xf32> to vector<16xf32>
      %add3A_1636 = arith.addf %add3A_1620, %get3A_1635 : vector<16xf32>
      %get3A_1637 = arith.constant 1 : i32
      %get3A_1638 = arith.constant 91 : i32
      %get3A_1639 = arith.index_cast %get3A_1637 : i32 to index
      %get3A_1640 = arith.index_cast %get3A_1638 : i32 to index
      %get3A_1641 = arith.constant 0 : index
      %get3A_1642 = tpu.vector_load %arg7[%get3A_1639, %get3A_1640, %get3A_1641] {strides = array<i32>} : memref<4x100x16xf32, #tpu.memory_space<vmem>>, vector<1x1x16xf32>,
      %get3A_1643 = vector.shape_cast %get3A_1642 : vector<1x1x16xf32> to vector<16xf32>
      %add3A_1644 = arith.addf %add3A_1628, %get3A_1643 : vector<16xf32>
      %get3A_1645 = arith.constant 1 : i32
      %get3A_1646 = arith.constant 92 : i32
      %get3A_1647 = arith.index_cast %get3A_1645 : i32 to index
      %get3A_1648 = arith.index_cast %get3A_1646 : i32 to index
      %get3A_1649 = arith.constant 0 : index
      %get3A_1650 = tpu.vector_load %arg7[%get3A_1647, %get3A_1648, %get3A_1649] {strides = array<i32>} : memref<4x100x16xf32, #tpu.memory_space<vmem>>, vector<1x1x16xf32>,
      %get3A_1651 = vector.shape_cast %get3A_1650 : vector<1x1x16xf32> to vector<16xf32>
      %add3A_1652 = arith.addf %add3A_1636, %get3A_1651 : vector<16xf32>
      %get3A_1653 = arith.constant 1 : i32
      %get3A_1654 = arith.constant 93 : i32
      %get3A_1655 = arith.index_cast %get3A_1653 : i32 to index
      %get3A_1656 = arith.index_cast %get3A_1654 : i32 to index
      %get3A_1657 = arith.constant 0 : index
      %get3A_1658 = tpu.vector_load %arg7[%get3A_1655, %get3A_1656, %get3A_1657] {strides = array<i32>} : memref<4x100x16xf32, #tpu.memory_space<vmem>>, vector<1x1x16xf32>,
      %get3A_1659 = vector.shape_cast %get3A_1658 : vector<1x1x16xf32> to vector<16xf32>
      %add3A_1660 = arith.addf %add3A_1644, %get3A_1659 : vector<16xf32>
      %get3A_1661 = arith.constant 1 : i32
      %get3A_1662 = arith.constant 94 : i32
      %get3A_1663 = arith.index_cast %get3A_1661 : i32 to index
      %get3A_1664 = arith.index_cast %get3A_1662 : i32 to index
      %get3A_1665 = arith.constant 0 : index
      %get3A_1666 = tpu.vector_load %arg7[%get3A_1663, %get3A_1664, %get3A_1665] {strides = array<i32>} : memref<4x100x16xf32, #tpu.memory_space<vmem>>, vector<1x1x16xf32>,
      %get3A_1667 = vector.shape_cast %get3A_1666 : vector<1x1x16xf32> to vector<16xf32>
      %add3A_1668 = arith.addf %add3A_1652, %get3A_1667 : vector<16xf32>
      %get3A_1669 = arith.constant 1 : i32
      %get3A_1670 = arith.constant 95 : i32
      %get3A_1671 = arith.index_cast %get3A_1669 : i32 to index
      %get3A_1672 = arith.index_cast %get3A_1670 : i32 to index
      %get3A_1673 = arith.constant 0 : index
      %get3A_1674 = tpu.vector_load %arg7[%get3A_1671, %get3A_1672, %get3A_1673] {strides = array<i32>} : memref<4x100x16xf32, #tpu.memory_space<vmem>>, vector<1x1x16xf32>,
      %get3A_1675 = vector.shape_cast %get3A_1674 : vector<1x1x16xf32> to vector<16xf32>
      %add3A_1676 = arith.addf %add3A_1660, %get3A_1675 : vector<16xf32>
      %get3A_1677 = arith.constant 1 : i32
      %get3A_1678 = arith.constant 96 : i32
      %get3A_1679 = arith.index_cast %get3A_1677 : i32 to index
      %get3A_1680 = arith.index_cast %get3A_1678 : i32 to index
      %get3A_1681 = arith.constant 0 : index
      %get3A_1682 = tpu.vector_load %arg7[%get3A_1679, %get3A_1680, %get3A_1681] {strides = array<i32>} : memref<4x100x16xf32, #tpu.memory_space<vmem>>, vector<1x1x16xf32>,
      %get3A_1683 = vector.shape_cast %get3A_1682 : vector<1x1x16xf32> to vector<16xf32>
      %add3A_1684 = arith.addf %add3A_1668, %get3A_1683 : vector<16xf32>
      %get3A_1685 = arith.constant 1 : i32
      %get3A_1686 = arith.constant 97 : i32
      %get3A_1687 = arith.index_cast %get3A_1685 : i32 to index
      %get3A_1688 = arith.index_cast %get3A_1686 : i32 to index
      %get3A_1689 = arith.constant 0 : index
      %get3A_1690 = tpu.vector_load %arg7[%get3A_1687, %get3A_1688, %get3A_1689] {strides = array<i32>} : memref<4x100x16xf32, #tpu.memory_space<vmem>>, vector<1x1x16xf32>,
      %get3A_1691 = vector.shape_cast %get3A_1690 : vector<1x1x16xf32> to vector<16xf32>
      %add3A_1692 = arith.addf %add3A_1676, %get3A_1691 : vector<16xf32>
      %get3A_1693 = arith.constant 1 : i32
      %get3A_1694 = arith.constant 98 : i32
      %get3A_1695 = arith.index_cast %get3A_1693 : i32 to index
      %get3A_1696 = arith.index_cast %get3A_1694 : i32 to index
      %get3A_1697 = arith.constant 0 : index
      %get3A_1698 = tpu.vector_load %arg7[%get3A_1695, %get3A_1696, %get3A_1697] {strides = array<i32>} : memref<4x100x16xf32, #tpu.memory_space<vmem>>, vector<1x1x16xf32>,
      %get3A_1699 = vector.shape_cast %get3A_1698 : vector<1x1x16xf32> to vector<16xf32>
      %add3A_1700 = arith.addf %add3A_1684, %get3A_1699 : vector<16xf32>
      %get3A_1701 = arith.constant 1 : i32
      %get3A_1702 = arith.constant 99 : i32
      %get3A_1703 = arith.index_cast %get3A_1701 : i32 to index
      %get3A_1704 = arith.index_cast %get3A_1702 : i32 to index
      %get3A_1705 = arith.constant 0 : index
      %get3A_1706 = tpu.vector_load %arg7[%get3A_1703, %get3A_1704, %get3A_1705] {strides = array<i32>} : memref<4x100x16xf32, #tpu.memory_space<vmem>>, vector<1x1x16xf32>,
      %get3A_1707 = vector.shape_cast %get3A_1706 : vector<1x1x16xf32> to vector<16xf32>
      %add3A_1708 = arith.addf %add3A_1692, %get3A_1707 : vector<16xf32>
      %mul3A_1709 = vector.broadcast %squeeze3A : f32 to vector<16xf32>
      %mul3A_1710 = arith.mulf %add3A_1700, %mul3A_1709 : vector<16xf32>
      %swap3A_1711 = arith.index_cast %add3A_893 : i32 to index
      %swap3A_1712 = arith.constant 0 : index
      %swap3A_1713 = tpu.vector_load %arg8[%swap3A_1711, %swap3A_1712] {strides = array<i32>} : memref<128x32xf32, #tpu.memory_space<vmem>>, vector<1x16xf32>,
      %swap3A_1714 = vector.shape_cast %swap3A_1713 : vector<1x16xf32> to vector<16xf32>
      %swap3A_1715 = vector.shape_cast %mul3A_1710 : vector<16xf32> to vector<1x16xf32>
      tpu.vector_store %arg8[%swap3A_1711, %swap3A_1712], %swap3A_1715 {strides = array<i32>} : memref<128x32xf32, #tpu.memory_space<vmem>>, vector<1x16xf32>,
      %mul3A_1716 = vector.broadcast %squeeze3A : f32 to vector<16xf32>
      %mul3A_1717 = arith.mulf %add3A_1708, %mul3A_1716 : vector<16xf32>
      %swap3A_1718 = arith.index_cast %add3A_893 : i32 to index
      %swap3A_1719 = arith.constant 16 : index
      %swap3A_1720 = tpu.vector_load %arg8[%swap3A_1718, %swap3A_1719] {strides = array<i32>} : memref<128x32xf32, #tpu.memory_space<vmem>>, vector<1x16xf32>,
      %swap3A_1721 = vector.shape_cast %swap3A_1720 : vector<1x16xf32> to vector<16xf32>
      %swap3A_1722 = vector.shape_cast %mul3A_1717 : vector<16xf32> to vector<1x16xf32>
      tpu.vector_store %arg8[%swap3A_1718, %swap3A_1719], %swap3A_1722 {strides = array<i32>} : memref<128x32xf32, #tpu.memory_space<vmem>>, vector<1x16xf32>,
      %lt3A_1723 = arith.constant 31 : i32
      %lt3A_1724 = arith.cmpi slt, %scan3A_57, %lt3A_1723 : i32
      %convert_element_type3A_1725 = arith.extui %lt3A_1724 : i1 to i32
      %cond3A_1726 = arith.constant 0 : i32
      %cond3A_1727 = arith.cmpi ne, %convert_element_type3A_1725, %cond3A_1726 : i32
      scf.if %cond3A_1727 {
        %add3A_3404 = arith.constant 4 : i32
        %add3A_3405 = arith.addi %add3A_893, %add3A_3404 : i32
        %dma_start3A_3406 = arith.constant 1 : i32
        %dma_start3A_3407 = arith.constant 0 : i32
        %dma_start3A_3408 = arith.constant 0 : i32
        %dma_start3A_3409 = tpu.memref_slice %arg7[%dma_start3A_3406, %dma_start3A_3407, %dma_start3A_3408] : memref<4x100x16xf32, #tpu.memory_space<vmem>> -> memref<1x100x16xf32, #tpu.memory_space<vmem>>
        %dma_start3A_3410 = tpu.memref_squeeze %dma_start3A_3409 : memref<1x100x16xf32, #tpu.memory_space<vmem>> -> memref<100x16xf32, #tpu.memory_space<vmem>>
        %dma_start3A_3411 = arith.constant 0 : i32
        %dma_start3A_3412 = tpu.memref_slice %arg6[%add3A_3405, %dma_start3A_3411] : memref<128x100xi32, #tpu.memory_space<vmem>> -> memref<1x100xi32, #tpu.memory_space<vmem>>
        %dma_start3A_3413 = tpu.memref_squeeze %dma_start3A_3412 : memref<1x100xi32, #tpu.memory_space<vmem>> -> memref<100xi32, #tpu.memory_space<vmem>>
        %dma_start3A_3414 = arith.constant 0 : i32
        %dma_start3A_3415 = arith.constant 0 : i32
        %dma_start3A_3416 = tpu.memref_slice %arg3[%dma_start3A_3414, %dma_start3A_3415] : memref<2000000x16xf32, #tpu.memory_space<hbm>> -> memref<2000000x16xf32, #tpu.memory_space<hbm>>
        tpu.enqueue_indirect_dma source(%dma_start3A_3416 : memref<2000000x16xf32, #tpu.memory_space<hbm>>) target(%dma_start3A_3410 : memref<100x16xf32, #tpu.memory_space<vmem>>) offsets(%dma_start3A_3413 : memref<100xi32, #tpu.memory_space<vmem>>) semaphore(%arg10 : memref<!tpu.dma_semaphore, #tpu.memory_space<semaphore_mem>>)
      } else {
      }
      %mul3A_1728 = arith.constant 4 : i32
      %mul3A_1729 = arith.muli %scan3A_57, %mul3A_1728 : i32
      %add3A_1730 = arith.constant 2 : i32
      %add3A_1731 = arith.addi %mul3A_1729, %add3A_1730 : i32
      %dma_wait3A_1732 = arith.constant 2 : i32
      %dma_wait3A_1733 = arith.constant 0 : i32
      %dma_wait3A_1734 = arith.constant 0 : i32
      %dma_wait3A_1735 = tpu.memref_slice %arg7[%dma_wait3A_1732, %dma_wait3A_1733, %dma_wait3A_1734] : memref<4x100x16xf32, #tpu.memory_space<vmem>> -> memref<1x100x16xf32, #tpu.memory_space<vmem>>
      %dma_wait3A_1736 = tpu.memref_squeeze %dma_wait3A_1735 : memref<1x100x16xf32, #tpu.memory_space<vmem>> -> memref<100x16xf32, #tpu.memory_space<vmem>>
      %dma_wait3A_1737 = arith.constant 0 : i32
      %dma_wait3A_1738 = tpu.memref_slice %arg6[%add3A_1731, %dma_wait3A_1737] : memref<128x100xi32, #tpu.memory_space<vmem>> -> memref<1x100xi32, #tpu.memory_space<vmem>>
      %dma_wait3A_1739 = tpu.memref_squeeze %dma_wait3A_1738 : memref<1x100xi32, #tpu.memory_space<vmem>> -> memref<100xi32, #tpu.memory_space<vmem>>
      %dma_wait3A_1740 = arith.constant 0 : i32
      %dma_wait3A_1741 = arith.constant 0 : i32
      %dma_wait3A_1742 = tpu.memref_slice %arg3[%dma_wait3A_1740, %dma_wait3A_1741] : memref<2000000x16xf32, #tpu.memory_space<hbm>> -> memref<2000000x16xf32, #tpu.memory_space<hbm>>
      tpu.wait_indirect_dma semaphore(%arg11 : memref<!tpu.dma_semaphore, #tpu.memory_space<semaphore_mem>>) src(%dma_wait3A_1742 : memref<2000000x16xf32, #tpu.memory_space<hbm>>) dst(%dma_wait3A_1736 : memref<100x16xf32, #tpu.memory_space<vmem>>)
      %broadcast_in_dim3A_1743 = arith.constant 0.000000e+00 : f32
      %broadcast_in_dim3A_1744 = vector.broadcast %broadcast_in_dim3A_1743 : f32 to vector<16xf32>
      %broadcast_in_dim3A_1745 = arith.constant 0.000000e+00 : f32
      %broadcast_in_dim3A_1746 = vector.broadcast %broadcast_in_dim3A_1745 : f32 to vector<16xf32>
      %get3A_1747 = arith.constant 2 : i32
      %get3A_1748 = arith.constant 0 : i32
      %get3A_1749 = arith.index_cast %get3A_1747 : i32 to index
      %get3A_1750 = arith.index_cast %get3A_1748 : i32 to index
      %get3A_1751 = arith.constant 0 : index
      %get3A_1752 = tpu.vector_load %arg7[%get3A_1749, %get3A_1750, %get3A_1751] {strides = array<i32>} : memref<4x100x16xf32, #tpu.memory_space<vmem>>, vector<1x1x16xf32>,
      %get3A_1753 = vector.shape_cast %get3A_1752 : vector<1x1x16xf32> to vector<16xf32>
      %add3A_1754 = arith.addf %broadcast_in_dim3A_1744, %get3A_1753 : vector<16xf32>
      %get3A_1755 = arith.constant 2 : i32
      %get3A_1756 = arith.constant 1 : i32
      %get3A_1757 = arith.index_cast %get3A_1755 : i32 to index
      %get3A_1758 = arith.index_cast %get3A_1756 : i32 to index
      %get3A_1759 = arith.constant 0 : index
      %get3A_1760 = tpu.vector_load %arg7[%get3A_1757, %get3A_1758, %get3A_1759] {strides = array<i32>} : memref<4x100x16xf32, #tpu.memory_space<vmem>>, vector<1x1x16xf32>,
      %get3A_1761 = vector.shape_cast %get3A_1760 : vector<1x1x16xf32> to vector<16xf32>
      %add3A_1762 = arith.addf %broadcast_in_dim3A_1746, %get3A_1761 : vector<16xf32>
      %get3A_1763 = arith.constant 2 : i32
      %get3A_1764 = arith.constant 2 : i32
      %get3A_1765 = arith.index_cast %get3A_1763 : i32 to index
      %get3A_1766 = arith.index_cast %get3A_1764 : i32 to index
      %get3A_1767 = arith.constant 0 : index
      %get3A_1768 = tpu.vector_load %arg7[%get3A_1765, %get3A_1766, %get3A_1767] {strides = array<i32>} : memref<4x100x16xf32, #tpu.memory_space<vmem>>, vector<1x1x16xf32>,
      %get3A_1769 = vector.shape_cast %get3A_1768 : vector<1x1x16xf32> to vector<16xf32>
      %add3A_1770 = arith.addf %add3A_1754, %get3A_1769 : vector<16xf32>
      %get3A_1771 = arith.constant 2 : i32
      %get3A_1772 = arith.constant 3 : i32
      %get3A_1773 = arith.index_cast %get3A_1771 : i32 to index
      %get3A_1774 = arith.index_cast %get3A_1772 : i32 to index
      %get3A_1775 = arith.constant 0 : index
      %get3A_1776 = tpu.vector_load %arg7[%get3A_1773, %get3A_1774, %get3A_1775] {strides = array<i32>} : memref<4x100x16xf32, #tpu.memory_space<vmem>>, vector<1x1x16xf32>,
      %get3A_1777 = vector.shape_cast %get3A_1776 : vector<1x1x16xf32> to vector<16xf32>
      %add3A_1778 = arith.addf %add3A_1762, %get3A_1777 : vector<16xf32>
      %get3A_1779 = arith.constant 2 : i32
      %get3A_1780 = arith.constant 4 : i32
      %get3A_1781 = arith.index_cast %get3A_1779 : i32 to index
      %get3A_1782 = arith.index_cast %get3A_1780 : i32 to index
      %get3A_1783 = arith.constant 0 : index
      %get3A_1784 = tpu.vector_load %arg7[%get3A_1781, %get3A_1782, %get3A_1783] {strides = array<i32>} : memref<4x100x16xf32, #tpu.memory_space<vmem>>, vector<1x1x16xf32>,
      %get3A_1785 = vector.shape_cast %get3A_1784 : vector<1x1x16xf32> to vector<16xf32>
      %add3A_1786 = arith.addf %add3A_1770, %get3A_1785 : vector<16xf32>
      %get3A_1787 = arith.constant 2 : i32
      %get3A_1788 = arith.constant 5 : i32
      %get3A_1789 = arith.index_cast %get3A_1787 : i32 to index
      %get3A_1790 = arith.index_cast %get3A_1788 : i32 to index
      %get3A_1791 = arith.constant 0 : index
      %get3A_1792 = tpu.vector_load %arg7[%get3A_1789, %get3A_1790, %get3A_1791] {strides = array<i32>} : memref<4x100x16xf32, #tpu.memory_space<vmem>>, vector<1x1x16xf32>,
      %get3A_1793 = vector.shape_cast %get3A_1792 : vector<1x1x16xf32> to vector<16xf32>
      %add3A_1794 = arith.addf %add3A_1778, %get3A_1793 : vector<16xf32>
      %get3A_1795 = arith.constant 2 : i32
      %get3A_1796 = arith.constant 6 : i32
      %get3A_1797 = arith.index_cast %get3A_1795 : i32 to index
      %get3A_1798 = arith.index_cast %get3A_1796 : i32 to index
      %get3A_1799 = arith.constant 0 : index
      %get3A_1800 = tpu.vector_load %arg7[%get3A_1797, %get3A_1798, %get3A_1799] {strides = array<i32>} : memref<4x100x16xf32, #tpu.memory_space<vmem>>, vector<1x1x16xf32>,
      %get3A_1801 = vector.shape_cast %get3A_1800 : vector<1x1x16xf32> to vector<16xf32>
      %add3A_1802 = arith.addf %add3A_1786, %get3A_1801 : vector<16xf32>
      %get3A_1803 = arith.constant 2 : i32
      %get3A_1804 = arith.constant 7 : i32
      %get3A_1805 = arith.index_cast %get3A_1803 : i32 to index
      %get3A_1806 = arith.index_cast %get3A_1804 : i32 to index
      %get3A_1807 = arith.constant 0 : index
      %get3A_1808 = tpu.vector_load %arg7[%get3A_1805, %get3A_1806, %get3A_1807] {strides = array<i32>} : memref<4x100x16xf32, #tpu.memory_space<vmem>>, vector<1x1x16xf32>,
      %get3A_1809 = vector.shape_cast %get3A_1808 : vector<1x1x16xf32> to vector<16xf32>
      %add3A_1810 = arith.addf %add3A_1794, %get3A_1809 : vector<16xf32>
      %get3A_1811 = arith.constant 2 : i32
      %get3A_1812 = arith.constant 8 : i32
      %get3A_1813 = arith.index_cast %get3A_1811 : i32 to index
      %get3A_1814 = arith.index_cast %get3A_1812 : i32 to index
      %get3A_1815 = arith.constant 0 : index
      %get3A_1816 = tpu.vector_load %arg7[%get3A_1813, %get3A_1814, %get3A_1815] {strides = array<i32>} : memref<4x100x16xf32, #tpu.memory_space<vmem>>, vector<1x1x16xf32>,
      %get3A_1817 = vector.shape_cast %get3A_1816 : vector<1x1x16xf32> to vector<16xf32>
      %add3A_1818 = arith.addf %add3A_1802, %get3A_1817 : vector<16xf32>
      %get3A_1819 = arith.constant 2 : i32
      %get3A_1820 = arith.constant 9 : i32
      %get3A_1821 = arith.index_cast %get3A_1819 : i32 to index
      %get3A_1822 = arith.index_cast %get3A_1820 : i32 to index
      %get3A_1823 = arith.constant 0 : index
      %get3A_1824 = tpu.vector_load %arg7[%get3A_1821, %get3A_1822, %get3A_1823] {strides = array<i32>} : memref<4x100x16xf32, #tpu.memory_space<vmem>>, vector<1x1x16xf32>,
      %get3A_1825 = vector.shape_cast %get3A_1824 : vector<1x1x16xf32> to vector<16xf32>
      %add3A_1826 = arith.addf %add3A_1810, %get3A_1825 : vector<16xf32>
      %get3A_1827 = arith.constant 2 : i32
      %get3A_1828 = arith.constant 10 : i32
      %get3A_1829 = arith.index_cast %get3A_1827 : i32 to index
      %get3A_1830 = arith.index_cast %get3A_1828 : i32 to index
      %get3A_1831 = arith.constant 0 : index
      %get3A_1832 = tpu.vector_load %arg7[%get3A_1829, %get3A_1830, %get3A_1831] {strides = array<i32>} : memref<4x100x16xf32, #tpu.memory_space<vmem>>, vector<1x1x16xf32>,
      %get3A_1833 = vector.shape_cast %get3A_1832 : vector<1x1x16xf32> to vector<16xf32>
      %add3A_1834 = arith.addf %add3A_1818, %get3A_1833 : vector<16xf32>
      %get3A_1835 = arith.constant 2 : i32
      %get3A_1836 = arith.constant 11 : i32
      %get3A_1837 = arith.index_cast %get3A_1835 : i32 to index
      %get3A_1838 = arith.index_cast %get3A_1836 : i32 to index
      %get3A_1839 = arith.constant 0 : index
      %get3A_1840 = tpu.vector_load %arg7[%get3A_1837, %get3A_1838, %get3A_1839] {strides = array<i32>} : memref<4x100x16xf32, #tpu.memory_space<vmem>>, vector<1x1x16xf32>,
      %get3A_1841 = vector.shape_cast %get3A_1840 : vector<1x1x16xf32> to vector<16xf32>
      %add3A_1842 = arith.addf %add3A_1826, %get3A_1841 : vector<16xf32>
      %get3A_1843 = arith.constant 2 : i32
      %get3A_1844 = arith.constant 12 : i32
      %get3A_1845 = arith.index_cast %get3A_1843 : i32 to index
      %get3A_1846 = arith.index_cast %get3A_1844 : i32 to index
      %get3A_1847 = arith.constant 0 : index
      %get3A_1848 = tpu.vector_load %arg7[%get3A_1845, %get3A_1846, %get3A_1847] {strides = array<i32>} : memref<4x100x16xf32, #tpu.memory_space<vmem>>, vector<1x1x16xf32>,
      %get3A_1849 = vector.shape_cast %get3A_1848 : vector<1x1x16xf32> to vector<16xf32>
      %add3A_1850 = arith.addf %add3A_1834, %get3A_1849 : vector<16xf32>
      %get3A_1851 = arith.constant 2 : i32
      %get3A_1852 = arith.constant 13 : i32
      %get3A_1853 = arith.index_cast %get3A_1851 : i32 to index
      %get3A_1854 = arith.index_cast %get3A_1852 : i32 to index
      %get3A_1855 = arith.constant 0 : index
      %get3A_1856 = tpu.vector_load %arg7[%get3A_1853, %get3A_1854, %get3A_1855] {strides = array<i32>} : memref<4x100x16xf32, #tpu.memory_space<vmem>>, vector<1x1x16xf32>,
      %get3A_1857 = vector.shape_cast %get3A_1856 : vector<1x1x16xf32> to vector<16xf32>
      %add3A_1858 = arith.addf %add3A_1842, %get3A_1857 : vector<16xf32>
      %get3A_1859 = arith.constant 2 : i32
      %get3A_1860 = arith.constant 14 : i32
      %get3A_1861 = arith.index_cast %get3A_1859 : i32 to index
      %get3A_1862 = arith.index_cast %get3A_1860 : i32 to index
      %get3A_1863 = arith.constant 0 : index
      %get3A_1864 = tpu.vector_load %arg7[%get3A_1861, %get3A_1862, %get3A_1863] {strides = array<i32>} : memref<4x100x16xf32, #tpu.memory_space<vmem>>, vector<1x1x16xf32>,
      %get3A_1865 = vector.shape_cast %get3A_1864 : vector<1x1x16xf32> to vector<16xf32>
      %add3A_1866 = arith.addf %add3A_1850, %get3A_1865 : vector<16xf32>
      %get3A_1867 = arith.constant 2 : i32
      %get3A_1868 = arith.constant 15 : i32
      %get3A_1869 = arith.index_cast %get3A_1867 : i32 to index
      %get3A_1870 = arith.index_cast %get3A_1868 : i32 to index
      %get3A_1871 = arith.constant 0 : index
      %get3A_1872 = tpu.vector_load %arg7[%get3A_1869, %get3A_1870, %get3A_1871] {strides = array<i32>} : memref<4x100x16xf32, #tpu.memory_space<vmem>>, vector<1x1x16xf32>,
      %get3A_1873 = vector.shape_cast %get3A_1872 : vector<1x1x16xf32> to vector<16xf32>
      %add3A_1874 = arith.addf %add3A_1858, %get3A_1873 : vector<16xf32>
      %get3A_1875 = arith.constant 2 : i32
      %get3A_1876 = arith.constant 16 : i32
      %get3A_1877 = arith.index_cast %get3A_1875 : i32 to index
      %get3A_1878 = arith.index_cast %get3A_1876 : i32 to index
      %get3A_1879 = arith.constant 0 : index
      %get3A_1880 = tpu.vector_load %arg7[%get3A_1877, %get3A_1878, %get3A_1879] {strides = array<i32>} : memref<4x100x16xf32, #tpu.memory_space<vmem>>, vector<1x1x16xf32>,
      %get3A_1881 = vector.shape_cast %get3A_1880 : vector<1x1x16xf32> to vector<16xf32>
      %add3A_1882 = arith.addf %add3A_1866, %get3A_1881 : vector<16xf32>
      %get3A_1883 = arith.constant 2 : i32
      %get3A_1884 = arith.constant 17 : i32
      %get3A_1885 = arith.index_cast %get3A_1883 : i32 to index
      %get3A_1886 = arith.index_cast %get3A_1884 : i32 to index
      %get3A_1887 = arith.constant 0 : index
      %get3A_1888 = tpu.vector_load %arg7[%get3A_1885, %get3A_1886, %get3A_1887] {strides = array<i32>} : memref<4x100x16xf32, #tpu.memory_space<vmem>>, vector<1x1x16xf32>,
      %get3A_1889 = vector.shape_cast %get3A_1888 : vector<1x1x16xf32> to vector<16xf32>
      %add3A_1890 = arith.addf %add3A_1874, %get3A_1889 : vector<16xf32>
      %get3A_1891 = arith.constant 2 : i32
      %get3A_1892 = arith.constant 18 : i32
      %get3A_1893 = arith.index_cast %get3A_1891 : i32 to index
      %get3A_1894 = arith.index_cast %get3A_1892 : i32 to index
      %get3A_1895 = arith.constant 0 : index
      %get3A_1896 = tpu.vector_load %arg7[%get3A_1893, %get3A_1894, %get3A_1895] {strides = array<i32>} : memref<4x100x16xf32, #tpu.memory_space<vmem>>, vector<1x1x16xf32>,
      %get3A_1897 = vector.shape_cast %get3A_1896 : vector<1x1x16xf32> to vector<16xf32>
      %add3A_1898 = arith.addf %add3A_1882, %get3A_1897 : vector<16xf32>
      %get3A_1899 = arith.constant 2 : i32
      %get3A_1900 = arith.constant 19 : i32
      %get3A_1901 = arith.index_cast %get3A_1899 : i32 to index
      %get3A_1902 = arith.index_cast %get3A_1900 : i32 to index
      %get3A_1903 = arith.constant 0 : index
      %get3A_1904 = tpu.vector_load %arg7[%get3A_1901, %get3A_1902, %get3A_1903] {strides = array<i32>} : memref<4x100x16xf32, #tpu.memory_space<vmem>>, vector<1x1x16xf32>,
      %get3A_1905 = vector.shape_cast %get3A_1904 : vector<1x1x16xf32> to vector<16xf32>
      %add3A_1906 = arith.addf %add3A_1890, %get3A_1905 : vector<16xf32>
      %get3A_1907 = arith.constant 2 : i32
      %get3A_1908 = arith.constant 20 : i32
      %get3A_1909 = arith.index_cast %get3A_1907 : i32 to index
      %get3A_1910 = arith.index_cast %get3A_1908 : i32 to index
      %get3A_1911 = arith.constant 0 : index
      %get3A_1912 = tpu.vector_load %arg7[%get3A_1909, %get3A_1910, %get3A_1911] {strides = array<i32>} : memref<4x100x16xf32, #tpu.memory_space<vmem>>, vector<1x1x16xf32>,
      %get3A_1913 = vector.shape_cast %get3A_1912 : vector<1x1x16xf32> to vector<16xf32>
      %add3A_1914 = arith.addf %add3A_1898, %get3A_1913 : vector<16xf32>
      %get3A_1915 = arith.constant 2 : i32
      %get3A_1916 = arith.constant 21 : i32
      %get3A_1917 = arith.index_cast %get3A_1915 : i32 to index
      %get3A_1918 = arith.index_cast %get3A_1916 : i32 to index
      %get3A_1919 = arith.constant 0 : index
      %get3A_1920 = tpu.vector_load %arg7[%get3A_1917, %get3A_1918, %get3A_1919] {strides = array<i32>} : memref<4x100x16xf32, #tpu.memory_space<vmem>>, vector<1x1x16xf32>,
      %get3A_1921 = vector.shape_cast %get3A_1920 : vector<1x1x16xf32> to vector<16xf32>
      %add3A_1922 = arith.addf %add3A_1906, %get3A_1921 : vector<16xf32>
      %get3A_1923 = arith.constant 2 : i32
      %get3A_1924 = arith.constant 22 : i32
      %get3A_1925 = arith.index_cast %get3A_1923 : i32 to index
      %get3A_1926 = arith.index_cast %get3A_1924 : i32 to index
      %get3A_1927 = arith.constant 0 : index
      %get3A_1928 = tpu.vector_load %arg7[%get3A_1925, %get3A_1926, %get3A_1927] {strides = array<i32>} : memref<4x100x16xf32, #tpu.memory_space<vmem>>, vector<1x1x16xf32>,
      %get3A_1929 = vector.shape_cast %get3A_1928 : vector<1x1x16xf32> to vector<16xf32>
      %add3A_1930 = arith.addf %add3A_1914, %get3A_1929 : vector<16xf32>
      %get3A_1931 = arith.constant 2 : i32
      %get3A_1932 = arith.constant 23 : i32
      %get3A_1933 = arith.index_cast %get3A_1931 : i32 to index
      %get3A_1934 = arith.index_cast %get3A_1932 : i32 to index
      %get3A_1935 = arith.constant 0 : index
      %get3A_1936 = tpu.vector_load %arg7[%get3A_1933, %get3A_1934, %get3A_1935] {strides = array<i32>} : memref<4x100x16xf32, #tpu.memory_space<vmem>>, vector<1x1x16xf32>,
      %get3A_1937 = vector.shape_cast %get3A_1936 : vector<1x1x16xf32> to vector<16xf32>
      %add3A_1938 = arith.addf %add3A_1922, %get3A_1937 : vector<16xf32>
      %get3A_1939 = arith.constant 2 : i32
      %get3A_1940 = arith.constant 24 : i32
      %get3A_1941 = arith.index_cast %get3A_1939 : i32 to index
      %get3A_1942 = arith.index_cast %get3A_1940 : i32 to index
      %get3A_1943 = arith.constant 0 : index
      %get3A_1944 = tpu.vector_load %arg7[%get3A_1941, %get3A_1942, %get3A_1943] {strides = array<i32>} : memref<4x100x16xf32, #tpu.memory_space<vmem>>, vector<1x1x16xf32>,
      %get3A_1945 = vector.shape_cast %get3A_1944 : vector<1x1x16xf32> to vector<16xf32>
      %add3A_1946 = arith.addf %add3A_1930, %get3A_1945 : vector<16xf32>
      %get3A_1947 = arith.constant 2 : i32
      %get3A_1948 = arith.constant 25 : i32
      %get3A_1949 = arith.index_cast %get3A_1947 : i32 to index
      %get3A_1950 = arith.index_cast %get3A_1948 : i32 to index
      %get3A_1951 = arith.constant 0 : index
      %get3A_1952 = tpu.vector_load %arg7[%get3A_1949, %get3A_1950, %get3A_1951] {strides = array<i32>} : memref<4x100x16xf32, #tpu.memory_space<vmem>>, vector<1x1x16xf32>,
      %get3A_1953 = vector.shape_cast %get3A_1952 : vector<1x1x16xf32> to vector<16xf32>
      %add3A_1954 = arith.addf %add3A_1938, %get3A_1953 : vector<16xf32>
      %get3A_1955 = arith.constant 2 : i32
      %get3A_1956 = arith.constant 26 : i32
      %get3A_1957 = arith.index_cast %get3A_1955 : i32 to index
      %get3A_1958 = arith.index_cast %get3A_1956 : i32 to index
      %get3A_1959 = arith.constant 0 : index
      %get3A_1960 = tpu.vector_load %arg7[%get3A_1957, %get3A_1958, %get3A_1959] {strides = array<i32>} : memref<4x100x16xf32, #tpu.memory_space<vmem>>, vector<1x1x16xf32>,
      %get3A_1961 = vector.shape_cast %get3A_1960 : vector<1x1x16xf32> to vector<16xf32>
      %add3A_1962 = arith.addf %add3A_1946, %get3A_1961 : vector<16xf32>
      %get3A_1963 = arith.constant 2 : i32
      %get3A_1964 = arith.constant 27 : i32
      %get3A_1965 = arith.index_cast %get3A_1963 : i32 to index
      %get3A_1966 = arith.index_cast %get3A_1964 : i32 to index
      %get3A_1967 = arith.constant 0 : index
      %get3A_1968 = tpu.vector_load %arg7[%get3A_1965, %get3A_1966, %get3A_1967] {strides = array<i32>} : memref<4x100x16xf32, #tpu.memory_space<vmem>>, vector<1x1x16xf32>,
      %get3A_1969 = vector.shape_cast %get3A_1968 : vector<1x1x16xf32> to vector<16xf32>
      %add3A_1970 = arith.addf %add3A_1954, %get3A_1969 : vector<16xf32>
      %get3A_1971 = arith.constant 2 : i32
      %get3A_1972 = arith.constant 28 : i32
      %get3A_1973 = arith.index_cast %get3A_1971 : i32 to index
      %get3A_1974 = arith.index_cast %get3A_1972 : i32 to index
      %get3A_1975 = arith.constant 0 : index
      %get3A_1976 = tpu.vector_load %arg7[%get3A_1973, %get3A_1974, %get3A_1975] {strides = array<i32>} : memref<4x100x16xf32, #tpu.memory_space<vmem>>, vector<1x1x16xf32>,
      %get3A_1977 = vector.shape_cast %get3A_1976 : vector<1x1x16xf32> to vector<16xf32>
      %add3A_1978 = arith.addf %add3A_1962, %get3A_1977 : vector<16xf32>
      %get3A_1979 = arith.constant 2 : i32
      %get3A_1980 = arith.constant 29 : i32
      %get3A_1981 = arith.index_cast %get3A_1979 : i32 to index
      %get3A_1982 = arith.index_cast %get3A_1980 : i32 to index
      %get3A_1983 = arith.constant 0 : index
      %get3A_1984 = tpu.vector_load %arg7[%get3A_1981, %get3A_1982, %get3A_1983] {strides = array<i32>} : memref<4x100x16xf32, #tpu.memory_space<vmem>>, vector<1x1x16xf32>,
      %get3A_1985 = vector.shape_cast %get3A_1984 : vector<1x1x16xf32> to vector<16xf32>
      %add3A_1986 = arith.addf %add3A_1970, %get3A_1985 : vector<16xf32>
      %get3A_1987 = arith.constant 2 : i32
      %get3A_1988 = arith.constant 30 : i32
      %get3A_1989 = arith.index_cast %get3A_1987 : i32 to index
      %get3A_1990 = arith.index_cast %get3A_1988 : i32 to index
      %get3A_1991 = arith.constant 0 : index
      %get3A_1992 = tpu.vector_load %arg7[%get3A_1989, %get3A_1990, %get3A_1991] {strides = array<i32>} : memref<4x100x16xf32, #tpu.memory_space<vmem>>, vector<1x1x16xf32>,
      %get3A_1993 = vector.shape_cast %get3A_1992 : vector<1x1x16xf32> to vector<16xf32>
      %add3A_1994 = arith.addf %add3A_1978, %get3A_1993 : vector<16xf32>
      %get3A_1995 = arith.constant 2 : i32
      %get3A_1996 = arith.constant 31 : i32
      %get3A_1997 = arith.index_cast %get3A_1995 : i32 to index
      %get3A_1998 = arith.index_cast %get3A_1996 : i32 to index
      %get3A_1999 = arith.constant 0 : index
      %get3A_2000 = tpu.vector_load %arg7[%get3A_1997, %get3A_1998, %get3A_1999] {strides = array<i32>} : memref<4x100x16xf32, #tpu.memory_space<vmem>>, vector<1x1x16xf32>,
      %get3A_2001 = vector.shape_cast %get3A_2000 : vector<1x1x16xf32> to vector<16xf32>
      %add3A_2002 = arith.addf %add3A_1986, %get3A_2001 : vector<16xf32>
      %get3A_2003 = arith.constant 2 : i32
      %get3A_2004 = arith.constant 32 : i32
      %get3A_2005 = arith.index_cast %get3A_2003 : i32 to index
      %get3A_2006 = arith.index_cast %get3A_2004 : i32 to index
      %get3A_2007 = arith.constant 0 : index
      %get3A_2008 = tpu.vector_load %arg7[%get3A_2005, %get3A_2006, %get3A_2007] {strides = array<i32>} : memref<4x100x16xf32, #tpu.memory_space<vmem>>, vector<1x1x16xf32>,
      %get3A_2009 = vector.shape_cast %get3A_2008 : vector<1x1x16xf32> to vector<16xf32>
      %add3A_2010 = arith.addf %add3A_1994, %get3A_2009 : vector<16xf32>
      %get3A_2011 = arith.constant 2 : i32
      %get3A_2012 = arith.constant 33 : i32
      %get3A_2013 = arith.index_cast %get3A_2011 : i32 to index
      %get3A_2014 = arith.index_cast %get3A_2012 : i32 to index
      %get3A_2015 = arith.constant 0 : index
      %get3A_2016 = tpu.vector_load %arg7[%get3A_2013, %get3A_2014, %get3A_2015] {strides = array<i32>} : memref<4x100x16xf32, #tpu.memory_space<vmem>>, vector<1x1x16xf32>,
      %get3A_2017 = vector.shape_cast %get3A_2016 : vector<1x1x16xf32> to vector<16xf32>
      %add3A_2018 = arith.addf %add3A_2002, %get3A_2017 : vector<16xf32>
      %get3A_2019 = arith.constant 2 : i32
      %get3A_2020 = arith.constant 34 : i32
      %get3A_2021 = arith.index_cast %get3A_2019 : i32 to index
      %get3A_2022 = arith.index_cast %get3A_2020 : i32 to index
      %get3A_2023 = arith.constant 0 : index
      %get3A_2024 = tpu.vector_load %arg7[%get3A_2021, %get3A_2022, %get3A_2023] {strides = array<i32>} : memref<4x100x16xf32, #tpu.memory_space<vmem>>, vector<1x1x16xf32>,
      %get3A_2025 = vector.shape_cast %get3A_2024 : vector<1x1x16xf32> to vector<16xf32>
      %add3A_2026 = arith.addf %add3A_2010, %get3A_2025 : vector<16xf32>
      %get3A_2027 = arith.constant 2 : i32
      %get3A_2028 = arith.constant 35 : i32
      %get3A_2029 = arith.index_cast %get3A_2027 : i32 to index
      %get3A_2030 = arith.index_cast %get3A_2028 : i32 to index
      %get3A_2031 = arith.constant 0 : index
      %get3A_2032 = tpu.vector_load %arg7[%get3A_2029, %get3A_2030, %get3A_2031] {strides = array<i32>} : memref<4x100x16xf32, #tpu.memory_space<vmem>>, vector<1x1x16xf32>,
      %get3A_2033 = vector.shape_cast %get3A_2032 : vector<1x1x16xf32> to vector<16xf32>
      %add3A_2034 = arith.addf %add3A_2018, %get3A_2033 : vector<16xf32>
      %get3A_2035 = arith.constant 2 : i32
      %get3A_2036 = arith.constant 36 : i32
      %get3A_2037 = arith.index_cast %get3A_2035 : i32 to index
      %get3A_2038 = arith.index_cast %get3A_2036 : i32 to index
      %get3A_2039 = arith.constant 0 : index
      %get3A_2040 = tpu.vector_load %arg7[%get3A_2037, %get3A_2038, %get3A_2039] {strides = array<i32>} : memref<4x100x16xf32, #tpu.memory_space<vmem>>, vector<1x1x16xf32>,
      %get3A_2041 = vector.shape_cast %get3A_2040 : vector<1x1x16xf32> to vector<16xf32>
      %add3A_2042 = arith.addf %add3A_2026, %get3A_2041 : vector<16xf32>
      %get3A_2043 = arith.constant 2 : i32
      %get3A_2044 = arith.constant 37 : i32
      %get3A_2045 = arith.index_cast %get3A_2043 : i32 to index
      %get3A_2046 = arith.index_cast %get3A_2044 : i32 to index
      %get3A_2047 = arith.constant 0 : index
      %get3A_2048 = tpu.vector_load %arg7[%get3A_2045, %get3A_2046, %get3A_2047] {strides = array<i32>} : memref<4x100x16xf32, #tpu.memory_space<vmem>>, vector<1x1x16xf32>,
      %get3A_2049 = vector.shape_cast %get3A_2048 : vector<1x1x16xf32> to vector<16xf32>
      %add3A_2050 = arith.addf %add3A_2034, %get3A_2049 : vector<16xf32>
      %get3A_2051 = arith.constant 2 : i32
      %get3A_2052 = arith.constant 38 : i32
      %get3A_2053 = arith.index_cast %get3A_2051 : i32 to index
      %get3A_2054 = arith.index_cast %get3A_2052 : i32 to index
      %get3A_2055 = arith.constant 0 : index
      %get3A_2056 = tpu.vector_load %arg7[%get3A_2053, %get3A_2054, %get3A_2055] {strides = array<i32>} : memref<4x100x16xf32, #tpu.memory_space<vmem>>, vector<1x1x16xf32>,
      %get3A_2057 = vector.shape_cast %get3A_2056 : vector<1x1x16xf32> to vector<16xf32>
      %add3A_2058 = arith.addf %add3A_2042, %get3A_2057 : vector<16xf32>
      %get3A_2059 = arith.constant 2 : i32
      %get3A_2060 = arith.constant 39 : i32
      %get3A_2061 = arith.index_cast %get3A_2059 : i32 to index
      %get3A_2062 = arith.index_cast %get3A_2060 : i32 to index
      %get3A_2063 = arith.constant 0 : index
      %get3A_2064 = tpu.vector_load %arg7[%get3A_2061, %get3A_2062, %get3A_2063] {strides = array<i32>} : memref<4x100x16xf32, #tpu.memory_space<vmem>>, vector<1x1x16xf32>,
      %get3A_2065 = vector.shape_cast %get3A_2064 : vector<1x1x16xf32> to vector<16xf32>
      %add3A_2066 = arith.addf %add3A_2050, %get3A_2065 : vector<16xf32>
      %get3A_2067 = arith.constant 2 : i32
      %get3A_2068 = arith.constant 40 : i32
      %get3A_2069 = arith.index_cast %get3A_2067 : i32 to index
      %get3A_2070 = arith.index_cast %get3A_2068 : i32 to index
      %get3A_2071 = arith.constant 0 : index
      %get3A_2072 = tpu.vector_load %arg7[%get3A_2069, %get3A_2070, %get3A_2071] {strides = array<i32>} : memref<4x100x16xf32, #tpu.memory_space<vmem>>, vector<1x1x16xf32>,
      %get3A_2073 = vector.shape_cast %get3A_2072 : vector<1x1x16xf32> to vector<16xf32>
      %add3A_2074 = arith.addf %add3A_2058, %get3A_2073 : vector<16xf32>
      %get3A_2075 = arith.constant 2 : i32
      %get3A_2076 = arith.constant 41 : i32
      %get3A_2077 = arith.index_cast %get3A_2075 : i32 to index
      %get3A_2078 = arith.index_cast %get3A_2076 : i32 to index
      %get3A_2079 = arith.constant 0 : index
      %get3A_2080 = tpu.vector_load %arg7[%get3A_2077, %get3A_2078, %get3A_2079] {strides = array<i32>} : memref<4x100x16xf32, #tpu.memory_space<vmem>>, vector<1x1x16xf32>,
      %get3A_2081 = vector.shape_cast %get3A_2080 : vector<1x1x16xf32> to vector<16xf32>
      %add3A_2082 = arith.addf %add3A_2066, %get3A_2081 : vector<16xf32>
      %get3A_2083 = arith.constant 2 : i32
      %get3A_2084 = arith.constant 42 : i32
      %get3A_2085 = arith.index_cast %get3A_2083 : i32 to index
      %get3A_2086 = arith.index_cast %get3A_2084 : i32 to index
      %get3A_2087 = arith.constant 0 : index
      %get3A_2088 = tpu.vector_load %arg7[%get3A_2085, %get3A_2086, %get3A_2087] {strides = array<i32>} : memref<4x100x16xf32, #tpu.memory_space<vmem>>, vector<1x1x16xf32>,
      %get3A_2089 = vector.shape_cast %get3A_2088 : vector<1x1x16xf32> to vector<16xf32>
      %add3A_2090 = arith.addf %add3A_2074, %get3A_2089 : vector<16xf32>
      %get3A_2091 = arith.constant 2 : i32
      %get3A_2092 = arith.constant 43 : i32
      %get3A_2093 = arith.index_cast %get3A_2091 : i32 to index
      %get3A_2094 = arith.index_cast %get3A_2092 : i32 to index
      %get3A_2095 = arith.constant 0 : index
      %get3A_2096 = tpu.vector_load %arg7[%get3A_2093, %get3A_2094, %get3A_2095] {strides = array<i32>} : memref<4x100x16xf32, #tpu.memory_space<vmem>>, vector<1x1x16xf32>,
      %get3A_2097 = vector.shape_cast %get3A_2096 : vector<1x1x16xf32> to vector<16xf32>
      %add3A_2098 = arith.addf %add3A_2082, %get3A_2097 : vector<16xf32>
      %get3A_2099 = arith.constant 2 : i32
      %get3A_2100 = arith.constant 44 : i32
      %get3A_2101 = arith.index_cast %get3A_2099 : i32 to index
      %get3A_2102 = arith.index_cast %get3A_2100 : i32 to index
      %get3A_2103 = arith.constant 0 : index
      %get3A_2104 = tpu.vector_load %arg7[%get3A_2101, %get3A_2102, %get3A_2103] {strides = array<i32>} : memref<4x100x16xf32, #tpu.memory_space<vmem>>, vector<1x1x16xf32>,
      %get3A_2105 = vector.shape_cast %get3A_2104 : vector<1x1x16xf32> to vector<16xf32>
      %add3A_2106 = arith.addf %add3A_2090, %get3A_2105 : vector<16xf32>
      %get3A_2107 = arith.constant 2 : i32
      %get3A_2108 = arith.constant 45 : i32
      %get3A_2109 = arith.index_cast %get3A_2107 : i32 to index
      %get3A_2110 = arith.index_cast %get3A_2108 : i32 to index
      %get3A_2111 = arith.constant 0 : index
      %get3A_2112 = tpu.vector_load %arg7[%get3A_2109, %get3A_2110, %get3A_2111] {strides = array<i32>} : memref<4x100x16xf32, #tpu.memory_space<vmem>>, vector<1x1x16xf32>,
      %get3A_2113 = vector.shape_cast %get3A_2112 : vector<1x1x16xf32> to vector<16xf32>
      %add3A_2114 = arith.addf %add3A_2098, %get3A_2113 : vector<16xf32>
      %get3A_2115 = arith.constant 2 : i32
      %get3A_2116 = arith.constant 46 : i32
      %get3A_2117 = arith.index_cast %get3A_2115 : i32 to index
      %get3A_2118 = arith.index_cast %get3A_2116 : i32 to index
      %get3A_2119 = arith.constant 0 : index
      %get3A_2120 = tpu.vector_load %arg7[%get3A_2117, %get3A_2118, %get3A_2119] {strides = array<i32>} : memref<4x100x16xf32, #tpu.memory_space<vmem>>, vector<1x1x16xf32>,
      %get3A_2121 = vector.shape_cast %get3A_2120 : vector<1x1x16xf32> to vector<16xf32>
      %add3A_2122 = arith.addf %add3A_2106, %get3A_2121 : vector<16xf32>
      %get3A_2123 = arith.constant 2 : i32
      %get3A_2124 = arith.constant 47 : i32
      %get3A_2125 = arith.index_cast %get3A_2123 : i32 to index
      %get3A_2126 = arith.index_cast %get3A_2124 : i32 to index
      %get3A_2127 = arith.constant 0 : index
      %get3A_2128 = tpu.vector_load %arg7[%get3A_2125, %get3A_2126, %get3A_2127] {strides = array<i32>} : memref<4x100x16xf32, #tpu.memory_space<vmem>>, vector<1x1x16xf32>,
      %get3A_2129 = vector.shape_cast %get3A_2128 : vector<1x1x16xf32> to vector<16xf32>
      %add3A_2130 = arith.addf %add3A_2114, %get3A_2129 : vector<16xf32>
      %get3A_2131 = arith.constant 2 : i32
      %get3A_2132 = arith.constant 48 : i32
      %get3A_2133 = arith.index_cast %get3A_2131 : i32 to index
      %get3A_2134 = arith.index_cast %get3A_2132 : i32 to index
      %get3A_2135 = arith.constant 0 : index
      %get3A_2136 = tpu.vector_load %arg7[%get3A_2133, %get3A_2134, %get3A_2135] {strides = array<i32>} : memref<4x100x16xf32, #tpu.memory_space<vmem>>, vector<1x1x16xf32>,
      %get3A_2137 = vector.shape_cast %get3A_2136 : vector<1x1x16xf32> to vector<16xf32>
      %add3A_2138 = arith.addf %add3A_2122, %get3A_2137 : vector<16xf32>
      %get3A_2139 = arith.constant 2 : i32
      %get3A_2140 = arith.constant 49 : i32
      %get3A_2141 = arith.index_cast %get3A_2139 : i32 to index
      %get3A_2142 = arith.index_cast %get3A_2140 : i32 to index
      %get3A_2143 = arith.constant 0 : index
      %get3A_2144 = tpu.vector_load %arg7[%get3A_2141, %get3A_2142, %get3A_2143] {strides = array<i32>} : memref<4x100x16xf32, #tpu.memory_space<vmem>>, vector<1x1x16xf32>,
      %get3A_2145 = vector.shape_cast %get3A_2144 : vector<1x1x16xf32> to vector<16xf32>
      %add3A_2146 = arith.addf %add3A_2130, %get3A_2145 : vector<16xf32>
      %get3A_2147 = arith.constant 2 : i32
      %get3A_2148 = arith.constant 50 : i32
      %get3A_2149 = arith.index_cast %get3A_2147 : i32 to index
      %get3A_2150 = arith.index_cast %get3A_2148 : i32 to index
      %get3A_2151 = arith.constant 0 : index
      %get3A_2152 = tpu.vector_load %arg7[%get3A_2149, %get3A_2150, %get3A_2151] {strides = array<i32>} : memref<4x100x16xf32, #tpu.memory_space<vmem>>, vector<1x1x16xf32>,
      %get3A_2153 = vector.shape_cast %get3A_2152 : vector<1x1x16xf32> to vector<16xf32>
      %add3A_2154 = arith.addf %add3A_2138, %get3A_2153 : vector<16xf32>
      %get3A_2155 = arith.constant 2 : i32
      %get3A_2156 = arith.constant 51 : i32
      %get3A_2157 = arith.index_cast %get3A_2155 : i32 to index
      %get3A_2158 = arith.index_cast %get3A_2156 : i32 to index
      %get3A_2159 = arith.constant 0 : index
      %get3A_2160 = tpu.vector_load %arg7[%get3A_2157, %get3A_2158, %get3A_2159] {strides = array<i32>} : memref<4x100x16xf32, #tpu.memory_space<vmem>>, vector<1x1x16xf32>,
      %get3A_2161 = vector.shape_cast %get3A_2160 : vector<1x1x16xf32> to vector<16xf32>
      %add3A_2162 = arith.addf %add3A_2146, %get3A_2161 : vector<16xf32>
      %get3A_2163 = arith.constant 2 : i32
      %get3A_2164 = arith.constant 52 : i32
      %get3A_2165 = arith.index_cast %get3A_2163 : i32 to index
      %get3A_2166 = arith.index_cast %get3A_2164 : i32 to index
      %get3A_2167 = arith.constant 0 : index
      %get3A_2168 = tpu.vector_load %arg7[%get3A_2165, %get3A_2166, %get3A_2167] {strides = array<i32>} : memref<4x100x16xf32, #tpu.memory_space<vmem>>, vector<1x1x16xf32>,
      %get3A_2169 = vector.shape_cast %get3A_2168 : vector<1x1x16xf32> to vector<16xf32>
      %add3A_2170 = arith.addf %add3A_2154, %get3A_2169 : vector<16xf32>
      %get3A_2171 = arith.constant 2 : i32
      %get3A_2172 = arith.constant 53 : i32
      %get3A_2173 = arith.index_cast %get3A_2171 : i32 to index
      %get3A_2174 = arith.index_cast %get3A_2172 : i32 to index
      %get3A_2175 = arith.constant 0 : index
      %get3A_2176 = tpu.vector_load %arg7[%get3A_2173, %get3A_2174, %get3A_2175] {strides = array<i32>} : memref<4x100x16xf32, #tpu.memory_space<vmem>>, vector<1x1x16xf32>,
      %get3A_2177 = vector.shape_cast %get3A_2176 : vector<1x1x16xf32> to vector<16xf32>
      %add3A_2178 = arith.addf %add3A_2162, %get3A_2177 : vector<16xf32>
      %get3A_2179 = arith.constant 2 : i32
      %get3A_2180 = arith.constant 54 : i32
      %get3A_2181 = arith.index_cast %get3A_2179 : i32 to index
      %get3A_2182 = arith.index_cast %get3A_2180 : i32 to index
      %get3A_2183 = arith.constant 0 : index
      %get3A_2184 = tpu.vector_load %arg7[%get3A_2181, %get3A_2182, %get3A_2183] {strides = array<i32>} : memref<4x100x16xf32, #tpu.memory_space<vmem>>, vector<1x1x16xf32>,
      %get3A_2185 = vector.shape_cast %get3A_2184 : vector<1x1x16xf32> to vector<16xf32>
      %add3A_2186 = arith.addf %add3A_2170, %get3A_2185 : vector<16xf32>
      %get3A_2187 = arith.constant 2 : i32
      %get3A_2188 = arith.constant 55 : i32
      %get3A_2189 = arith.index_cast %get3A_2187 : i32 to index
      %get3A_2190 = arith.index_cast %get3A_2188 : i32 to index
      %get3A_2191 = arith.constant 0 : index
      %get3A_2192 = tpu.vector_load %arg7[%get3A_2189, %get3A_2190, %get3A_2191] {strides = array<i32>} : memref<4x100x16xf32, #tpu.memory_space<vmem>>, vector<1x1x16xf32>,
      %get3A_2193 = vector.shape_cast %get3A_2192 : vector<1x1x16xf32> to vector<16xf32>
      %add3A_2194 = arith.addf %add3A_2178, %get3A_2193 : vector<16xf32>
      %get3A_2195 = arith.constant 2 : i32
      %get3A_2196 = arith.constant 56 : i32
      %get3A_2197 = arith.index_cast %get3A_2195 : i32 to index
      %get3A_2198 = arith.index_cast %get3A_2196 : i32 to index
      %get3A_2199 = arith.constant 0 : index
      %get3A_2200 = tpu.vector_load %arg7[%get3A_2197, %get3A_2198, %get3A_2199] {strides = array<i32>} : memref<4x100x16xf32, #tpu.memory_space<vmem>>, vector<1x1x16xf32>,
      %get3A_2201 = vector.shape_cast %get3A_2200 : vector<1x1x16xf32> to vector<16xf32>
      %add3A_2202 = arith.addf %add3A_2186, %get3A_2201 : vector<16xf32>
      %get3A_2203 = arith.constant 2 : i32
      %get3A_2204 = arith.constant 57 : i32
      %get3A_2205 = arith.index_cast %get3A_2203 : i32 to index
      %get3A_2206 = arith.index_cast %get3A_2204 : i32 to index
      %get3A_2207 = arith.constant 0 : index
      %get3A_2208 = tpu.vector_load %arg7[%get3A_2205, %get3A_2206, %get3A_2207] {strides = array<i32>} : memref<4x100x16xf32, #tpu.memory_space<vmem>>, vector<1x1x16xf32>,
      %get3A_2209 = vector.shape_cast %get3A_2208 : vector<1x1x16xf32> to vector<16xf32>
      %add3A_2210 = arith.addf %add3A_2194, %get3A_2209 : vector<16xf32>
      %get3A_2211 = arith.constant 2 : i32
      %get3A_2212 = arith.constant 58 : i32
      %get3A_2213 = arith.index_cast %get3A_2211 : i32 to index
      %get3A_2214 = arith.index_cast %get3A_2212 : i32 to index
      %get3A_2215 = arith.constant 0 : index
      %get3A_2216 = tpu.vector_load %arg7[%get3A_2213, %get3A_2214, %get3A_2215] {strides = array<i32>} : memref<4x100x16xf32, #tpu.memory_space<vmem>>, vector<1x1x16xf32>,
      %get3A_2217 = vector.shape_cast %get3A_2216 : vector<1x1x16xf32> to vector<16xf32>
      %add3A_2218 = arith.addf %add3A_2202, %get3A_2217 : vector<16xf32>
      %get3A_2219 = arith.constant 2 : i32
      %get3A_2220 = arith.constant 59 : i32
      %get3A_2221 = arith.index_cast %get3A_2219 : i32 to index
      %get3A_2222 = arith.index_cast %get3A_2220 : i32 to index
      %get3A_2223 = arith.constant 0 : index
      %get3A_2224 = tpu.vector_load %arg7[%get3A_2221, %get3A_2222, %get3A_2223] {strides = array<i32>} : memref<4x100x16xf32, #tpu.memory_space<vmem>>, vector<1x1x16xf32>,
      %get3A_2225 = vector.shape_cast %get3A_2224 : vector<1x1x16xf32> to vector<16xf32>
      %add3A_2226 = arith.addf %add3A_2210, %get3A_2225 : vector<16xf32>
      %get3A_2227 = arith.constant 2 : i32
      %get3A_2228 = arith.constant 60 : i32
      %get3A_2229 = arith.index_cast %get3A_2227 : i32 to index
      %get3A_2230 = arith.index_cast %get3A_2228 : i32 to index
      %get3A_2231 = arith.constant 0 : index
      %get3A_2232 = tpu.vector_load %arg7[%get3A_2229, %get3A_2230, %get3A_2231] {strides = array<i32>} : memref<4x100x16xf32, #tpu.memory_space<vmem>>, vector<1x1x16xf32>,
      %get3A_2233 = vector.shape_cast %get3A_2232 : vector<1x1x16xf32> to vector<16xf32>
      %add3A_2234 = arith.addf %add3A_2218, %get3A_2233 : vector<16xf32>
      %get3A_2235 = arith.constant 2 : i32
      %get3A_2236 = arith.constant 61 : i32
      %get3A_2237 = arith.index_cast %get3A_2235 : i32 to index
      %get3A_2238 = arith.index_cast %get3A_2236 : i32 to index
      %get3A_2239 = arith.constant 0 : index
      %get3A_2240 = tpu.vector_load %arg7[%get3A_2237, %get3A_2238, %get3A_2239] {strides = array<i32>} : memref<4x100x16xf32, #tpu.memory_space<vmem>>, vector<1x1x16xf32>,
      %get3A_2241 = vector.shape_cast %get3A_2240 : vector<1x1x16xf32> to vector<16xf32>
      %add3A_2242 = arith.addf %add3A_2226, %get3A_2241 : vector<16xf32>
      %get3A_2243 = arith.constant 2 : i32
      %get3A_2244 = arith.constant 62 : i32
      %get3A_2245 = arith.index_cast %get3A_2243 : i32 to index
      %get3A_2246 = arith.index_cast %get3A_2244 : i32 to index
      %get3A_2247 = arith.constant 0 : index
      %get3A_2248 = tpu.vector_load %arg7[%get3A_2245, %get3A_2246, %get3A_2247] {strides = array<i32>} : memref<4x100x16xf32, #tpu.memory_space<vmem>>, vector<1x1x16xf32>,
      %get3A_2249 = vector.shape_cast %get3A_2248 : vector<1x1x16xf32> to vector<16xf32>
      %add3A_2250 = arith.addf %add3A_2234, %get3A_2249 : vector<16xf32>
      %get3A_2251 = arith.constant 2 : i32
      %get3A_2252 = arith.constant 63 : i32
      %get3A_2253 = arith.index_cast %get3A_2251 : i32 to index
      %get3A_2254 = arith.index_cast %get3A_2252 : i32 to index
      %get3A_2255 = arith.constant 0 : index
      %get3A_2256 = tpu.vector_load %arg7[%get3A_2253, %get3A_2254, %get3A_2255] {strides = array<i32>} : memref<4x100x16xf32, #tpu.memory_space<vmem>>, vector<1x1x16xf32>,
      %get3A_2257 = vector.shape_cast %get3A_2256 : vector<1x1x16xf32> to vector<16xf32>
      %add3A_2258 = arith.addf %add3A_2242, %get3A_2257 : vector<16xf32>
      %get3A_2259 = arith.constant 2 : i32
      %get3A_2260 = arith.constant 64 : i32
      %get3A_2261 = arith.index_cast %get3A_2259 : i32 to index
      %get3A_2262 = arith.index_cast %get3A_2260 : i32 to index
      %get3A_2263 = arith.constant 0 : index
      %get3A_2264 = tpu.vector_load %arg7[%get3A_2261, %get3A_2262, %get3A_2263] {strides = array<i32>} : memref<4x100x16xf32, #tpu.memory_space<vmem>>, vector<1x1x16xf32>,
      %get3A_2265 = vector.shape_cast %get3A_2264 : vector<1x1x16xf32> to vector<16xf32>
      %add3A_2266 = arith.addf %add3A_2250, %get3A_2265 : vector<16xf32>
      %get3A_2267 = arith.constant 2 : i32
      %get3A_2268 = arith.constant 65 : i32
      %get3A_2269 = arith.index_cast %get3A_2267 : i32 to index
      %get3A_2270 = arith.index_cast %get3A_2268 : i32 to index
      %get3A_2271 = arith.constant 0 : index
      %get3A_2272 = tpu.vector_load %arg7[%get3A_2269, %get3A_2270, %get3A_2271] {strides = array<i32>} : memref<4x100x16xf32, #tpu.memory_space<vmem>>, vector<1x1x16xf32>,
      %get3A_2273 = vector.shape_cast %get3A_2272 : vector<1x1x16xf32> to vector<16xf32>
      %add3A_2274 = arith.addf %add3A_2258, %get3A_2273 : vector<16xf32>
      %get3A_2275 = arith.constant 2 : i32
      %get3A_2276 = arith.constant 66 : i32
      %get3A_2277 = arith.index_cast %get3A_2275 : i32 to index
      %get3A_2278 = arith.index_cast %get3A_2276 : i32 to index
      %get3A_2279 = arith.constant 0 : index
      %get3A_2280 = tpu.vector_load %arg7[%get3A_2277, %get3A_2278, %get3A_2279] {strides = array<i32>} : memref<4x100x16xf32, #tpu.memory_space<vmem>>, vector<1x1x16xf32>,
      %get3A_2281 = vector.shape_cast %get3A_2280 : vector<1x1x16xf32> to vector<16xf32>
      %add3A_2282 = arith.addf %add3A_2266, %get3A_2281 : vector<16xf32>
      %get3A_2283 = arith.constant 2 : i32
      %get3A_2284 = arith.constant 67 : i32
      %get3A_2285 = arith.index_cast %get3A_2283 : i32 to index
      %get3A_2286 = arith.index_cast %get3A_2284 : i32 to index
      %get3A_2287 = arith.constant 0 : index
      %get3A_2288 = tpu.vector_load %arg7[%get3A_2285, %get3A_2286, %get3A_2287] {strides = array<i32>} : memref<4x100x16xf32, #tpu.memory_space<vmem>>, vector<1x1x16xf32>,
      %get3A_2289 = vector.shape_cast %get3A_2288 : vector<1x1x16xf32> to vector<16xf32>
      %add3A_2290 = arith.addf %add3A_2274, %get3A_2289 : vector<16xf32>
      %get3A_2291 = arith.constant 2 : i32
      %get3A_2292 = arith.constant 68 : i32
      %get3A_2293 = arith.index_cast %get3A_2291 : i32 to index
      %get3A_2294 = arith.index_cast %get3A_2292 : i32 to index
      %get3A_2295 = arith.constant 0 : index
      %get3A_2296 = tpu.vector_load %arg7[%get3A_2293, %get3A_2294, %get3A_2295] {strides = array<i32>} : memref<4x100x16xf32, #tpu.memory_space<vmem>>, vector<1x1x16xf32>,
      %get3A_2297 = vector.shape_cast %get3A_2296 : vector<1x1x16xf32> to vector<16xf32>
      %add3A_2298 = arith.addf %add3A_2282, %get3A_2297 : vector<16xf32>
      %get3A_2299 = arith.constant 2 : i32
      %get3A_2300 = arith.constant 69 : i32
      %get3A_2301 = arith.index_cast %get3A_2299 : i32 to index
      %get3A_2302 = arith.index_cast %get3A_2300 : i32 to index
      %get3A_2303 = arith.constant 0 : index
      %get3A_2304 = tpu.vector_load %arg7[%get3A_2301, %get3A_2302, %get3A_2303] {strides = array<i32>} : memref<4x100x16xf32, #tpu.memory_space<vmem>>, vector<1x1x16xf32>,
      %get3A_2305 = vector.shape_cast %get3A_2304 : vector<1x1x16xf32> to vector<16xf32>
      %add3A_2306 = arith.addf %add3A_2290, %get3A_2305 : vector<16xf32>
      %get3A_2307 = arith.constant 2 : i32
      %get3A_2308 = arith.constant 70 : i32
      %get3A_2309 = arith.index_cast %get3A_2307 : i32 to index
      %get3A_2310 = arith.index_cast %get3A_2308 : i32 to index
      %get3A_2311 = arith.constant 0 : index
      %get3A_2312 = tpu.vector_load %arg7[%get3A_2309, %get3A_2310, %get3A_2311] {strides = array<i32>} : memref<4x100x16xf32, #tpu.memory_space<vmem>>, vector<1x1x16xf32>,
      %get3A_2313 = vector.shape_cast %get3A_2312 : vector<1x1x16xf32> to vector<16xf32>
      %add3A_2314 = arith.addf %add3A_2298, %get3A_2313 : vector<16xf32>
      %get3A_2315 = arith.constant 2 : i32
      %get3A_2316 = arith.constant 71 : i32
      %get3A_2317 = arith.index_cast %get3A_2315 : i32 to index
      %get3A_2318 = arith.index_cast %get3A_2316 : i32 to index
      %get3A_2319 = arith.constant 0 : index
      %get3A_2320 = tpu.vector_load %arg7[%get3A_2317, %get3A_2318, %get3A_2319] {strides = array<i32>} : memref<4x100x16xf32, #tpu.memory_space<vmem>>, vector<1x1x16xf32>,
      %get3A_2321 = vector.shape_cast %get3A_2320 : vector<1x1x16xf32> to vector<16xf32>
      %add3A_2322 = arith.addf %add3A_2306, %get3A_2321 : vector<16xf32>
      %get3A_2323 = arith.constant 2 : i32
      %get3A_2324 = arith.constant 72 : i32
      %get3A_2325 = arith.index_cast %get3A_2323 : i32 to index
      %get3A_2326 = arith.index_cast %get3A_2324 : i32 to index
      %get3A_2327 = arith.constant 0 : index
      %get3A_2328 = tpu.vector_load %arg7[%get3A_2325, %get3A_2326, %get3A_2327] {strides = array<i32>} : memref<4x100x16xf32, #tpu.memory_space<vmem>>, vector<1x1x16xf32>,
      %get3A_2329 = vector.shape_cast %get3A_2328 : vector<1x1x16xf32> to vector<16xf32>
      %add3A_2330 = arith.addf %add3A_2314, %get3A_2329 : vector<16xf32>
      %get3A_2331 = arith.constant 2 : i32
      %get3A_2332 = arith.constant 73 : i32
      %get3A_2333 = arith.index_cast %get3A_2331 : i32 to index
      %get3A_2334 = arith.index_cast %get3A_2332 : i32 to index
      %get3A_2335 = arith.constant 0 : index
      %get3A_2336 = tpu.vector_load %arg7[%get3A_2333, %get3A_2334, %get3A_2335] {strides = array<i32>} : memref<4x100x16xf32, #tpu.memory_space<vmem>>, vector<1x1x16xf32>,
      %get3A_2337 = vector.shape_cast %get3A_2336 : vector<1x1x16xf32> to vector<16xf32>
      %add3A_2338 = arith.addf %add3A_2322, %get3A_2337 : vector<16xf32>
      %get3A_2339 = arith.constant 2 : i32
      %get3A_2340 = arith.constant 74 : i32
      %get3A_2341 = arith.index_cast %get3A_2339 : i32 to index
      %get3A_2342 = arith.index_cast %get3A_2340 : i32 to index
      %get3A_2343 = arith.constant 0 : index
      %get3A_2344 = tpu.vector_load %arg7[%get3A_2341, %get3A_2342, %get3A_2343] {strides = array<i32>} : memref<4x100x16xf32, #tpu.memory_space<vmem>>, vector<1x1x16xf32>,
      %get3A_2345 = vector.shape_cast %get3A_2344 : vector<1x1x16xf32> to vector<16xf32>
      %add3A_2346 = arith.addf %add3A_2330, %get3A_2345 : vector<16xf32>
      %get3A_2347 = arith.constant 2 : i32
      %get3A_2348 = arith.constant 75 : i32
      %get3A_2349 = arith.index_cast %get3A_2347 : i32 to index
      %get3A_2350 = arith.index_cast %get3A_2348 : i32 to index
      %get3A_2351 = arith.constant 0 : index
      %get3A_2352 = tpu.vector_load %arg7[%get3A_2349, %get3A_2350, %get3A_2351] {strides = array<i32>} : memref<4x100x16xf32, #tpu.memory_space<vmem>>, vector<1x1x16xf32>,
      %get3A_2353 = vector.shape_cast %get3A_2352 : vector<1x1x16xf32> to vector<16xf32>
      %add3A_2354 = arith.addf %add3A_2338, %get3A_2353 : vector<16xf32>
      %get3A_2355 = arith.constant 2 : i32
      %get3A_2356 = arith.constant 76 : i32
      %get3A_2357 = arith.index_cast %get3A_2355 : i32 to index
      %get3A_2358 = arith.index_cast %get3A_2356 : i32 to index
      %get3A_2359 = arith.constant 0 : index
      %get3A_2360 = tpu.vector_load %arg7[%get3A_2357, %get3A_2358, %get3A_2359] {strides = array<i32>} : memref<4x100x16xf32, #tpu.memory_space<vmem>>, vector<1x1x16xf32>,
      %get3A_2361 = vector.shape_cast %get3A_2360 : vector<1x1x16xf32> to vector<16xf32>
      %add3A_2362 = arith.addf %add3A_2346, %get3A_2361 : vector<16xf32>
      %get3A_2363 = arith.constant 2 : i32
      %get3A_2364 = arith.constant 77 : i32
      %get3A_2365 = arith.index_cast %get3A_2363 : i32 to index
      %get3A_2366 = arith.index_cast %get3A_2364 : i32 to index
      %get3A_2367 = arith.constant 0 : index
      %get3A_2368 = tpu.vector_load %arg7[%get3A_2365, %get3A_2366, %get3A_2367] {strides = array<i32>} : memref<4x100x16xf32, #tpu.memory_space<vmem>>, vector<1x1x16xf32>,
      %get3A_2369 = vector.shape_cast %get3A_2368 : vector<1x1x16xf32> to vector<16xf32>
      %add3A_2370 = arith.addf %add3A_2354, %get3A_2369 : vector<16xf32>
      %get3A_2371 = arith.constant 2 : i32
      %get3A_2372 = arith.constant 78 : i32
      %get3A_2373 = arith.index_cast %get3A_2371 : i32 to index
      %get3A_2374 = arith.index_cast %get3A_2372 : i32 to index
      %get3A_2375 = arith.constant 0 : index
      %get3A_2376 = tpu.vector_load %arg7[%get3A_2373, %get3A_2374, %get3A_2375] {strides = array<i32>} : memref<4x100x16xf32, #tpu.memory_space<vmem>>, vector<1x1x16xf32>,
      %get3A_2377 = vector.shape_cast %get3A_2376 : vector<1x1x16xf32> to vector<16xf32>
      %add3A_2378 = arith.addf %add3A_2362, %get3A_2377 : vector<16xf32>
      %get3A_2379 = arith.constant 2 : i32
      %get3A_2380 = arith.constant 79 : i32
      %get3A_2381 = arith.index_cast %get3A_2379 : i32 to index
      %get3A_2382 = arith.index_cast %get3A_2380 : i32 to index
      %get3A_2383 = arith.constant 0 : index
      %get3A_2384 = tpu.vector_load %arg7[%get3A_2381, %get3A_2382, %get3A_2383] {strides = array<i32>} : memref<4x100x16xf32, #tpu.memory_space<vmem>>, vector<1x1x16xf32>,
      %get3A_2385 = vector.shape_cast %get3A_2384 : vector<1x1x16xf32> to vector<16xf32>
      %add3A_2386 = arith.addf %add3A_2370, %get3A_2385 : vector<16xf32>
      %get3A_2387 = arith.constant 2 : i32
      %get3A_2388 = arith.constant 80 : i32
      %get3A_2389 = arith.index_cast %get3A_2387 : i32 to index
      %get3A_2390 = arith.index_cast %get3A_2388 : i32 to index
      %get3A_2391 = arith.constant 0 : index
      %get3A_2392 = tpu.vector_load %arg7[%get3A_2389, %get3A_2390, %get3A_2391] {strides = array<i32>} : memref<4x100x16xf32, #tpu.memory_space<vmem>>, vector<1x1x16xf32>,
      %get3A_2393 = vector.shape_cast %get3A_2392 : vector<1x1x16xf32> to vector<16xf32>
      %add3A_2394 = arith.addf %add3A_2378, %get3A_2393 : vector<16xf32>
      %get3A_2395 = arith.constant 2 : i32
      %get3A_2396 = arith.constant 81 : i32
      %get3A_2397 = arith.index_cast %get3A_2395 : i32 to index
      %get3A_2398 = arith.index_cast %get3A_2396 : i32 to index
      %get3A_2399 = arith.constant 0 : index
      %get3A_2400 = tpu.vector_load %arg7[%get3A_2397, %get3A_2398, %get3A_2399] {strides = array<i32>} : memref<4x100x16xf32, #tpu.memory_space<vmem>>, vector<1x1x16xf32>,
      %get3A_2401 = vector.shape_cast %get3A_2400 : vector<1x1x16xf32> to vector<16xf32>
      %add3A_2402 = arith.addf %add3A_2386, %get3A_2401 : vector<16xf32>
      %get3A_2403 = arith.constant 2 : i32
      %get3A_2404 = arith.constant 82 : i32
      %get3A_2405 = arith.index_cast %get3A_2403 : i32 to index
      %get3A_2406 = arith.index_cast %get3A_2404 : i32 to index
      %get3A_2407 = arith.constant 0 : index
      %get3A_2408 = tpu.vector_load %arg7[%get3A_2405, %get3A_2406, %get3A_2407] {strides = array<i32>} : memref<4x100x16xf32, #tpu.memory_space<vmem>>, vector<1x1x16xf32>,
      %get3A_2409 = vector.shape_cast %get3A_2408 : vector<1x1x16xf32> to vector<16xf32>
      %add3A_2410 = arith.addf %add3A_2394, %get3A_2409 : vector<16xf32>
      %get3A_2411 = arith.constant 2 : i32
      %get3A_2412 = arith.constant 83 : i32
      %get3A_2413 = arith.index_cast %get3A_2411 : i32 to index
      %get3A_2414 = arith.index_cast %get3A_2412 : i32 to index
      %get3A_2415 = arith.constant 0 : index
      %get3A_2416 = tpu.vector_load %arg7[%get3A_2413, %get3A_2414, %get3A_2415] {strides = array<i32>} : memref<4x100x16xf32, #tpu.memory_space<vmem>>, vector<1x1x16xf32>,
      %get3A_2417 = vector.shape_cast %get3A_2416 : vector<1x1x16xf32> to vector<16xf32>
      %add3A_2418 = arith.addf %add3A_2402, %get3A_2417 : vector<16xf32>
      %get3A_2419 = arith.constant 2 : i32
      %get3A_2420 = arith.constant 84 : i32
      %get3A_2421 = arith.index_cast %get3A_2419 : i32 to index
      %get3A_2422 = arith.index_cast %get3A_2420 : i32 to index
      %get3A_2423 = arith.constant 0 : index
      %get3A_2424 = tpu.vector_load %arg7[%get3A_2421, %get3A_2422, %get3A_2423] {strides = array<i32>} : memref<4x100x16xf32, #tpu.memory_space<vmem>>, vector<1x1x16xf32>,
      %get3A_2425 = vector.shape_cast %get3A_2424 : vector<1x1x16xf32> to vector<16xf32>
      %add3A_2426 = arith.addf %add3A_2410, %get3A_2425 : vector<16xf32>
      %get3A_2427 = arith.constant 2 : i32
      %get3A_2428 = arith.constant 85 : i32
      %get3A_2429 = arith.index_cast %get3A_2427 : i32 to index
      %get3A_2430 = arith.index_cast %get3A_2428 : i32 to index
      %get3A_2431 = arith.constant 0 : index
      %get3A_2432 = tpu.vector_load %arg7[%get3A_2429, %get3A_2430, %get3A_2431] {strides = array<i32>} : memref<4x100x16xf32, #tpu.memory_space<vmem>>, vector<1x1x16xf32>,
      %get3A_2433 = vector.shape_cast %get3A_2432 : vector<1x1x16xf32> to vector<16xf32>
      %add3A_2434 = arith.addf %add3A_2418, %get3A_2433 : vector<16xf32>
      %get3A_2435 = arith.constant 2 : i32
      %get3A_2436 = arith.constant 86 : i32
      %get3A_2437 = arith.index_cast %get3A_2435 : i32 to index
      %get3A_2438 = arith.index_cast %get3A_2436 : i32 to index
      %get3A_2439 = arith.constant 0 : index
      %get3A_2440 = tpu.vector_load %arg7[%get3A_2437, %get3A_2438, %get3A_2439] {strides = array<i32>} : memref<4x100x16xf32, #tpu.memory_space<vmem>>, vector<1x1x16xf32>,
      %get3A_2441 = vector.shape_cast %get3A_2440 : vector<1x1x16xf32> to vector<16xf32>
      %add3A_2442 = arith.addf %add3A_2426, %get3A_2441 : vector<16xf32>
      %get3A_2443 = arith.constant 2 : i32
      %get3A_2444 = arith.constant 87 : i32
      %get3A_2445 = arith.index_cast %get3A_2443 : i32 to index
      %get3A_2446 = arith.index_cast %get3A_2444 : i32 to index
      %get3A_2447 = arith.constant 0 : index
      %get3A_2448 = tpu.vector_load %arg7[%get3A_2445, %get3A_2446, %get3A_2447] {strides = array<i32>} : memref<4x100x16xf32, #tpu.memory_space<vmem>>, vector<1x1x16xf32>,
      %get3A_2449 = vector.shape_cast %get3A_2448 : vector<1x1x16xf32> to vector<16xf32>
      %add3A_2450 = arith.addf %add3A_2434, %get3A_2449 : vector<16xf32>
      %get3A_2451 = arith.constant 2 : i32
      %get3A_2452 = arith.constant 88 : i32
      %get3A_2453 = arith.index_cast %get3A_2451 : i32 to index
      %get3A_2454 = arith.index_cast %get3A_2452 : i32 to index
      %get3A_2455 = arith.constant 0 : index
      %get3A_2456 = tpu.vector_load %arg7[%get3A_2453, %get3A_2454, %get3A_2455] {strides = array<i32>} : memref<4x100x16xf32, #tpu.memory_space<vmem>>, vector<1x1x16xf32>,
      %get3A_2457 = vector.shape_cast %get3A_2456 : vector<1x1x16xf32> to vector<16xf32>
      %add3A_2458 = arith.addf %add3A_2442, %get3A_2457 : vector<16xf32>
      %get3A_2459 = arith.constant 2 : i32
      %get3A_2460 = arith.constant 89 : i32
      %get3A_2461 = arith.index_cast %get3A_2459 : i32 to index
      %get3A_2462 = arith.index_cast %get3A_2460 : i32 to index
      %get3A_2463 = arith.constant 0 : index
      %get3A_2464 = tpu.vector_load %arg7[%get3A_2461, %get3A_2462, %get3A_2463] {strides = array<i32>} : memref<4x100x16xf32, #tpu.memory_space<vmem>>, vector<1x1x16xf32>,
      %get3A_2465 = vector.shape_cast %get3A_2464 : vector<1x1x16xf32> to vector<16xf32>
      %add3A_2466 = arith.addf %add3A_2450, %get3A_2465 : vector<16xf32>
      %get3A_2467 = arith.constant 2 : i32
      %get3A_2468 = arith.constant 90 : i32
      %get3A_2469 = arith.index_cast %get3A_2467 : i32 to index
      %get3A_2470 = arith.index_cast %get3A_2468 : i32 to index
      %get3A_2471 = arith.constant 0 : index
      %get3A_2472 = tpu.vector_load %arg7[%get3A_2469, %get3A_2470, %get3A_2471] {strides = array<i32>} : memref<4x100x16xf32, #tpu.memory_space<vmem>>, vector<1x1x16xf32>,
      %get3A_2473 = vector.shape_cast %get3A_2472 : vector<1x1x16xf32> to vector<16xf32>
      %add3A_2474 = arith.addf %add3A_2458, %get3A_2473 : vector<16xf32>
      %get3A_2475 = arith.constant 2 : i32
      %get3A_2476 = arith.constant 91 : i32
      %get3A_2477 = arith.index_cast %get3A_2475 : i32 to index
      %get3A_2478 = arith.index_cast %get3A_2476 : i32 to index
      %get3A_2479 = arith.constant 0 : index
      %get3A_2480 = tpu.vector_load %arg7[%get3A_2477, %get3A_2478, %get3A_2479] {strides = array<i32>} : memref<4x100x16xf32, #tpu.memory_space<vmem>>, vector<1x1x16xf32>,
      %get3A_2481 = vector.shape_cast %get3A_2480 : vector<1x1x16xf32> to vector<16xf32>
      %add3A_2482 = arith.addf %add3A_2466, %get3A_2481 : vector<16xf32>
      %get3A_2483 = arith.constant 2 : i32
      %get3A_2484 = arith.constant 92 : i32
      %get3A_2485 = arith.index_cast %get3A_2483 : i32 to index
      %get3A_2486 = arith.index_cast %get3A_2484 : i32 to index
      %get3A_2487 = arith.constant 0 : index
      %get3A_2488 = tpu.vector_load %arg7[%get3A_2485, %get3A_2486, %get3A_2487] {strides = array<i32>} : memref<4x100x16xf32, #tpu.memory_space<vmem>>, vector<1x1x16xf32>,
      %get3A_2489 = vector.shape_cast %get3A_2488 : vector<1x1x16xf32> to vector<16xf32>
      %add3A_2490 = arith.addf %add3A_2474, %get3A_2489 : vector<16xf32>
      %get3A_2491 = arith.constant 2 : i32
      %get3A_2492 = arith.constant 93 : i32
      %get3A_2493 = arith.index_cast %get3A_2491 : i32 to index
      %get3A_2494 = arith.index_cast %get3A_2492 : i32 to index
      %get3A_2495 = arith.constant 0 : index
      %get3A_2496 = tpu.vector_load %arg7[%get3A_2493, %get3A_2494, %get3A_2495] {strides = array<i32>} : memref<4x100x16xf32, #tpu.memory_space<vmem>>, vector<1x1x16xf32>,
      %get3A_2497 = vector.shape_cast %get3A_2496 : vector<1x1x16xf32> to vector<16xf32>
      %add3A_2498 = arith.addf %add3A_2482, %get3A_2497 : vector<16xf32>
      %get3A_2499 = arith.constant 2 : i32
      %get3A_2500 = arith.constant 94 : i32
      %get3A_2501 = arith.index_cast %get3A_2499 : i32 to index
      %get3A_2502 = arith.index_cast %get3A_2500 : i32 to index
      %get3A_2503 = arith.constant 0 : index
      %get3A_2504 = tpu.vector_load %arg7[%get3A_2501, %get3A_2502, %get3A_2503] {strides = array<i32>} : memref<4x100x16xf32, #tpu.memory_space<vmem>>, vector<1x1x16xf32>,
      %get3A_2505 = vector.shape_cast %get3A_2504 : vector<1x1x16xf32> to vector<16xf32>
      %add3A_2506 = arith.addf %add3A_2490, %get3A_2505 : vector<16xf32>
      %get3A_2507 = arith.constant 2 : i32
      %get3A_2508 = arith.constant 95 : i32
      %get3A_2509 = arith.index_cast %get3A_2507 : i32 to index
      %get3A_2510 = arith.index_cast %get3A_2508 : i32 to index
      %get3A_2511 = arith.constant 0 : index
      %get3A_2512 = tpu.vector_load %arg7[%get3A_2509, %get3A_2510, %get3A_2511] {strides = array<i32>} : memref<4x100x16xf32, #tpu.memory_space<vmem>>, vector<1x1x16xf32>,
      %get3A_2513 = vector.shape_cast %get3A_2512 : vector<1x1x16xf32> to vector<16xf32>
      %add3A_2514 = arith.addf %add3A_2498, %get3A_2513 : vector<16xf32>
      %get3A_2515 = arith.constant 2 : i32
      %get3A_2516 = arith.constant 96 : i32
      %get3A_2517 = arith.index_cast %get3A_2515 : i32 to index
      %get3A_2518 = arith.index_cast %get3A_2516 : i32 to index
      %get3A_2519 = arith.constant 0 : index
      %get3A_2520 = tpu.vector_load %arg7[%get3A_2517, %get3A_2518, %get3A_2519] {strides = array<i32>} : memref<4x100x16xf32, #tpu.memory_space<vmem>>, vector<1x1x16xf32>,
      %get3A_2521 = vector.shape_cast %get3A_2520 : vector<1x1x16xf32> to vector<16xf32>
      %add3A_2522 = arith.addf %add3A_2506, %get3A_2521 : vector<16xf32>
      %get3A_2523 = arith.constant 2 : i32
      %get3A_2524 = arith.constant 97 : i32
      %get3A_2525 = arith.index_cast %get3A_2523 : i32 to index
      %get3A_2526 = arith.index_cast %get3A_2524 : i32 to index
      %get3A_2527 = arith.constant 0 : index
      %get3A_2528 = tpu.vector_load %arg7[%get3A_2525, %get3A_2526, %get3A_2527] {strides = array<i32>} : memref<4x100x16xf32, #tpu.memory_space<vmem>>, vector<1x1x16xf32>,
      %get3A_2529 = vector.shape_cast %get3A_2528 : vector<1x1x16xf32> to vector<16xf32>
      %add3A_2530 = arith.addf %add3A_2514, %get3A_2529 : vector<16xf32>
      %get3A_2531 = arith.constant 2 : i32
      %get3A_2532 = arith.constant 98 : i32
      %get3A_2533 = arith.index_cast %get3A_2531 : i32 to index
      %get3A_2534 = arith.index_cast %get3A_2532 : i32 to index
      %get3A_2535 = arith.constant 0 : index
      %get3A_2536 = tpu.vector_load %arg7[%get3A_2533, %get3A_2534, %get3A_2535] {strides = array<i32>} : memref<4x100x16xf32, #tpu.memory_space<vmem>>, vector<1x1x16xf32>,
      %get3A_2537 = vector.shape_cast %get3A_2536 : vector<1x1x16xf32> to vector<16xf32>
      %add3A_2538 = arith.addf %add3A_2522, %get3A_2537 : vector<16xf32>
      %get3A_2539 = arith.constant 2 : i32
      %get3A_2540 = arith.constant 99 : i32
      %get3A_2541 = arith.index_cast %get3A_2539 : i32 to index
      %get3A_2542 = arith.index_cast %get3A_2540 : i32 to index
      %get3A_2543 = arith.constant 0 : index
      %get3A_2544 = tpu.vector_load %arg7[%get3A_2541, %get3A_2542, %get3A_2543] {strides = array<i32>} : memref<4x100x16xf32, #tpu.memory_space<vmem>>, vector<1x1x16xf32>,
      %get3A_2545 = vector.shape_cast %get3A_2544 : vector<1x1x16xf32> to vector<16xf32>
      %add3A_2546 = arith.addf %add3A_2530, %get3A_2545 : vector<16xf32>
      %mul3A_2547 = vector.broadcast %squeeze3A : f32 to vector<16xf32>
      %mul3A_2548 = arith.mulf %add3A_2538, %mul3A_2547 : vector<16xf32>
      %swap3A_2549 = arith.index_cast %add3A_1731 : i32 to index
      %swap3A_2550 = arith.constant 0 : index
      %swap3A_2551 = tpu.vector_load %arg8[%swap3A_2549, %swap3A_2550] {strides = array<i32>} : memref<128x32xf32, #tpu.memory_space<vmem>>, vector<1x16xf32>,
      %swap3A_2552 = vector.shape_cast %swap3A_2551 : vector<1x16xf32> to vector<16xf32>
      %swap3A_2553 = vector.shape_cast %mul3A_2548 : vector<16xf32> to vector<1x16xf32>
      tpu.vector_store %arg8[%swap3A_2549, %swap3A_2550], %swap3A_2553 {strides = array<i32>} : memref<128x32xf32, #tpu.memory_space<vmem>>, vector<1x16xf32>,
      %mul3A_2554 = vector.broadcast %squeeze3A : f32 to vector<16xf32>
      %mul3A_2555 = arith.mulf %add3A_2546, %mul3A_2554 : vector<16xf32>
      %swap3A_2556 = arith.index_cast %add3A_1731 : i32 to index
      %swap3A_2557 = arith.constant 16 : index
      %swap3A_2558 = tpu.vector_load %arg8[%swap3A_2556, %swap3A_2557] {strides = array<i32>} : memref<128x32xf32, #tpu.memory_space<vmem>>, vector<1x16xf32>,
      %swap3A_2559 = vector.shape_cast %swap3A_2558 : vector<1x16xf32> to vector<16xf32>
      %swap3A_2560 = vector.shape_cast %mul3A_2555 : vector<16xf32> to vector<1x16xf32>
      tpu.vector_store %arg8[%swap3A_2556, %swap3A_2557], %swap3A_2560 {strides = array<i32>} : memref<128x32xf32, #tpu.memory_space<vmem>>, vector<1x16xf32>,
      %lt3A_2561 = arith.constant 31 : i32
      %lt3A_2562 = arith.cmpi slt, %scan3A_57, %lt3A_2561 : i32
      %convert_element_type3A_2563 = arith.extui %lt3A_2562 : i1 to i32
      %cond3A_2564 = arith.constant 0 : i32
      %cond3A_2565 = arith.cmpi ne, %convert_element_type3A_2563, %cond3A_2564 : i32
      scf.if %cond3A_2565 {
        %add3A_3404 = arith.constant 4 : i32
        %add3A_3405 = arith.addi %add3A_1731, %add3A_3404 : i32
        %dma_start3A_3406 = arith.constant 2 : i32
        %dma_start3A_3407 = arith.constant 0 : i32
        %dma_start3A_3408 = arith.constant 0 : i32
        %dma_start3A_3409 = tpu.memref_slice %arg7[%dma_start3A_3406, %dma_start3A_3407, %dma_start3A_3408] : memref<4x100x16xf32, #tpu.memory_space<vmem>> -> memref<1x100x16xf32, #tpu.memory_space<vmem>>
        %dma_start3A_3410 = tpu.memref_squeeze %dma_start3A_3409 : memref<1x100x16xf32, #tpu.memory_space<vmem>> -> memref<100x16xf32, #tpu.memory_space<vmem>>
        %dma_start3A_3411 = arith.constant 0 : i32
        %dma_start3A_3412 = tpu.memref_slice %arg6[%add3A_3405, %dma_start3A_3411] : memref<128x100xi32, #tpu.memory_space<vmem>> -> memref<1x100xi32, #tpu.memory_space<vmem>>
        %dma_start3A_3413 = tpu.memref_squeeze %dma_start3A_3412 : memref<1x100xi32, #tpu.memory_space<vmem>> -> memref<100xi32, #tpu.memory_space<vmem>>
        %dma_start3A_3414 = arith.constant 0 : i32
        %dma_start3A_3415 = arith.constant 0 : i32
        %dma_start3A_3416 = tpu.memref_slice %arg3[%dma_start3A_3414, %dma_start3A_3415] : memref<2000000x16xf32, #tpu.memory_space<hbm>> -> memref<2000000x16xf32, #tpu.memory_space<hbm>>
        tpu.enqueue_indirect_dma source(%dma_start3A_3416 : memref<2000000x16xf32, #tpu.memory_space<hbm>>) target(%dma_start3A_3410 : memref<100x16xf32, #tpu.memory_space<vmem>>) offsets(%dma_start3A_3413 : memref<100xi32, #tpu.memory_space<vmem>>) semaphore(%arg11 : memref<!tpu.dma_semaphore, #tpu.memory_space<semaphore_mem>>)
      } else {
      }
      %mul3A_2566 = arith.constant 4 : i32
      %mul3A_2567 = arith.muli %scan3A_57, %mul3A_2566 : i32
      %add3A_2568 = arith.constant 3 : i32
      %add3A_2569 = arith.addi %mul3A_2567, %add3A_2568 : i32
      %dma_wait3A_2570 = arith.constant 3 : i32
      %dma_wait3A_2571 = arith.constant 0 : i32
      %dma_wait3A_2572 = arith.constant 0 : i32
      %dma_wait3A_2573 = tpu.memref_slice %arg7[%dma_wait3A_2570, %dma_wait3A_2571, %dma_wait3A_2572] : memref<4x100x16xf32, #tpu.memory_space<vmem>> -> memref<1x100x16xf32, #tpu.memory_space<vmem>>
      %dma_wait3A_2574 = tpu.memref_squeeze %dma_wait3A_2573 : memref<1x100x16xf32, #tpu.memory_space<vmem>> -> memref<100x16xf32, #tpu.memory_space<vmem>>
      %dma_wait3A_2575 = arith.constant 0 : i32
      %dma_wait3A_2576 = tpu.memref_slice %arg6[%add3A_2569, %dma_wait3A_2575] : memref<128x100xi32, #tpu.memory_space<vmem>> -> memref<1x100xi32, #tpu.memory_space<vmem>>
      %dma_wait3A_2577 = tpu.memref_squeeze %dma_wait3A_2576 : memref<1x100xi32, #tpu.memory_space<vmem>> -> memref<100xi32, #tpu.memory_space<vmem>>
      %dma_wait3A_2578 = arith.constant 0 : i32
      %dma_wait3A_2579 = arith.constant 0 : i32
      %dma_wait3A_2580 = tpu.memref_slice %arg3[%dma_wait3A_2578, %dma_wait3A_2579] : memref<2000000x16xf32, #tpu.memory_space<hbm>> -> memref<2000000x16xf32, #tpu.memory_space<hbm>>
      tpu.wait_indirect_dma semaphore(%arg12 : memref<!tpu.dma_semaphore, #tpu.memory_space<semaphore_mem>>) src(%dma_wait3A_2580 : memref<2000000x16xf32, #tpu.memory_space<hbm>>) dst(%dma_wait3A_2574 : memref<100x16xf32, #tpu.memory_space<vmem>>)
      %broadcast_in_dim3A_2581 = arith.constant 0.000000e+00 : f32
      %broadcast_in_dim3A_2582 = vector.broadcast %broadcast_in_dim3A_2581 : f32 to vector<16xf32>
      %broadcast_in_dim3A_2583 = arith.constant 0.000000e+00 : f32
      %broadcast_in_dim3A_2584 = vector.broadcast %broadcast_in_dim3A_2583 : f32 to vector<16xf32>
      %get3A_2585 = arith.constant 3 : i32
      %get3A_2586 = arith.constant 0 : i32
      %get3A_2587 = arith.index_cast %get3A_2585 : i32 to index
      %get3A_2588 = arith.index_cast %get3A_2586 : i32 to index
      %get3A_2589 = arith.constant 0 : index
      %get3A_2590 = tpu.vector_load %arg7[%get3A_2587, %get3A_2588, %get3A_2589] {strides = array<i32>} : memref<4x100x16xf32, #tpu.memory_space<vmem>>, vector<1x1x16xf32>,
      %get3A_2591 = vector.shape_cast %get3A_2590 : vector<1x1x16xf32> to vector<16xf32>
      %add3A_2592 = arith.addf %broadcast_in_dim3A_2582, %get3A_2591 : vector<16xf32>
      %get3A_2593 = arith.constant 3 : i32
      %get3A_2594 = arith.constant 1 : i32
      %get3A_2595 = arith.index_cast %get3A_2593 : i32 to index
      %get3A_2596 = arith.index_cast %get3A_2594 : i32 to index
      %get3A_2597 = arith.constant 0 : index
      %get3A_2598 = tpu.vector_load %arg7[%get3A_2595, %get3A_2596, %get3A_2597] {strides = array<i32>} : memref<4x100x16xf32, #tpu.memory_space<vmem>>, vector<1x1x16xf32>,
      %get3A_2599 = vector.shape_cast %get3A_2598 : vector<1x1x16xf32> to vector<16xf32>
      %add3A_2600 = arith.addf %broadcast_in_dim3A_2584, %get3A_2599 : vector<16xf32>
      %get3A_2601 = arith.constant 3 : i32
      %get3A_2602 = arith.constant 2 : i32
      %get3A_2603 = arith.index_cast %get3A_2601 : i32 to index
      %get3A_2604 = arith.index_cast %get3A_2602 : i32 to index
      %get3A_2605 = arith.constant 0 : index
      %get3A_2606 = tpu.vector_load %arg7[%get3A_2603, %get3A_2604, %get3A_2605] {strides = array<i32>} : memref<4x100x16xf32, #tpu.memory_space<vmem>>, vector<1x1x16xf32>,
      %get3A_2607 = vector.shape_cast %get3A_2606 : vector<1x1x16xf32> to vector<16xf32>
      %add3A_2608 = arith.addf %add3A_2592, %get3A_2607 : vector<16xf32>
      %get3A_2609 = arith.constant 3 : i32
      %get3A_2610 = arith.constant 3 : i32
      %get3A_2611 = arith.index_cast %get3A_2609 : i32 to index
      %get3A_2612 = arith.index_cast %get3A_2610 : i32 to index
      %get3A_2613 = arith.constant 0 : index
      %get3A_2614 = tpu.vector_load %arg7[%get3A_2611, %get3A_2612, %get3A_2613] {strides = array<i32>} : memref<4x100x16xf32, #tpu.memory_space<vmem>>, vector<1x1x16xf32>,
      %get3A_2615 = vector.shape_cast %get3A_2614 : vector<1x1x16xf32> to vector<16xf32>
      %add3A_2616 = arith.addf %add3A_2600, %get3A_2615 : vector<16xf32>
      %get3A_2617 = arith.constant 3 : i32
      %get3A_2618 = arith.constant 4 : i32
      %get3A_2619 = arith.index_cast %get3A_2617 : i32 to index
      %get3A_2620 = arith.index_cast %get3A_2618 : i32 to index
      %get3A_2621 = arith.constant 0 : index
      %get3A_2622 = tpu.vector_load %arg7[%get3A_2619, %get3A_2620, %get3A_2621] {strides = array<i32>} : memref<4x100x16xf32, #tpu.memory_space<vmem>>, vector<1x1x16xf32>,
      %get3A_2623 = vector.shape_cast %get3A_2622 : vector<1x1x16xf32> to vector<16xf32>
      %add3A_2624 = arith.addf %add3A_2608, %get3A_2623 : vector<16xf32>
      %get3A_2625 = arith.constant 3 : i32
      %get3A_2626 = arith.constant 5 : i32
      %get3A_2627 = arith.index_cast %get3A_2625 : i32 to index
      %get3A_2628 = arith.index_cast %get3A_2626 : i32 to index
      %get3A_2629 = arith.constant 0 : index
      %get3A_2630 = tpu.vector_load %arg7[%get3A_2627, %get3A_2628, %get3A_2629] {strides = array<i32>} : memref<4x100x16xf32, #tpu.memory_space<vmem>>, vector<1x1x16xf32>,
      %get3A_2631 = vector.shape_cast %get3A_2630 : vector<1x1x16xf32> to vector<16xf32>
      %add3A_2632 = arith.addf %add3A_2616, %get3A_2631 : vector<16xf32>
      %get3A_2633 = arith.constant 3 : i32
      %get3A_2634 = arith.constant 6 : i32
      %get3A_2635 = arith.index_cast %get3A_2633 : i32 to index
      %get3A_2636 = arith.index_cast %get3A_2634 : i32 to index
      %get3A_2637 = arith.constant 0 : index
      %get3A_2638 = tpu.vector_load %arg7[%get3A_2635, %get3A_2636, %get3A_2637] {strides = array<i32>} : memref<4x100x16xf32, #tpu.memory_space<vmem>>, vector<1x1x16xf32>,
      %get3A_2639 = vector.shape_cast %get3A_2638 : vector<1x1x16xf32> to vector<16xf32>
      %add3A_2640 = arith.addf %add3A_2624, %get3A_2639 : vector<16xf32>
      %get3A_2641 = arith.constant 3 : i32
      %get3A_2642 = arith.constant 7 : i32
      %get3A_2643 = arith.index_cast %get3A_2641 : i32 to index
      %get3A_2644 = arith.index_cast %get3A_2642 : i32 to index
      %get3A_2645 = arith.constant 0 : index
      %get3A_2646 = tpu.vector_load %arg7[%get3A_2643, %get3A_2644, %get3A_2645] {strides = array<i32>} : memref<4x100x16xf32, #tpu.memory_space<vmem>>, vector<1x1x16xf32>,
      %get3A_2647 = vector.shape_cast %get3A_2646 : vector<1x1x16xf32> to vector<16xf32>
      %add3A_2648 = arith.addf %add3A_2632, %get3A_2647 : vector<16xf32>
      %get3A_2649 = arith.constant 3 : i32
      %get3A_2650 = arith.constant 8 : i32
      %get3A_2651 = arith.index_cast %get3A_2649 : i32 to index
      %get3A_2652 = arith.index_cast %get3A_2650 : i32 to index
      %get3A_2653 = arith.constant 0 : index
      %get3A_2654 = tpu.vector_load %arg7[%get3A_2651, %get3A_2652, %get3A_2653] {strides = array<i32>} : memref<4x100x16xf32, #tpu.memory_space<vmem>>, vector<1x1x16xf32>,
      %get3A_2655 = vector.shape_cast %get3A_2654 : vector<1x1x16xf32> to vector<16xf32>
      %add3A_2656 = arith.addf %add3A_2640, %get3A_2655 : vector<16xf32>
      %get3A_2657 = arith.constant 3 : i32
      %get3A_2658 = arith.constant 9 : i32
      %get3A_2659 = arith.index_cast %get3A_2657 : i32 to index
      %get3A_2660 = arith.index_cast %get3A_2658 : i32 to index
      %get3A_2661 = arith.constant 0 : index
      %get3A_2662 = tpu.vector_load %arg7[%get3A_2659, %get3A_2660, %get3A_2661] {strides = array<i32>} : memref<4x100x16xf32, #tpu.memory_space<vmem>>, vector<1x1x16xf32>,
      %get3A_2663 = vector.shape_cast %get3A_2662 : vector<1x1x16xf32> to vector<16xf32>
      %add3A_2664 = arith.addf %add3A_2648, %get3A_2663 : vector<16xf32>
      %get3A_2665 = arith.constant 3 : i32
      %get3A_2666 = arith.constant 10 : i32
      %get3A_2667 = arith.index_cast %get3A_2665 : i32 to index
      %get3A_2668 = arith.index_cast %get3A_2666 : i32 to index
      %get3A_2669 = arith.constant 0 : index
      %get3A_2670 = tpu.vector_load %arg7[%get3A_2667, %get3A_2668, %get3A_2669] {strides = array<i32>} : memref<4x100x16xf32, #tpu.memory_space<vmem>>, vector<1x1x16xf32>,
      %get3A_2671 = vector.shape_cast %get3A_2670 : vector<1x1x16xf32> to vector<16xf32>
      %add3A_2672 = arith.addf %add3A_2656, %get3A_2671 : vector<16xf32>
      %get3A_2673 = arith.constant 3 : i32
      %get3A_2674 = arith.constant 11 : i32
      %get3A_2675 = arith.index_cast %get3A_2673 : i32 to index
      %get3A_2676 = arith.index_cast %get3A_2674 : i32 to index
      %get3A_2677 = arith.constant 0 : index
      %get3A_2678 = tpu.vector_load %arg7[%get3A_2675, %get3A_2676, %get3A_2677] {strides = array<i32>} : memref<4x100x16xf32, #tpu.memory_space<vmem>>, vector<1x1x16xf32>,
      %get3A_2679 = vector.shape_cast %get3A_2678 : vector<1x1x16xf32> to vector<16xf32>
      %add3A_2680 = arith.addf %add3A_2664, %get3A_2679 : vector<16xf32>
      %get3A_2681 = arith.constant 3 : i32
      %get3A_2682 = arith.constant 12 : i32
      %get3A_2683 = arith.index_cast %get3A_2681 : i32 to index
      %get3A_2684 = arith.index_cast %get3A_2682 : i32 to index
      %get3A_2685 = arith.constant 0 : index
      %get3A_2686 = tpu.vector_load %arg7[%get3A_2683, %get3A_2684, %get3A_2685] {strides = array<i32>} : memref<4x100x16xf32, #tpu.memory_space<vmem>>, vector<1x1x16xf32>,
      %get3A_2687 = vector.shape_cast %get3A_2686 : vector<1x1x16xf32> to vector<16xf32>
      %add3A_2688 = arith.addf %add3A_2672, %get3A_2687 : vector<16xf32>
      %get3A_2689 = arith.constant 3 : i32
      %get3A_2690 = arith.constant 13 : i32
      %get3A_2691 = arith.index_cast %get3A_2689 : i32 to index
      %get3A_2692 = arith.index_cast %get3A_2690 : i32 to index
      %get3A_2693 = arith.constant 0 : index
      %get3A_2694 = tpu.vector_load %arg7[%get3A_2691, %get3A_2692, %get3A_2693] {strides = array<i32>} : memref<4x100x16xf32, #tpu.memory_space<vmem>>, vector<1x1x16xf32>,
      %get3A_2695 = vector.shape_cast %get3A_2694 : vector<1x1x16xf32> to vector<16xf32>
      %add3A_2696 = arith.addf %add3A_2680, %get3A_2695 : vector<16xf32>
      %get3A_2697 = arith.constant 3 : i32
      %get3A_2698 = arith.constant 14 : i32
      %get3A_2699 = arith.index_cast %get3A_2697 : i32 to index
      %get3A_2700 = arith.index_cast %get3A_2698 : i32 to index
      %get3A_2701 = arith.constant 0 : index
      %get3A_2702 = tpu.vector_load %arg7[%get3A_2699, %get3A_2700, %get3A_2701] {strides = array<i32>} : memref<4x100x16xf32, #tpu.memory_space<vmem>>, vector<1x1x16xf32>,
      %get3A_2703 = vector.shape_cast %get3A_2702 : vector<1x1x16xf32> to vector<16xf32>
      %add3A_2704 = arith.addf %add3A_2688, %get3A_2703 : vector<16xf32>
      %get3A_2705 = arith.constant 3 : i32
      %get3A_2706 = arith.constant 15 : i32
      %get3A_2707 = arith.index_cast %get3A_2705 : i32 to index
      %get3A_2708 = arith.index_cast %get3A_2706 : i32 to index
      %get3A_2709 = arith.constant 0 : index
      %get3A_2710 = tpu.vector_load %arg7[%get3A_2707, %get3A_2708, %get3A_2709] {strides = array<i32>} : memref<4x100x16xf32, #tpu.memory_space<vmem>>, vector<1x1x16xf32>,
      %get3A_2711 = vector.shape_cast %get3A_2710 : vector<1x1x16xf32> to vector<16xf32>
      %add3A_2712 = arith.addf %add3A_2696, %get3A_2711 : vector<16xf32>
      %get3A_2713 = arith.constant 3 : i32
      %get3A_2714 = arith.constant 16 : i32
      %get3A_2715 = arith.index_cast %get3A_2713 : i32 to index
      %get3A_2716 = arith.index_cast %get3A_2714 : i32 to index
      %get3A_2717 = arith.constant 0 : index
      %get3A_2718 = tpu.vector_load %arg7[%get3A_2715, %get3A_2716, %get3A_2717] {strides = array<i32>} : memref<4x100x16xf32, #tpu.memory_space<vmem>>, vector<1x1x16xf32>,
      %get3A_2719 = vector.shape_cast %get3A_2718 : vector<1x1x16xf32> to vector<16xf32>
      %add3A_2720 = arith.addf %add3A_2704, %get3A_2719 : vector<16xf32>
      %get3A_2721 = arith.constant 3 : i32
      %get3A_2722 = arith.constant 17 : i32
      %get3A_2723 = arith.index_cast %get3A_2721 : i32 to index
      %get3A_2724 = arith.index_cast %get3A_2722 : i32 to index
      %get3A_2725 = arith.constant 0 : index
      %get3A_2726 = tpu.vector_load %arg7[%get3A_2723, %get3A_2724, %get3A_2725] {strides = array<i32>} : memref<4x100x16xf32, #tpu.memory_space<vmem>>, vector<1x1x16xf32>,
      %get3A_2727 = vector.shape_cast %get3A_2726 : vector<1x1x16xf32> to vector<16xf32>
      %add3A_2728 = arith.addf %add3A_2712, %get3A_2727 : vector<16xf32>
      %get3A_2729 = arith.constant 3 : i32
      %get3A_2730 = arith.constant 18 : i32
      %get3A_2731 = arith.index_cast %get3A_2729 : i32 to index
      %get3A_2732 = arith.index_cast %get3A_2730 : i32 to index
      %get3A_2733 = arith.constant 0 : index
      %get3A_2734 = tpu.vector_load %arg7[%get3A_2731, %get3A_2732, %get3A_2733] {strides = array<i32>} : memref<4x100x16xf32, #tpu.memory_space<vmem>>, vector<1x1x16xf32>,
      %get3A_2735 = vector.shape_cast %get3A_2734 : vector<1x1x16xf32> to vector<16xf32>
      %add3A_2736 = arith.addf %add3A_2720, %get3A_2735 : vector<16xf32>
      %get3A_2737 = arith.constant 3 : i32
      %get3A_2738 = arith.constant 19 : i32
      %get3A_2739 = arith.index_cast %get3A_2737 : i32 to index
      %get3A_2740 = arith.index_cast %get3A_2738 : i32 to index
      %get3A_2741 = arith.constant 0 : index
      %get3A_2742 = tpu.vector_load %arg7[%get3A_2739, %get3A_2740, %get3A_2741] {strides = array<i32>} : memref<4x100x16xf32, #tpu.memory_space<vmem>>, vector<1x1x16xf32>,
      %get3A_2743 = vector.shape_cast %get3A_2742 : vector<1x1x16xf32> to vector<16xf32>
      %add3A_2744 = arith.addf %add3A_2728, %get3A_2743 : vector<16xf32>
      %get3A_2745 = arith.constant 3 : i32
      %get3A_2746 = arith.constant 20 : i32
      %get3A_2747 = arith.index_cast %get3A_2745 : i32 to index
      %get3A_2748 = arith.index_cast %get3A_2746 : i32 to index
      %get3A_2749 = arith.constant 0 : index
      %get3A_2750 = tpu.vector_load %arg7[%get3A_2747, %get3A_2748, %get3A_2749] {strides = array<i32>} : memref<4x100x16xf32, #tpu.memory_space<vmem>>, vector<1x1x16xf32>,
      %get3A_2751 = vector.shape_cast %get3A_2750 : vector<1x1x16xf32> to vector<16xf32>
      %add3A_2752 = arith.addf %add3A_2736, %get3A_2751 : vector<16xf32>
      %get3A_2753 = arith.constant 3 : i32
      %get3A_2754 = arith.constant 21 : i32
      %get3A_2755 = arith.index_cast %get3A_2753 : i32 to index
      %get3A_2756 = arith.index_cast %get3A_2754 : i32 to index
      %get3A_2757 = arith.constant 0 : index
      %get3A_2758 = tpu.vector_load %arg7[%get3A_2755, %get3A_2756, %get3A_2757] {strides = array<i32>} : memref<4x100x16xf32, #tpu.memory_space<vmem>>, vector<1x1x16xf32>,
      %get3A_2759 = vector.shape_cast %get3A_2758 : vector<1x1x16xf32> to vector<16xf32>
      %add3A_2760 = arith.addf %add3A_2744, %get3A_2759 : vector<16xf32>
      %get3A_2761 = arith.constant 3 : i32
      %get3A_2762 = arith.constant 22 : i32
      %get3A_2763 = arith.index_cast %get3A_2761 : i32 to index
      %get3A_2764 = arith.index_cast %get3A_2762 : i32 to index
      %get3A_2765 = arith.constant 0 : index
      %get3A_2766 = tpu.vector_load %arg7[%get3A_2763, %get3A_2764, %get3A_2765] {strides = array<i32>} : memref<4x100x16xf32, #tpu.memory_space<vmem>>, vector<1x1x16xf32>,
      %get3A_2767 = vector.shape_cast %get3A_2766 : vector<1x1x16xf32> to vector<16xf32>
      %add3A_2768 = arith.addf %add3A_2752, %get3A_2767 : vector<16xf32>
      %get3A_2769 = arith.constant 3 : i32
      %get3A_2770 = arith.constant 23 : i32
      %get3A_2771 = arith.index_cast %get3A_2769 : i32 to index
      %get3A_2772 = arith.index_cast %get3A_2770 : i32 to index
      %get3A_2773 = arith.constant 0 : index
      %get3A_2774 = tpu.vector_load %arg7[%get3A_2771, %get3A_2772, %get3A_2773] {strides = array<i32>} : memref<4x100x16xf32, #tpu.memory_space<vmem>>, vector<1x1x16xf32>,
      %get3A_2775 = vector.shape_cast %get3A_2774 : vector<1x1x16xf32> to vector<16xf32>
      %add3A_2776 = arith.addf %add3A_2760, %get3A_2775 : vector<16xf32>
      %get3A_2777 = arith.constant 3 : i32
      %get3A_2778 = arith.constant 24 : i32
      %get3A_2779 = arith.index_cast %get3A_2777 : i32 to index
      %get3A_2780 = arith.index_cast %get3A_2778 : i32 to index
      %get3A_2781 = arith.constant 0 : index
      %get3A_2782 = tpu.vector_load %arg7[%get3A_2779, %get3A_2780, %get3A_2781] {strides = array<i32>} : memref<4x100x16xf32, #tpu.memory_space<vmem>>, vector<1x1x16xf32>,
      %get3A_2783 = vector.shape_cast %get3A_2782 : vector<1x1x16xf32> to vector<16xf32>
      %add3A_2784 = arith.addf %add3A_2768, %get3A_2783 : vector<16xf32>
      %get3A_2785 = arith.constant 3 : i32
      %get3A_2786 = arith.constant 25 : i32
      %get3A_2787 = arith.index_cast %get3A_2785 : i32 to index
      %get3A_2788 = arith.index_cast %get3A_2786 : i32 to index
      %get3A_2789 = arith.constant 0 : index
      %get3A_2790 = tpu.vector_load %arg7[%get3A_2787, %get3A_2788, %get3A_2789] {strides = array<i32>} : memref<4x100x16xf32, #tpu.memory_space<vmem>>, vector<1x1x16xf32>,
      %get3A_2791 = vector.shape_cast %get3A_2790 : vector<1x1x16xf32> to vector<16xf32>
      %add3A_2792 = arith.addf %add3A_2776, %get3A_2791 : vector<16xf32>
      %get3A_2793 = arith.constant 3 : i32
      %get3A_2794 = arith.constant 26 : i32
      %get3A_2795 = arith.index_cast %get3A_2793 : i32 to index
      %get3A_2796 = arith.index_cast %get3A_2794 : i32 to index
      %get3A_2797 = arith.constant 0 : index
      %get3A_2798 = tpu.vector_load %arg7[%get3A_2795, %get3A_2796, %get3A_2797] {strides = array<i32>} : memref<4x100x16xf32, #tpu.memory_space<vmem>>, vector<1x1x16xf32>,
      %get3A_2799 = vector.shape_cast %get3A_2798 : vector<1x1x16xf32> to vector<16xf32>
      %add3A_2800 = arith.addf %add3A_2784, %get3A_2799 : vector<16xf32>
      %get3A_2801 = arith.constant 3 : i32
      %get3A_2802 = arith.constant 27 : i32
      %get3A_2803 = arith.index_cast %get3A_2801 : i32 to index
      %get3A_2804 = arith.index_cast %get3A_2802 : i32 to index
      %get3A_2805 = arith.constant 0 : index
      %get3A_2806 = tpu.vector_load %arg7[%get3A_2803, %get3A_2804, %get3A_2805] {strides = array<i32>} : memref<4x100x16xf32, #tpu.memory_space<vmem>>, vector<1x1x16xf32>,
      %get3A_2807 = vector.shape_cast %get3A_2806 : vector<1x1x16xf32> to vector<16xf32>
      %add3A_2808 = arith.addf %add3A_2792, %get3A_2807 : vector<16xf32>
      %get3A_2809 = arith.constant 3 : i32
      %get3A_2810 = arith.constant 28 : i32
      %get3A_2811 = arith.index_cast %get3A_2809 : i32 to index
      %get3A_2812 = arith.index_cast %get3A_2810 : i32 to index
      %get3A_2813 = arith.constant 0 : index
      %get3A_2814 = tpu.vector_load %arg7[%get3A_2811, %get3A_2812, %get3A_2813] {strides = array<i32>} : memref<4x100x16xf32, #tpu.memory_space<vmem>>, vector<1x1x16xf32>,
      %get3A_2815 = vector.shape_cast %get3A_2814 : vector<1x1x16xf32> to vector<16xf32>
      %add3A_2816 = arith.addf %add3A_2800, %get3A_2815 : vector<16xf32>
      %get3A_2817 = arith.constant 3 : i32
      %get3A_2818 = arith.constant 29 : i32
      %get3A_2819 = arith.index_cast %get3A_2817 : i32 to index
      %get3A_2820 = arith.index_cast %get3A_2818 : i32 to index
      %get3A_2821 = arith.constant 0 : index
      %get3A_2822 = tpu.vector_load %arg7[%get3A_2819, %get3A_2820, %get3A_2821] {strides = array<i32>} : memref<4x100x16xf32, #tpu.memory_space<vmem>>, vector<1x1x16xf32>,
      %get3A_2823 = vector.shape_cast %get3A_2822 : vector<1x1x16xf32> to vector<16xf32>
      %add3A_2824 = arith.addf %add3A_2808, %get3A_2823 : vector<16xf32>
      %get3A_2825 = arith.constant 3 : i32
      %get3A_2826 = arith.constant 30 : i32
      %get3A_2827 = arith.index_cast %get3A_2825 : i32 to index
      %get3A_2828 = arith.index_cast %get3A_2826 : i32 to index
      %get3A_2829 = arith.constant 0 : index
      %get3A_2830 = tpu.vector_load %arg7[%get3A_2827, %get3A_2828, %get3A_2829] {strides = array<i32>} : memref<4x100x16xf32, #tpu.memory_space<vmem>>, vector<1x1x16xf32>,
      %get3A_2831 = vector.shape_cast %get3A_2830 : vector<1x1x16xf32> to vector<16xf32>
      %add3A_2832 = arith.addf %add3A_2816, %get3A_2831 : vector<16xf32>
      %get3A_2833 = arith.constant 3 : i32
      %get3A_2834 = arith.constant 31 : i32
      %get3A_2835 = arith.index_cast %get3A_2833 : i32 to index
      %get3A_2836 = arith.index_cast %get3A_2834 : i32 to index
      %get3A_2837 = arith.constant 0 : index
      %get3A_2838 = tpu.vector_load %arg7[%get3A_2835, %get3A_2836, %get3A_2837] {strides = array<i32>} : memref<4x100x16xf32, #tpu.memory_space<vmem>>, vector<1x1x16xf32>,
      %get3A_2839 = vector.shape_cast %get3A_2838 : vector<1x1x16xf32> to vector<16xf32>
      %add3A_2840 = arith.addf %add3A_2824, %get3A_2839 : vector<16xf32>
      %get3A_2841 = arith.constant 3 : i32
      %get3A_2842 = arith.constant 32 : i32
      %get3A_2843 = arith.index_cast %get3A_2841 : i32 to index
      %get3A_2844 = arith.index_cast %get3A_2842 : i32 to index
      %get3A_2845 = arith.constant 0 : index
      %get3A_2846 = tpu.vector_load %arg7[%get3A_2843, %get3A_2844, %get3A_2845] {strides = array<i32>} : memref<4x100x16xf32, #tpu.memory_space<vmem>>, vector<1x1x16xf32>,
      %get3A_2847 = vector.shape_cast %get3A_2846 : vector<1x1x16xf32> to vector<16xf32>
      %add3A_2848 = arith.addf %add3A_2832, %get3A_2847 : vector<16xf32>
      %get3A_2849 = arith.constant 3 : i32
      %get3A_2850 = arith.constant 33 : i32
      %get3A_2851 = arith.index_cast %get3A_2849 : i32 to index
      %get3A_2852 = arith.index_cast %get3A_2850 : i32 to index
      %get3A_2853 = arith.constant 0 : index
      %get3A_2854 = tpu.vector_load %arg7[%get3A_2851, %get3A_2852, %get3A_2853] {strides = array<i32>} : memref<4x100x16xf32, #tpu.memory_space<vmem>>, vector<1x1x16xf32>,
      %get3A_2855 = vector.shape_cast %get3A_2854 : vector<1x1x16xf32> to vector<16xf32>
      %add3A_2856 = arith.addf %add3A_2840, %get3A_2855 : vector<16xf32>
      %get3A_2857 = arith.constant 3 : i32
      %get3A_2858 = arith.constant 34 : i32
      %get3A_2859 = arith.index_cast %get3A_2857 : i32 to index
      %get3A_2860 = arith.index_cast %get3A_2858 : i32 to index
      %get3A_2861 = arith.constant 0 : index
      %get3A_2862 = tpu.vector_load %arg7[%get3A_2859, %get3A_2860, %get3A_2861] {strides = array<i32>} : memref<4x100x16xf32, #tpu.memory_space<vmem>>, vector<1x1x16xf32>,
      %get3A_2863 = vector.shape_cast %get3A_2862 : vector<1x1x16xf32> to vector<16xf32>
      %add3A_2864 = arith.addf %add3A_2848, %get3A_2863 : vector<16xf32>
      %get3A_2865 = arith.constant 3 : i32
      %get3A_2866 = arith.constant 35 : i32
      %get3A_2867 = arith.index_cast %get3A_2865 : i32 to index
      %get3A_2868 = arith.index_cast %get3A_2866 : i32 to index
      %get3A_2869 = arith.constant 0 : index
      %get3A_2870 = tpu.vector_load %arg7[%get3A_2867, %get3A_2868, %get3A_2869] {strides = array<i32>} : memref<4x100x16xf32, #tpu.memory_space<vmem>>, vector<1x1x16xf32>,
      %get3A_2871 = vector.shape_cast %get3A_2870 : vector<1x1x16xf32> to vector<16xf32>
      %add3A_2872 = arith.addf %add3A_2856, %get3A_2871 : vector<16xf32>
      %get3A_2873 = arith.constant 3 : i32
      %get3A_2874 = arith.constant 36 : i32
      %get3A_2875 = arith.index_cast %get3A_2873 : i32 to index
      %get3A_2876 = arith.index_cast %get3A_2874 : i32 to index
      %get3A_2877 = arith.constant 0 : index
      %get3A_2878 = tpu.vector_load %arg7[%get3A_2875, %get3A_2876, %get3A_2877] {strides = array<i32>} : memref<4x100x16xf32, #tpu.memory_space<vmem>>, vector<1x1x16xf32>,
      %get3A_2879 = vector.shape_cast %get3A_2878 : vector<1x1x16xf32> to vector<16xf32>
      %add3A_2880 = arith.addf %add3A_2864, %get3A_2879 : vector<16xf32>
      %get3A_2881 = arith.constant 3 : i32
      %get3A_2882 = arith.constant 37 : i32
      %get3A_2883 = arith.index_cast %get3A_2881 : i32 to index
      %get3A_2884 = arith.index_cast %get3A_2882 : i32 to index
      %get3A_2885 = arith.constant 0 : index
      %get3A_2886 = tpu.vector_load %arg7[%get3A_2883, %get3A_2884, %get3A_2885] {strides = array<i32>} : memref<4x100x16xf32, #tpu.memory_space<vmem>>, vector<1x1x16xf32>,
      %get3A_2887 = vector.shape_cast %get3A_2886 : vector<1x1x16xf32> to vector<16xf32>
      %add3A_2888 = arith.addf %add3A_2872, %get3A_2887 : vector<16xf32>
      %get3A_2889 = arith.constant 3 : i32
      %get3A_2890 = arith.constant 38 : i32
      %get3A_2891 = arith.index_cast %get3A_2889 : i32 to index
      %get3A_2892 = arith.index_cast %get3A_2890 : i32 to index
      %get3A_2893 = arith.constant 0 : index
      %get3A_2894 = tpu.vector_load %arg7[%get3A_2891, %get3A_2892, %get3A_2893] {strides = array<i32>} : memref<4x100x16xf32, #tpu.memory_space<vmem>>, vector<1x1x16xf32>,
      %get3A_2895 = vector.shape_cast %get3A_2894 : vector<1x1x16xf32> to vector<16xf32>
      %add3A_2896 = arith.addf %add3A_2880, %get3A_2895 : vector<16xf32>
      %get3A_2897 = arith.constant 3 : i32
      %get3A_2898 = arith.constant 39 : i32
      %get3A_2899 = arith.index_cast %get3A_2897 : i32 to index
      %get3A_2900 = arith.index_cast %get3A_2898 : i32 to index
      %get3A_2901 = arith.constant 0 : index
      %get3A_2902 = tpu.vector_load %arg7[%get3A_2899, %get3A_2900, %get3A_2901] {strides = array<i32>} : memref<4x100x16xf32, #tpu.memory_space<vmem>>, vector<1x1x16xf32>,
      %get3A_2903 = vector.shape_cast %get3A_2902 : vector<1x1x16xf32> to vector<16xf32>
      %add3A_2904 = arith.addf %add3A_2888, %get3A_2903 : vector<16xf32>
      %get3A_2905 = arith.constant 3 : i32
      %get3A_2906 = arith.constant 40 : i32
      %get3A_2907 = arith.index_cast %get3A_2905 : i32 to index
      %get3A_2908 = arith.index_cast %get3A_2906 : i32 to index
      %get3A_2909 = arith.constant 0 : index
      %get3A_2910 = tpu.vector_load %arg7[%get3A_2907, %get3A_2908, %get3A_2909] {strides = array<i32>} : memref<4x100x16xf32, #tpu.memory_space<vmem>>, vector<1x1x16xf32>,
      %get3A_2911 = vector.shape_cast %get3A_2910 : vector<1x1x16xf32> to vector<16xf32>
      %add3A_2912 = arith.addf %add3A_2896, %get3A_2911 : vector<16xf32>
      %get3A_2913 = arith.constant 3 : i32
      %get3A_2914 = arith.constant 41 : i32
      %get3A_2915 = arith.index_cast %get3A_2913 : i32 to index
      %get3A_2916 = arith.index_cast %get3A_2914 : i32 to index
      %get3A_2917 = arith.constant 0 : index
      %get3A_2918 = tpu.vector_load %arg7[%get3A_2915, %get3A_2916, %get3A_2917] {strides = array<i32>} : memref<4x100x16xf32, #tpu.memory_space<vmem>>, vector<1x1x16xf32>,
      %get3A_2919 = vector.shape_cast %get3A_2918 : vector<1x1x16xf32> to vector<16xf32>
      %add3A_2920 = arith.addf %add3A_2904, %get3A_2919 : vector<16xf32>
      %get3A_2921 = arith.constant 3 : i32
      %get3A_2922 = arith.constant 42 : i32
      %get3A_2923 = arith.index_cast %get3A_2921 : i32 to index
      %get3A_2924 = arith.index_cast %get3A_2922 : i32 to index
      %get3A_2925 = arith.constant 0 : index
      %get3A_2926 = tpu.vector_load %arg7[%get3A_2923, %get3A_2924, %get3A_2925] {strides = array<i32>} : memref<4x100x16xf32, #tpu.memory_space<vmem>>, vector<1x1x16xf32>,
      %get3A_2927 = vector.shape_cast %get3A_2926 : vector<1x1x16xf32> to vector<16xf32>
      %add3A_2928 = arith.addf %add3A_2912, %get3A_2927 : vector<16xf32>
      %get3A_2929 = arith.constant 3 : i32
      %get3A_2930 = arith.constant 43 : i32
      %get3A_2931 = arith.index_cast %get3A_2929 : i32 to index
      %get3A_2932 = arith.index_cast %get3A_2930 : i32 to index
      %get3A_2933 = arith.constant 0 : index
      %get3A_2934 = tpu.vector_load %arg7[%get3A_2931, %get3A_2932, %get3A_2933] {strides = array<i32>} : memref<4x100x16xf32, #tpu.memory_space<vmem>>, vector<1x1x16xf32>,
      %get3A_2935 = vector.shape_cast %get3A_2934 : vector<1x1x16xf32> to vector<16xf32>
      %add3A_2936 = arith.addf %add3A_2920, %get3A_2935 : vector<16xf32>
      %get3A_2937 = arith.constant 3 : i32
      %get3A_2938 = arith.constant 44 : i32
      %get3A_2939 = arith.index_cast %get3A_2937 : i32 to index
      %get3A_2940 = arith.index_cast %get3A_2938 : i32 to index
      %get3A_2941 = arith.constant 0 : index
      %get3A_2942 = tpu.vector_load %arg7[%get3A_2939, %get3A_2940, %get3A_2941] {strides = array<i32>} : memref<4x100x16xf32, #tpu.memory_space<vmem>>, vector<1x1x16xf32>,
      %get3A_2943 = vector.shape_cast %get3A_2942 : vector<1x1x16xf32> to vector<16xf32>
      %add3A_2944 = arith.addf %add3A_2928, %get3A_2943 : vector<16xf32>
      %get3A_2945 = arith.constant 3 : i32
      %get3A_2946 = arith.constant 45 : i32
      %get3A_2947 = arith.index_cast %get3A_2945 : i32 to index
      %get3A_2948 = arith.index_cast %get3A_2946 : i32 to index
      %get3A_2949 = arith.constant 0 : index
      %get3A_2950 = tpu.vector_load %arg7[%get3A_2947, %get3A_2948, %get3A_2949] {strides = array<i32>} : memref<4x100x16xf32, #tpu.memory_space<vmem>>, vector<1x1x16xf32>,
      %get3A_2951 = vector.shape_cast %get3A_2950 : vector<1x1x16xf32> to vector<16xf32>
      %add3A_2952 = arith.addf %add3A_2936, %get3A_2951 : vector<16xf32>
      %get3A_2953 = arith.constant 3 : i32
      %get3A_2954 = arith.constant 46 : i32
      %get3A_2955 = arith.index_cast %get3A_2953 : i32 to index
      %get3A_2956 = arith.index_cast %get3A_2954 : i32 to index
      %get3A_2957 = arith.constant 0 : index
      %get3A_2958 = tpu.vector_load %arg7[%get3A_2955, %get3A_2956, %get3A_2957] {strides = array<i32>} : memref<4x100x16xf32, #tpu.memory_space<vmem>>, vector<1x1x16xf32>,
      %get3A_2959 = vector.shape_cast %get3A_2958 : vector<1x1x16xf32> to vector<16xf32>
      %add3A_2960 = arith.addf %add3A_2944, %get3A_2959 : vector<16xf32>
      %get3A_2961 = arith.constant 3 : i32
      %get3A_2962 = arith.constant 47 : i32
      %get3A_2963 = arith.index_cast %get3A_2961 : i32 to index
      %get3A_2964 = arith.index_cast %get3A_2962 : i32 to index
      %get3A_2965 = arith.constant 0 : index
      %get3A_2966 = tpu.vector_load %arg7[%get3A_2963, %get3A_2964, %get3A_2965] {strides = array<i32>} : memref<4x100x16xf32, #tpu.memory_space<vmem>>, vector<1x1x16xf32>,
      %get3A_2967 = vector.shape_cast %get3A_2966 : vector<1x1x16xf32> to vector<16xf32>
      %add3A_2968 = arith.addf %add3A_2952, %get3A_2967 : vector<16xf32>
      %get3A_2969 = arith.constant 3 : i32
      %get3A_2970 = arith.constant 48 : i32
      %get3A_2971 = arith.index_cast %get3A_2969 : i32 to index
      %get3A_2972 = arith.index_cast %get3A_2970 : i32 to index
      %get3A_2973 = arith.constant 0 : index
      %get3A_2974 = tpu.vector_load %arg7[%get3A_2971, %get3A_2972, %get3A_2973] {strides = array<i32>} : memref<4x100x16xf32, #tpu.memory_space<vmem>>, vector<1x1x16xf32>,
      %get3A_2975 = vector.shape_cast %get3A_2974 : vector<1x1x16xf32> to vector<16xf32>
      %add3A_2976 = arith.addf %add3A_2960, %get3A_2975 : vector<16xf32>
      %get3A_2977 = arith.constant 3 : i32
      %get3A_2978 = arith.constant 49 : i32
      %get3A_2979 = arith.index_cast %get3A_2977 : i32 to index
      %get3A_2980 = arith.index_cast %get3A_2978 : i32 to index
      %get3A_2981 = arith.constant 0 : index
      %get3A_2982 = tpu.vector_load %arg7[%get3A_2979, %get3A_2980, %get3A_2981] {strides = array<i32>} : memref<4x100x16xf32, #tpu.memory_space<vmem>>, vector<1x1x16xf32>,
      %get3A_2983 = vector.shape_cast %get3A_2982 : vector<1x1x16xf32> to vector<16xf32>
      %add3A_2984 = arith.addf %add3A_2968, %get3A_2983 : vector<16xf32>
      %get3A_2985 = arith.constant 3 : i32
      %get3A_2986 = arith.constant 50 : i32
      %get3A_2987 = arith.index_cast %get3A_2985 : i32 to index
      %get3A_2988 = arith.index_cast %get3A_2986 : i32 to index
      %get3A_2989 = arith.constant 0 : index
      %get3A_2990 = tpu.vector_load %arg7[%get3A_2987, %get3A_2988, %get3A_2989] {strides = array<i32>} : memref<4x100x16xf32, #tpu.memory_space<vmem>>, vector<1x1x16xf32>,
      %get3A_2991 = vector.shape_cast %get3A_2990 : vector<1x1x16xf32> to vector<16xf32>
      %add3A_2992 = arith.addf %add3A_2976, %get3A_2991 : vector<16xf32>
      %get3A_2993 = arith.constant 3 : i32
      %get3A_2994 = arith.constant 51 : i32
      %get3A_2995 = arith.index_cast %get3A_2993 : i32 to index
      %get3A_2996 = arith.index_cast %get3A_2994 : i32 to index
      %get3A_2997 = arith.constant 0 : index
      %get3A_2998 = tpu.vector_load %arg7[%get3A_2995, %get3A_2996, %get3A_2997] {strides = array<i32>} : memref<4x100x16xf32, #tpu.memory_space<vmem>>, vector<1x1x16xf32>,
      %get3A_2999 = vector.shape_cast %get3A_2998 : vector<1x1x16xf32> to vector<16xf32>
      %add3A_3000 = arith.addf %add3A_2984, %get3A_2999 : vector<16xf32>
      %get3A_3001 = arith.constant 3 : i32
      %get3A_3002 = arith.constant 52 : i32
      %get3A_3003 = arith.index_cast %get3A_3001 : i32 to index
      %get3A_3004 = arith.index_cast %get3A_3002 : i32 to index
      %get3A_3005 = arith.constant 0 : index
      %get3A_3006 = tpu.vector_load %arg7[%get3A_3003, %get3A_3004, %get3A_3005] {strides = array<i32>} : memref<4x100x16xf32, #tpu.memory_space<vmem>>, vector<1x1x16xf32>,
      %get3A_3007 = vector.shape_cast %get3A_3006 : vector<1x1x16xf32> to vector<16xf32>
      %add3A_3008 = arith.addf %add3A_2992, %get3A_3007 : vector<16xf32>
      %get3A_3009 = arith.constant 3 : i32
      %get3A_3010 = arith.constant 53 : i32
      %get3A_3011 = arith.index_cast %get3A_3009 : i32 to index
      %get3A_3012 = arith.index_cast %get3A_3010 : i32 to index
      %get3A_3013 = arith.constant 0 : index
      %get3A_3014 = tpu.vector_load %arg7[%get3A_3011, %get3A_3012, %get3A_3013] {strides = array<i32>} : memref<4x100x16xf32, #tpu.memory_space<vmem>>, vector<1x1x16xf32>,
      %get3A_3015 = vector.shape_cast %get3A_3014 : vector<1x1x16xf32> to vector<16xf32>
      %add3A_3016 = arith.addf %add3A_3000, %get3A_3015 : vector<16xf32>
      %get3A_3017 = arith.constant 3 : i32
      %get3A_3018 = arith.constant 54 : i32
      %get3A_3019 = arith.index_cast %get3A_3017 : i32 to index
      %get3A_3020 = arith.index_cast %get3A_3018 : i32 to index
      %get3A_3021 = arith.constant 0 : index
      %get3A_3022 = tpu.vector_load %arg7[%get3A_3019, %get3A_3020, %get3A_3021] {strides = array<i32>} : memref<4x100x16xf32, #tpu.memory_space<vmem>>, vector<1x1x16xf32>,
      %get3A_3023 = vector.shape_cast %get3A_3022 : vector<1x1x16xf32> to vector<16xf32>
      %add3A_3024 = arith.addf %add3A_3008, %get3A_3023 : vector<16xf32>
      %get3A_3025 = arith.constant 3 : i32
      %get3A_3026 = arith.constant 55 : i32
      %get3A_3027 = arith.index_cast %get3A_3025 : i32 to index
      %get3A_3028 = arith.index_cast %get3A_3026 : i32 to index
      %get3A_3029 = arith.constant 0 : index
      %get3A_3030 = tpu.vector_load %arg7[%get3A_3027, %get3A_3028, %get3A_3029] {strides = array<i32>} : memref<4x100x16xf32, #tpu.memory_space<vmem>>, vector<1x1x16xf32>,
      %get3A_3031 = vector.shape_cast %get3A_3030 : vector<1x1x16xf32> to vector<16xf32>
      %add3A_3032 = arith.addf %add3A_3016, %get3A_3031 : vector<16xf32>
      %get3A_3033 = arith.constant 3 : i32
      %get3A_3034 = arith.constant 56 : i32
      %get3A_3035 = arith.index_cast %get3A_3033 : i32 to index
      %get3A_3036 = arith.index_cast %get3A_3034 : i32 to index
      %get3A_3037 = arith.constant 0 : index
      %get3A_3038 = tpu.vector_load %arg7[%get3A_3035, %get3A_3036, %get3A_3037] {strides = array<i32>} : memref<4x100x16xf32, #tpu.memory_space<vmem>>, vector<1x1x16xf32>,
      %get3A_3039 = vector.shape_cast %get3A_3038 : vector<1x1x16xf32> to vector<16xf32>
      %add3A_3040 = arith.addf %add3A_3024, %get3A_3039 : vector<16xf32>
      %get3A_3041 = arith.constant 3 : i32
      %get3A_3042 = arith.constant 57 : i32
      %get3A_3043 = arith.index_cast %get3A_3041 : i32 to index
      %get3A_3044 = arith.index_cast %get3A_3042 : i32 to index
      %get3A_3045 = arith.constant 0 : index
      %get3A_3046 = tpu.vector_load %arg7[%get3A_3043, %get3A_3044, %get3A_3045] {strides = array<i32>} : memref<4x100x16xf32, #tpu.memory_space<vmem>>, vector<1x1x16xf32>,
      %get3A_3047 = vector.shape_cast %get3A_3046 : vector<1x1x16xf32> to vector<16xf32>
      %add3A_3048 = arith.addf %add3A_3032, %get3A_3047 : vector<16xf32>
      %get3A_3049 = arith.constant 3 : i32
      %get3A_3050 = arith.constant 58 : i32
      %get3A_3051 = arith.index_cast %get3A_3049 : i32 to index
      %get3A_3052 = arith.index_cast %get3A_3050 : i32 to index
      %get3A_3053 = arith.constant 0 : index
      %get3A_3054 = tpu.vector_load %arg7[%get3A_3051, %get3A_3052, %get3A_3053] {strides = array<i32>} : memref<4x100x16xf32, #tpu.memory_space<vmem>>, vector<1x1x16xf32>,
      %get3A_3055 = vector.shape_cast %get3A_3054 : vector<1x1x16xf32> to vector<16xf32>
      %add3A_3056 = arith.addf %add3A_3040, %get3A_3055 : vector<16xf32>
      %get3A_3057 = arith.constant 3 : i32
      %get3A_3058 = arith.constant 59 : i32
      %get3A_3059 = arith.index_cast %get3A_3057 : i32 to index
      %get3A_3060 = arith.index_cast %get3A_3058 : i32 to index
      %get3A_3061 = arith.constant 0 : index
      %get3A_3062 = tpu.vector_load %arg7[%get3A_3059, %get3A_3060, %get3A_3061] {strides = array<i32>} : memref<4x100x16xf32, #tpu.memory_space<vmem>>, vector<1x1x16xf32>,
      %get3A_3063 = vector.shape_cast %get3A_3062 : vector<1x1x16xf32> to vector<16xf32>
      %add3A_3064 = arith.addf %add3A_3048, %get3A_3063 : vector<16xf32>
      %get3A_3065 = arith.constant 3 : i32
      %get3A_3066 = arith.constant 60 : i32
      %get3A_3067 = arith.index_cast %get3A_3065 : i32 to index
      %get3A_3068 = arith.index_cast %get3A_3066 : i32 to index
      %get3A_3069 = arith.constant 0 : index
      %get3A_3070 = tpu.vector_load %arg7[%get3A_3067, %get3A_3068, %get3A_3069] {strides = array<i32>} : memref<4x100x16xf32, #tpu.memory_space<vmem>>, vector<1x1x16xf32>,
      %get3A_3071 = vector.shape_cast %get3A_3070 : vector<1x1x16xf32> to vector<16xf32>
      %add3A_3072 = arith.addf %add3A_3056, %get3A_3071 : vector<16xf32>
      %get3A_3073 = arith.constant 3 : i32
      %get3A_3074 = arith.constant 61 : i32
      %get3A_3075 = arith.index_cast %get3A_3073 : i32 to index
      %get3A_3076 = arith.index_cast %get3A_3074 : i32 to index
      %get3A_3077 = arith.constant 0 : index
      %get3A_3078 = tpu.vector_load %arg7[%get3A_3075, %get3A_3076, %get3A_3077] {strides = array<i32>} : memref<4x100x16xf32, #tpu.memory_space<vmem>>, vector<1x1x16xf32>,
      %get3A_3079 = vector.shape_cast %get3A_3078 : vector<1x1x16xf32> to vector<16xf32>
      %add3A_3080 = arith.addf %add3A_3064, %get3A_3079 : vector<16xf32>
      %get3A_3081 = arith.constant 3 : i32
      %get3A_3082 = arith.constant 62 : i32
      %get3A_3083 = arith.index_cast %get3A_3081 : i32 to index
      %get3A_3084 = arith.index_cast %get3A_3082 : i32 to index
      %get3A_3085 = arith.constant 0 : index
      %get3A_3086 = tpu.vector_load %arg7[%get3A_3083, %get3A_3084, %get3A_3085] {strides = array<i32>} : memref<4x100x16xf32, #tpu.memory_space<vmem>>, vector<1x1x16xf32>,
      %get3A_3087 = vector.shape_cast %get3A_3086 : vector<1x1x16xf32> to vector<16xf32>
      %add3A_3088 = arith.addf %add3A_3072, %get3A_3087 : vector<16xf32>
      %get3A_3089 = arith.constant 3 : i32
      %get3A_3090 = arith.constant 63 : i32
      %get3A_3091 = arith.index_cast %get3A_3089 : i32 to index
      %get3A_3092 = arith.index_cast %get3A_3090 : i32 to index
      %get3A_3093 = arith.constant 0 : index
      %get3A_3094 = tpu.vector_load %arg7[%get3A_3091, %get3A_3092, %get3A_3093] {strides = array<i32>} : memref<4x100x16xf32, #tpu.memory_space<vmem>>, vector<1x1x16xf32>,
      %get3A_3095 = vector.shape_cast %get3A_3094 : vector<1x1x16xf32> to vector<16xf32>
      %add3A_3096 = arith.addf %add3A_3080, %get3A_3095 : vector<16xf32>
      %get3A_3097 = arith.constant 3 : i32
      %get3A_3098 = arith.constant 64 : i32
      %get3A_3099 = arith.index_cast %get3A_3097 : i32 to index
      %get3A_3100 = arith.index_cast %get3A_3098 : i32 to index
      %get3A_3101 = arith.constant 0 : index
      %get3A_3102 = tpu.vector_load %arg7[%get3A_3099, %get3A_3100, %get3A_3101] {strides = array<i32>} : memref<4x100x16xf32, #tpu.memory_space<vmem>>, vector<1x1x16xf32>,
      %get3A_3103 = vector.shape_cast %get3A_3102 : vector<1x1x16xf32> to vector<16xf32>
      %add3A_3104 = arith.addf %add3A_3088, %get3A_3103 : vector<16xf32>
      %get3A_3105 = arith.constant 3 : i32
      %get3A_3106 = arith.constant 65 : i32
      %get3A_3107 = arith.index_cast %get3A_3105 : i32 to index
      %get3A_3108 = arith.index_cast %get3A_3106 : i32 to index
      %get3A_3109 = arith.constant 0 : index
      %get3A_3110 = tpu.vector_load %arg7[%get3A_3107, %get3A_3108, %get3A_3109] {strides = array<i32>} : memref<4x100x16xf32, #tpu.memory_space<vmem>>, vector<1x1x16xf32>,
      %get3A_3111 = vector.shape_cast %get3A_3110 : vector<1x1x16xf32> to vector<16xf32>
      %add3A_3112 = arith.addf %add3A_3096, %get3A_3111 : vector<16xf32>
      %get3A_3113 = arith.constant 3 : i32
      %get3A_3114 = arith.constant 66 : i32
      %get3A_3115 = arith.index_cast %get3A_3113 : i32 to index
      %get3A_3116 = arith.index_cast %get3A_3114 : i32 to index
      %get3A_3117 = arith.constant 0 : index
      %get3A_3118 = tpu.vector_load %arg7[%get3A_3115, %get3A_3116, %get3A_3117] {strides = array<i32>} : memref<4x100x16xf32, #tpu.memory_space<vmem>>, vector<1x1x16xf32>,
      %get3A_3119 = vector.shape_cast %get3A_3118 : vector<1x1x16xf32> to vector<16xf32>
      %add3A_3120 = arith.addf %add3A_3104, %get3A_3119 : vector<16xf32>
      %get3A_3121 = arith.constant 3 : i32
      %get3A_3122 = arith.constant 67 : i32
      %get3A_3123 = arith.index_cast %get3A_3121 : i32 to index
      %get3A_3124 = arith.index_cast %get3A_3122 : i32 to index
      %get3A_3125 = arith.constant 0 : index
      %get3A_3126 = tpu.vector_load %arg7[%get3A_3123, %get3A_3124, %get3A_3125] {strides = array<i32>} : memref<4x100x16xf32, #tpu.memory_space<vmem>>, vector<1x1x16xf32>,
      %get3A_3127 = vector.shape_cast %get3A_3126 : vector<1x1x16xf32> to vector<16xf32>
      %add3A_3128 = arith.addf %add3A_3112, %get3A_3127 : vector<16xf32>
      %get3A_3129 = arith.constant 3 : i32
      %get3A_3130 = arith.constant 68 : i32
      %get3A_3131 = arith.index_cast %get3A_3129 : i32 to index
      %get3A_3132 = arith.index_cast %get3A_3130 : i32 to index
      %get3A_3133 = arith.constant 0 : index
      %get3A_3134 = tpu.vector_load %arg7[%get3A_3131, %get3A_3132, %get3A_3133] {strides = array<i32>} : memref<4x100x16xf32, #tpu.memory_space<vmem>>, vector<1x1x16xf32>,
      %get3A_3135 = vector.shape_cast %get3A_3134 : vector<1x1x16xf32> to vector<16xf32>
      %add3A_3136 = arith.addf %add3A_3120, %get3A_3135 : vector<16xf32>
      %get3A_3137 = arith.constant 3 : i32
      %get3A_3138 = arith.constant 69 : i32
      %get3A_3139 = arith.index_cast %get3A_3137 : i32 to index
      %get3A_3140 = arith.index_cast %get3A_3138 : i32 to index
      %get3A_3141 = arith.constant 0 : index
      %get3A_3142 = tpu.vector_load %arg7[%get3A_3139, %get3A_3140, %get3A_3141] {strides = array<i32>} : memref<4x100x16xf32, #tpu.memory_space<vmem>>, vector<1x1x16xf32>,
      %get3A_3143 = vector.shape_cast %get3A_3142 : vector<1x1x16xf32> to vector<16xf32>
      %add3A_3144 = arith.addf %add3A_3128, %get3A_3143 : vector<16xf32>
      %get3A_3145 = arith.constant 3 : i32
      %get3A_3146 = arith.constant 70 : i32
      %get3A_3147 = arith.index_cast %get3A_3145 : i32 to index
      %get3A_3148 = arith.index_cast %get3A_3146 : i32 to index
      %get3A_3149 = arith.constant 0 : index
      %get3A_3150 = tpu.vector_load %arg7[%get3A_3147, %get3A_3148, %get3A_3149] {strides = array<i32>} : memref<4x100x16xf32, #tpu.memory_space<vmem>>, vector<1x1x16xf32>,
      %get3A_3151 = vector.shape_cast %get3A_3150 : vector<1x1x16xf32> to vector<16xf32>
      %add3A_3152 = arith.addf %add3A_3136, %get3A_3151 : vector<16xf32>
      %get3A_3153 = arith.constant 3 : i32
      %get3A_3154 = arith.constant 71 : i32
      %get3A_3155 = arith.index_cast %get3A_3153 : i32 to index
      %get3A_3156 = arith.index_cast %get3A_3154 : i32 to index
      %get3A_3157 = arith.constant 0 : index
      %get3A_3158 = tpu.vector_load %arg7[%get3A_3155, %get3A_3156, %get3A_3157] {strides = array<i32>} : memref<4x100x16xf32, #tpu.memory_space<vmem>>, vector<1x1x16xf32>,
      %get3A_3159 = vector.shape_cast %get3A_3158 : vector<1x1x16xf32> to vector<16xf32>
      %add3A_3160 = arith.addf %add3A_3144, %get3A_3159 : vector<16xf32>
      %get3A_3161 = arith.constant 3 : i32
      %get3A_3162 = arith.constant 72 : i32
      %get3A_3163 = arith.index_cast %get3A_3161 : i32 to index
      %get3A_3164 = arith.index_cast %get3A_3162 : i32 to index
      %get3A_3165 = arith.constant 0 : index
      %get3A_3166 = tpu.vector_load %arg7[%get3A_3163, %get3A_3164, %get3A_3165] {strides = array<i32>} : memref<4x100x16xf32, #tpu.memory_space<vmem>>, vector<1x1x16xf32>,
      %get3A_3167 = vector.shape_cast %get3A_3166 : vector<1x1x16xf32> to vector<16xf32>
      %add3A_3168 = arith.addf %add3A_3152, %get3A_3167 : vector<16xf32>
      %get3A_3169 = arith.constant 3 : i32
      %get3A_3170 = arith.constant 73 : i32
      %get3A_3171 = arith.index_cast %get3A_3169 : i32 to index
      %get3A_3172 = arith.index_cast %get3A_3170 : i32 to index
      %get3A_3173 = arith.constant 0 : index
      %get3A_3174 = tpu.vector_load %arg7[%get3A_3171, %get3A_3172, %get3A_3173] {strides = array<i32>} : memref<4x100x16xf32, #tpu.memory_space<vmem>>, vector<1x1x16xf32>,
      %get3A_3175 = vector.shape_cast %get3A_3174 : vector<1x1x16xf32> to vector<16xf32>
      %add3A_3176 = arith.addf %add3A_3160, %get3A_3175 : vector<16xf32>
      %get3A_3177 = arith.constant 3 : i32
      %get3A_3178 = arith.constant 74 : i32
      %get3A_3179 = arith.index_cast %get3A_3177 : i32 to index
      %get3A_3180 = arith.index_cast %get3A_3178 : i32 to index
      %get3A_3181 = arith.constant 0 : index
      %get3A_3182 = tpu.vector_load %arg7[%get3A_3179, %get3A_3180, %get3A_3181] {strides = array<i32>} : memref<4x100x16xf32, #tpu.memory_space<vmem>>, vector<1x1x16xf32>,
      %get3A_3183 = vector.shape_cast %get3A_3182 : vector<1x1x16xf32> to vector<16xf32>
      %add3A_3184 = arith.addf %add3A_3168, %get3A_3183 : vector<16xf32>
      %get3A_3185 = arith.constant 3 : i32
      %get3A_3186 = arith.constant 75 : i32
      %get3A_3187 = arith.index_cast %get3A_3185 : i32 to index
      %get3A_3188 = arith.index_cast %get3A_3186 : i32 to index
      %get3A_3189 = arith.constant 0 : index
      %get3A_3190 = tpu.vector_load %arg7[%get3A_3187, %get3A_3188, %get3A_3189] {strides = array<i32>} : memref<4x100x16xf32, #tpu.memory_space<vmem>>, vector<1x1x16xf32>,
      %get3A_3191 = vector.shape_cast %get3A_3190 : vector<1x1x16xf32> to vector<16xf32>
      %add3A_3192 = arith.addf %add3A_3176, %get3A_3191 : vector<16xf32>
      %get3A_3193 = arith.constant 3 : i32
      %get3A_3194 = arith.constant 76 : i32
      %get3A_3195 = arith.index_cast %get3A_3193 : i32 to index
      %get3A_3196 = arith.index_cast %get3A_3194 : i32 to index
      %get3A_3197 = arith.constant 0 : index
      %get3A_3198 = tpu.vector_load %arg7[%get3A_3195, %get3A_3196, %get3A_3197] {strides = array<i32>} : memref<4x100x16xf32, #tpu.memory_space<vmem>>, vector<1x1x16xf32>,
      %get3A_3199 = vector.shape_cast %get3A_3198 : vector<1x1x16xf32> to vector<16xf32>
      %add3A_3200 = arith.addf %add3A_3184, %get3A_3199 : vector<16xf32>
      %get3A_3201 = arith.constant 3 : i32
      %get3A_3202 = arith.constant 77 : i32
      %get3A_3203 = arith.index_cast %get3A_3201 : i32 to index
      %get3A_3204 = arith.index_cast %get3A_3202 : i32 to index
      %get3A_3205 = arith.constant 0 : index
      %get3A_3206 = tpu.vector_load %arg7[%get3A_3203, %get3A_3204, %get3A_3205] {strides = array<i32>} : memref<4x100x16xf32, #tpu.memory_space<vmem>>, vector<1x1x16xf32>,
      %get3A_3207 = vector.shape_cast %get3A_3206 : vector<1x1x16xf32> to vector<16xf32>
      %add3A_3208 = arith.addf %add3A_3192, %get3A_3207 : vector<16xf32>
      %get3A_3209 = arith.constant 3 : i32
      %get3A_3210 = arith.constant 78 : i32
      %get3A_3211 = arith.index_cast %get3A_3209 : i32 to index
      %get3A_3212 = arith.index_cast %get3A_3210 : i32 to index
      %get3A_3213 = arith.constant 0 : index
      %get3A_3214 = tpu.vector_load %arg7[%get3A_3211, %get3A_3212, %get3A_3213] {strides = array<i32>} : memref<4x100x16xf32, #tpu.memory_space<vmem>>, vector<1x1x16xf32>,
      %get3A_3215 = vector.shape_cast %get3A_3214 : vector<1x1x16xf32> to vector<16xf32>
      %add3A_3216 = arith.addf %add3A_3200, %get3A_3215 : vector<16xf32>
      %get3A_3217 = arith.constant 3 : i32
      %get3A_3218 = arith.constant 79 : i32
      %get3A_3219 = arith.index_cast %get3A_3217 : i32 to index
      %get3A_3220 = arith.index_cast %get3A_3218 : i32 to index
      %get3A_3221 = arith.constant 0 : index
      %get3A_3222 = tpu.vector_load %arg7[%get3A_3219, %get3A_3220, %get3A_3221] {strides = array<i32>} : memref<4x100x16xf32, #tpu.memory_space<vmem>>, vector<1x1x16xf32>,
      %get3A_3223 = vector.shape_cast %get3A_3222 : vector<1x1x16xf32> to vector<16xf32>
      %add3A_3224 = arith.addf %add3A_3208, %get3A_3223 : vector<16xf32>
      %get3A_3225 = arith.constant 3 : i32
      %get3A_3226 = arith.constant 80 : i32
      %get3A_3227 = arith.index_cast %get3A_3225 : i32 to index
      %get3A_3228 = arith.index_cast %get3A_3226 : i32 to index
      %get3A_3229 = arith.constant 0 : index
      %get3A_3230 = tpu.vector_load %arg7[%get3A_3227, %get3A_3228, %get3A_3229] {strides = array<i32>} : memref<4x100x16xf32, #tpu.memory_space<vmem>>, vector<1x1x16xf32>,
      %get3A_3231 = vector.shape_cast %get3A_3230 : vector<1x1x16xf32> to vector<16xf32>
      %add3A_3232 = arith.addf %add3A_3216, %get3A_3231 : vector<16xf32>
      %get3A_3233 = arith.constant 3 : i32
      %get3A_3234 = arith.constant 81 : i32
      %get3A_3235 = arith.index_cast %get3A_3233 : i32 to index
      %get3A_3236 = arith.index_cast %get3A_3234 : i32 to index
      %get3A_3237 = arith.constant 0 : index
      %get3A_3238 = tpu.vector_load %arg7[%get3A_3235, %get3A_3236, %get3A_3237] {strides = array<i32>} : memref<4x100x16xf32, #tpu.memory_space<vmem>>, vector<1x1x16xf32>,
      %get3A_3239 = vector.shape_cast %get3A_3238 : vector<1x1x16xf32> to vector<16xf32>
      %add3A_3240 = arith.addf %add3A_3224, %get3A_3239 : vector<16xf32>
      %get3A_3241 = arith.constant 3 : i32
      %get3A_3242 = arith.constant 82 : i32
      %get3A_3243 = arith.index_cast %get3A_3241 : i32 to index
      %get3A_3244 = arith.index_cast %get3A_3242 : i32 to index
      %get3A_3245 = arith.constant 0 : index
      %get3A_3246 = tpu.vector_load %arg7[%get3A_3243, %get3A_3244, %get3A_3245] {strides = array<i32>} : memref<4x100x16xf32, #tpu.memory_space<vmem>>, vector<1x1x16xf32>,
      %get3A_3247 = vector.shape_cast %get3A_3246 : vector<1x1x16xf32> to vector<16xf32>
      %add3A_3248 = arith.addf %add3A_3232, %get3A_3247 : vector<16xf32>
      %get3A_3249 = arith.constant 3 : i32
      %get3A_3250 = arith.constant 83 : i32
      %get3A_3251 = arith.index_cast %get3A_3249 : i32 to index
      %get3A_3252 = arith.index_cast %get3A_3250 : i32 to index
      %get3A_3253 = arith.constant 0 : index
      %get3A_3254 = tpu.vector_load %arg7[%get3A_3251, %get3A_3252, %get3A_3253] {strides = array<i32>} : memref<4x100x16xf32, #tpu.memory_space<vmem>>, vector<1x1x16xf32>,
      %get3A_3255 = vector.shape_cast %get3A_3254 : vector<1x1x16xf32> to vector<16xf32>
      %add3A_3256 = arith.addf %add3A_3240, %get3A_3255 : vector<16xf32>
      %get3A_3257 = arith.constant 3 : i32
      %get3A_3258 = arith.constant 84 : i32
      %get3A_3259 = arith.index_cast %get3A_3257 : i32 to index
      %get3A_3260 = arith.index_cast %get3A_3258 : i32 to index
      %get3A_3261 = arith.constant 0 : index
      %get3A_3262 = tpu.vector_load %arg7[%get3A_3259, %get3A_3260, %get3A_3261] {strides = array<i32>} : memref<4x100x16xf32, #tpu.memory_space<vmem>>, vector<1x1x16xf32>,
      %get3A_3263 = vector.shape_cast %get3A_3262 : vector<1x1x16xf32> to vector<16xf32>
      %add3A_3264 = arith.addf %add3A_3248, %get3A_3263 : vector<16xf32>
      %get3A_3265 = arith.constant 3 : i32
      %get3A_3266 = arith.constant 85 : i32
      %get3A_3267 = arith.index_cast %get3A_3265 : i32 to index
      %get3A_3268 = arith.index_cast %get3A_3266 : i32 to index
      %get3A_3269 = arith.constant 0 : index
      %get3A_3270 = tpu.vector_load %arg7[%get3A_3267, %get3A_3268, %get3A_3269] {strides = array<i32>} : memref<4x100x16xf32, #tpu.memory_space<vmem>>, vector<1x1x16xf32>,
      %get3A_3271 = vector.shape_cast %get3A_3270 : vector<1x1x16xf32> to vector<16xf32>
      %add3A_3272 = arith.addf %add3A_3256, %get3A_3271 : vector<16xf32>
      %get3A_3273 = arith.constant 3 : i32
      %get3A_3274 = arith.constant 86 : i32
      %get3A_3275 = arith.index_cast %get3A_3273 : i32 to index
      %get3A_3276 = arith.index_cast %get3A_3274 : i32 to index
      %get3A_3277 = arith.constant 0 : index
      %get3A_3278 = tpu.vector_load %arg7[%get3A_3275, %get3A_3276, %get3A_3277] {strides = array<i32>} : memref<4x100x16xf32, #tpu.memory_space<vmem>>, vector<1x1x16xf32>,
      %get3A_3279 = vector.shape_cast %get3A_3278 : vector<1x1x16xf32> to vector<16xf32>
      %add3A_3280 = arith.addf %add3A_3264, %get3A_3279 : vector<16xf32>
      %get3A_3281 = arith.constant 3 : i32
      %get3A_3282 = arith.constant 87 : i32
      %get3A_3283 = arith.index_cast %get3A_3281 : i32 to index
      %get3A_3284 = arith.index_cast %get3A_3282 : i32 to index
      %get3A_3285 = arith.constant 0 : index
      %get3A_3286 = tpu.vector_load %arg7[%get3A_3283, %get3A_3284, %get3A_3285] {strides = array<i32>} : memref<4x100x16xf32, #tpu.memory_space<vmem>>, vector<1x1x16xf32>,
      %get3A_3287 = vector.shape_cast %get3A_3286 : vector<1x1x16xf32> to vector<16xf32>
      %add3A_3288 = arith.addf %add3A_3272, %get3A_3287 : vector<16xf32>
      %get3A_3289 = arith.constant 3 : i32
      %get3A_3290 = arith.constant 88 : i32
      %get3A_3291 = arith.index_cast %get3A_3289 : i32 to index
      %get3A_3292 = arith.index_cast %get3A_3290 : i32 to index
      %get3A_3293 = arith.constant 0 : index
      %get3A_3294 = tpu.vector_load %arg7[%get3A_3291, %get3A_3292, %get3A_3293] {strides = array<i32>} : memref<4x100x16xf32, #tpu.memory_space<vmem>>, vector<1x1x16xf32>,
      %get3A_3295 = vector.shape_cast %get3A_3294 : vector<1x1x16xf32> to vector<16xf32>
      %add3A_3296 = arith.addf %add3A_3280, %get3A_3295 : vector<16xf32>
      %get3A_3297 = arith.constant 3 : i32
      %get3A_3298 = arith.constant 89 : i32
      %get3A_3299 = arith.index_cast %get3A_3297 : i32 to index
      %get3A_3300 = arith.index_cast %get3A_3298 : i32 to index
      %get3A_3301 = arith.constant 0 : index
      %get3A_3302 = tpu.vector_load %arg7[%get3A_3299, %get3A_3300, %get3A_3301] {strides = array<i32>} : memref<4x100x16xf32, #tpu.memory_space<vmem>>, vector<1x1x16xf32>,
      %get3A_3303 = vector.shape_cast %get3A_3302 : vector<1x1x16xf32> to vector<16xf32>
      %add3A_3304 = arith.addf %add3A_3288, %get3A_3303 : vector<16xf32>
      %get3A_3305 = arith.constant 3 : i32
      %get3A_3306 = arith.constant 90 : i32
      %get3A_3307 = arith.index_cast %get3A_3305 : i32 to index
      %get3A_3308 = arith.index_cast %get3A_3306 : i32 to index
      %get3A_3309 = arith.constant 0 : index
      %get3A_3310 = tpu.vector_load %arg7[%get3A_3307, %get3A_3308, %get3A_3309] {strides = array<i32>} : memref<4x100x16xf32, #tpu.memory_space<vmem>>, vector<1x1x16xf32>,
      %get3A_3311 = vector.shape_cast %get3A_3310 : vector<1x1x16xf32> to vector<16xf32>
      %add3A_3312 = arith.addf %add3A_3296, %get3A_3311 : vector<16xf32>
      %get3A_3313 = arith.constant 3 : i32
      %get3A_3314 = arith.constant 91 : i32
      %get3A_3315 = arith.index_cast %get3A_3313 : i32 to index
      %get3A_3316 = arith.index_cast %get3A_3314 : i32 to index
      %get3A_3317 = arith.constant 0 : index
      %get3A_3318 = tpu.vector_load %arg7[%get3A_3315, %get3A_3316, %get3A_3317] {strides = array<i32>} : memref<4x100x16xf32, #tpu.memory_space<vmem>>, vector<1x1x16xf32>,
      %get3A_3319 = vector.shape_cast %get3A_3318 : vector<1x1x16xf32> to vector<16xf32>
      %add3A_3320 = arith.addf %add3A_3304, %get3A_3319 : vector<16xf32>
      %get3A_3321 = arith.constant 3 : i32
      %get3A_3322 = arith.constant 92 : i32
      %get3A_3323 = arith.index_cast %get3A_3321 : i32 to index
      %get3A_3324 = arith.index_cast %get3A_3322 : i32 to index
      %get3A_3325 = arith.constant 0 : index
      %get3A_3326 = tpu.vector_load %arg7[%get3A_3323, %get3A_3324, %get3A_3325] {strides = array<i32>} : memref<4x100x16xf32, #tpu.memory_space<vmem>>, vector<1x1x16xf32>,
      %get3A_3327 = vector.shape_cast %get3A_3326 : vector<1x1x16xf32> to vector<16xf32>
      %add3A_3328 = arith.addf %add3A_3312, %get3A_3327 : vector<16xf32>
      %get3A_3329 = arith.constant 3 : i32
      %get3A_3330 = arith.constant 93 : i32
      %get3A_3331 = arith.index_cast %get3A_3329 : i32 to index
      %get3A_3332 = arith.index_cast %get3A_3330 : i32 to index
      %get3A_3333 = arith.constant 0 : index
      %get3A_3334 = tpu.vector_load %arg7[%get3A_3331, %get3A_3332, %get3A_3333] {strides = array<i32>} : memref<4x100x16xf32, #tpu.memory_space<vmem>>, vector<1x1x16xf32>,
      %get3A_3335 = vector.shape_cast %get3A_3334 : vector<1x1x16xf32> to vector<16xf32>
      %add3A_3336 = arith.addf %add3A_3320, %get3A_3335 : vector<16xf32>
      %get3A_3337 = arith.constant 3 : i32
      %get3A_3338 = arith.constant 94 : i32
      %get3A_3339 = arith.index_cast %get3A_3337 : i32 to index
      %get3A_3340 = arith.index_cast %get3A_3338 : i32 to index
      %get3A_3341 = arith.constant 0 : index
      %get3A_3342 = tpu.vector_load %arg7[%get3A_3339, %get3A_3340, %get3A_3341] {strides = array<i32>} : memref<4x100x16xf32, #tpu.memory_space<vmem>>, vector<1x1x16xf32>,
      %get3A_3343 = vector.shape_cast %get3A_3342 : vector<1x1x16xf32> to vector<16xf32>
      %add3A_3344 = arith.addf %add3A_3328, %get3A_3343 : vector<16xf32>
      %get3A_3345 = arith.constant 3 : i32
      %get3A_3346 = arith.constant 95 : i32
      %get3A_3347 = arith.index_cast %get3A_3345 : i32 to index
      %get3A_3348 = arith.index_cast %get3A_3346 : i32 to index
      %get3A_3349 = arith.constant 0 : index
      %get3A_3350 = tpu.vector_load %arg7[%get3A_3347, %get3A_3348, %get3A_3349] {strides = array<i32>} : memref<4x100x16xf32, #tpu.memory_space<vmem>>, vector<1x1x16xf32>,
      %get3A_3351 = vector.shape_cast %get3A_3350 : vector<1x1x16xf32> to vector<16xf32>
      %add3A_3352 = arith.addf %add3A_3336, %get3A_3351 : vector<16xf32>
      %get3A_3353 = arith.constant 3 : i32
      %get3A_3354 = arith.constant 96 : i32
      %get3A_3355 = arith.index_cast %get3A_3353 : i32 to index
      %get3A_3356 = arith.index_cast %get3A_3354 : i32 to index
      %get3A_3357 = arith.constant 0 : index
      %get3A_3358 = tpu.vector_load %arg7[%get3A_3355, %get3A_3356, %get3A_3357] {strides = array<i32>} : memref<4x100x16xf32, #tpu.memory_space<vmem>>, vector<1x1x16xf32>,
      %get3A_3359 = vector.shape_cast %get3A_3358 : vector<1x1x16xf32> to vector<16xf32>
      %add3A_3360 = arith.addf %add3A_3344, %get3A_3359 : vector<16xf32>
      %get3A_3361 = arith.constant 3 : i32
      %get3A_3362 = arith.constant 97 : i32
      %get3A_3363 = arith.index_cast %get3A_3361 : i32 to index
      %get3A_3364 = arith.index_cast %get3A_3362 : i32 to index
      %get3A_3365 = arith.constant 0 : index
      %get3A_3366 = tpu.vector_load %arg7[%get3A_3363, %get3A_3364, %get3A_3365] {strides = array<i32>} : memref<4x100x16xf32, #tpu.memory_space<vmem>>, vector<1x1x16xf32>,
      %get3A_3367 = vector.shape_cast %get3A_3366 : vector<1x1x16xf32> to vector<16xf32>
      %add3A_3368 = arith.addf %add3A_3352, %get3A_3367 : vector<16xf32>
      %get3A_3369 = arith.constant 3 : i32
      %get3A_3370 = arith.constant 98 : i32
      %get3A_3371 = arith.index_cast %get3A_3369 : i32 to index
      %get3A_3372 = arith.index_cast %get3A_3370 : i32 to index
      %get3A_3373 = arith.constant 0 : index
      %get3A_3374 = tpu.vector_load %arg7[%get3A_3371, %get3A_3372, %get3A_3373] {strides = array<i32>} : memref<4x100x16xf32, #tpu.memory_space<vmem>>, vector<1x1x16xf32>,
      %get3A_3375 = vector.shape_cast %get3A_3374 : vector<1x1x16xf32> to vector<16xf32>
      %add3A_3376 = arith.addf %add3A_3360, %get3A_3375 : vector<16xf32>
      %get3A_3377 = arith.constant 3 : i32
      %get3A_3378 = arith.constant 99 : i32
      %get3A_3379 = arith.index_cast %get3A_3377 : i32 to index
      %get3A_3380 = arith.index_cast %get3A_3378 : i32 to index
      %get3A_3381 = arith.constant 0 : index
      %get3A_3382 = tpu.vector_load %arg7[%get3A_3379, %get3A_3380, %get3A_3381] {strides = array<i32>} : memref<4x100x16xf32, #tpu.memory_space<vmem>>, vector<1x1x16xf32>,
      %get3A_3383 = vector.shape_cast %get3A_3382 : vector<1x1x16xf32> to vector<16xf32>
      %add3A_3384 = arith.addf %add3A_3368, %get3A_3383 : vector<16xf32>
      %mul3A_3385 = vector.broadcast %squeeze3A : f32 to vector<16xf32>
      %mul3A_3386 = arith.mulf %add3A_3376, %mul3A_3385 : vector<16xf32>
      %swap3A_3387 = arith.index_cast %add3A_2569 : i32 to index
      %swap3A_3388 = arith.constant 0 : index
      %swap3A_3389 = tpu.vector_load %arg8[%swap3A_3387, %swap3A_3388] {strides = array<i32>} : memref<128x32xf32, #tpu.memory_space<vmem>>, vector<1x16xf32>,
      %swap3A_3390 = vector.shape_cast %swap3A_3389 : vector<1x16xf32> to vector<16xf32>
      %swap3A_3391 = vector.shape_cast %mul3A_3386 : vector<16xf32> to vector<1x16xf32>
      tpu.vector_store %arg8[%swap3A_3387, %swap3A_3388], %swap3A_3391 {strides = array<i32>} : memref<128x32xf32, #tpu.memory_space<vmem>>, vector<1x16xf32>,
      %mul3A_3392 = vector.broadcast %squeeze3A : f32 to vector<16xf32>
      %mul3A_3393 = arith.mulf %add3A_3384, %mul3A_3392 : vector<16xf32>
      %swap3A_3394 = arith.index_cast %add3A_2569 : i32 to index
      %swap3A_3395 = arith.constant 16 : index
      %swap3A_3396 = tpu.vector_load %arg8[%swap3A_3394, %swap3A_3395] {strides = array<i32>} : memref<128x32xf32, #tpu.memory_space<vmem>>, vector<1x16xf32>,
      %swap3A_3397 = vector.shape_cast %swap3A_3396 : vector<1x16xf32> to vector<16xf32>
      %swap3A_3398 = vector.shape_cast %mul3A_3393 : vector<16xf32> to vector<1x16xf32>
      tpu.vector_store %arg8[%swap3A_3394, %swap3A_3395], %swap3A_3398 {strides = array<i32>} : memref<128x32xf32, #tpu.memory_space<vmem>>, vector<1x16xf32>,
      %lt3A_3399 = arith.constant 31 : i32
      %lt3A_3400 = arith.cmpi slt, %scan3A_57, %lt3A_3399 : i32
      %convert_element_type3A_3401 = arith.extui %lt3A_3400 : i1 to i32
      %cond3A_3402 = arith.constant 0 : i32
      %cond3A_3403 = arith.cmpi ne, %convert_element_type3A_3401, %cond3A_3402 : i32
      scf.if %cond3A_3403 {
        %add3A_3404 = arith.constant 4 : i32
        %add3A_3405 = arith.addi %add3A_2569, %add3A_3404 : i32
        %dma_start3A_3406 = arith.constant 3 : i32
        %dma_start3A_3407 = arith.constant 0 : i32
        %dma_start3A_3408 = arith.constant 0 : i32
        %dma_start3A_3409 = tpu.memref_slice %arg7[%dma_start3A_3406, %dma_start3A_3407, %dma_start3A_3408] : memref<4x100x16xf32, #tpu.memory_space<vmem>> -> memref<1x100x16xf32, #tpu.memory_space<vmem>>
        %dma_start3A_3410 = tpu.memref_squeeze %dma_start3A_3409 : memref<1x100x16xf32, #tpu.memory_space<vmem>> -> memref<100x16xf32, #tpu.memory_space<vmem>>
        %dma_start3A_3411 = arith.constant 0 : i32
        %dma_start3A_3412 = tpu.memref_slice %arg6[%add3A_3405, %dma_start3A_3411] : memref<128x100xi32, #tpu.memory_space<vmem>> -> memref<1x100xi32, #tpu.memory_space<vmem>>
        %dma_start3A_3413 = tpu.memref_squeeze %dma_start3A_3412 : memref<1x100xi32, #tpu.memory_space<vmem>> -> memref<100xi32, #tpu.memory_space<vmem>>
        %dma_start3A_3414 = arith.constant 0 : i32
        %dma_start3A_3415 = arith.constant 0 : i32
        %dma_start3A_3416 = tpu.memref_slice %arg3[%dma_start3A_3414, %dma_start3A_3415] : memref<2000000x16xf32, #tpu.memory_space<hbm>> -> memref<2000000x16xf32, #tpu.memory_space<hbm>>
        tpu.enqueue_indirect_dma source(%dma_start3A_3416 : memref<2000000x16xf32, #tpu.memory_space<hbm>>) target(%dma_start3A_3410 : memref<100x16xf32, #tpu.memory_space<vmem>>) offsets(%dma_start3A_3413 : memref<100xi32, #tpu.memory_space<vmem>>) semaphore(%arg12 : memref<!tpu.dma_semaphore, #tpu.memory_space<semaphore_mem>>)
      } else {
      }
    }
    %scan3A_56 = arith.constant 32 : i32
    "tpu.region"() ({
      %run_scoped3A = tpu.sem_alloc : memref<!tpu.dma_semaphore, #tpu.memory_space<semaphore_mem>>
      %dma_start3A_57 = arith.constant 0 : i32
      %dma_start3A_58 = tpu.memref_slice %arg5[%mul3A_4, %dma_start3A_57] : memref<4096x32xf32, #tpu.memory_space<hbm>> -> memref<128x32xf32, #tpu.memory_space<hbm>>
      %dma_start3A_59 = arith.constant 0 : i32
      %dma_start3A_60 = tpu.memref_slice %arg5[%mul3A_4, %dma_start3A_59] : memref<4096x32xf32, #tpu.memory_space<hbm>> -> memref<128x32xf32, #tpu.memory_space<hbm>>
      tpu.enqueue_dma source(%arg8 : memref<128x32xf32, #tpu.memory_space<vmem>>) target(%dma_start3A_60 : memref<128x32xf32, #tpu.memory_space<hbm>>) target_semaphore(%run_scoped3A : memref<!tpu.dma_semaphore, #tpu.memory_space<semaphore_mem>>)
      %dma_wait3A = arith.constant 0 : i32
      %dma_wait3A_61 = tpu.memref_slice %arg5[%mul3A_4, %dma_wait3A] : memref<4096x32xf32, #tpu.memory_space<hbm>> -> memref<128x32xf32, #tpu.memory_space<hbm>>
      %dma_wait3A_62 = arith.constant 0 : i32
      %dma_wait3A_63 = tpu.memref_slice %arg5[%mul3A_4, %dma_wait3A_62] : memref<4096x32xf32, #tpu.memory_space<hbm>> -> memref<128x32xf32, #tpu.memory_space<hbm>>
      tpu.wait_dma2 semaphore(%run_scoped3A : memref<!tpu.dma_semaphore, #tpu.memory_space<semaphore_mem>>) src(%arg8 : memref<128x32xf32, #tpu.memory_space<vmem>>) dst(%dma_wait3A_63 : memref<128x32xf32, #tpu.memory_space<hbm>>)
      tpu.yield
    }) : () -> ()
    return
  }
}

</mosaic_0001>

<sc_bundles>
// kernel: kernel.3.cloned.1.call-start
scs
__scs_entry_jumppad:
0x0: {  	(pc) =	sbr.rel $0x88, $3  }
0x1: {  	(tag) =	ssettag $0x0;
	lr =	simm.s32 $0x1  }
0x2: {  	[smem:$0x3F9F] =	sst lr;
	_ =	strace $0xD0000000  }
0x3: {  	_ = 	snop  }
0x4: {  	_ = 	snop  }
0x5: {  	_ = 	snop  }
0x6: {  	_ = 	snop  }
0x7: {  	_ = 	snop  }
__scs_overlays_trampoline_lowered:
0x8: {  	[smem:$0x3FAE] =	sst s0  }
0x9: {  	[smem:$0x3FAF] =	sst s1  }
0xa: {  	[smem:$0x3FB0] =	sst s2  }
0xb: {  	[smem:$0x3FB1] =	sst s3  }
0xc: {  	[smem:$0x3FB2] =	sst s4  }
0xd: {  	[smem:$0x3FB3] =	sst s5  }
0xe: {  	[smem:$0x3FB4] =	sst s6  }
0xf: {  	[smem:$0x3FB5] =	sst s7  }
0x10: {  	[smem:$0x3FB6] =	sst s8  }
0x11: {  	[smem:$0x3FB7] =	sst s9;
	s0 =	simm.s32 @!p0 $0x0  }
0x12: {  	s1 =	sld [smem:$0x3F9D];
	s0 =	simm.s32 @p0 $0x1  }
0x13: {  	[smem:$0x3FB8] =	sst s0;
	s0 =	simm.s32 @!p1 $0x0  }
0x14: {  	s2 =	sld [smem:$0x3F9C];
	s0 =	simm.s32 @p1 $0x1  }
0x15: {  	[smem:$0x3FB9] =	sst s0;
	s0 =	simm.s32 @!p2 $0x0  }
0x16: {  	s3 =	sld [smem:$0x3FDB];
	s0 =	simm.s32 @p2 $0x1  }
0x17: {  	s4 =	simm.s32 $0x1BF5;
	[smem:$0x3FBB] =	sst s0  }
0x18: {  	s0 =	sld [smem:$0x3F9E];
	_ =	swait.ge [sflag:s4], $0x0  }
0x19: {  	s7 =	sld [smem:$0x3F9F]  }
0x1a: {  	s8 =	sadd.s32 $0xFFFFE003, lr  }
0x1b: {  	s9 =	sadd.s32 $0xFFFFFEF7, lr;
	s5 =	simm.s32 $0xFFFFFFFF;
	p2 =	slt.u32 s8, $0xFFFFF086  }
0x1c: {  	p1 =	slt.u32 s9, $0xF7A;
	s5 =	simm.s32 @!p2 $0x0  }
0x1d: {  	s5 =	simm.s32 @p1 $0x1;
	p0 =	seq.s32 s7, s2  }
0x1e: {  	s7 =	smul.u32 @!p0 $0xF7A, s2;
	p2 =	seq.s32 @!p0 s5, $0x0  }
0x1f: {  	s9 =	smul.u32 $0xF7A, s1;
	s8 =	simm.s32 @!p0 $0x1BF5;
	p2 =	por !p2, p0  }
0x20: {  	[sflag:s8] =	ssyncset.s32 @!p0 $0xFFFFF086;
	s6 =	sadd.s32 @!p0 s3, s7;
	s7 =	simm.s32 @!p0 $0x108  }
0x21: {  	s3 =	sadd.s32 s3, s9;
	s6 =	sadd.s32 @!p0 $0x88, s6;
	s7 =	simm.s32 @p2 $0x1082  }
0x22: {  	[simem:s7], [sflag:s8] =	dma.local @!p0 [hbm:s6], $0xF7A  }
0x23: {  	s9 =	sor.u32 $0xD0000000, s2;
	s6 =	simm.s32 $0x108;
	_ =	swait.ge @!p0 [sflag:s8], $0x0  }
0x24: {  	s3 =	sadd.s32 $0x88, s3;
	s6 =	simm.s32 @!p1 $0x1082;
	[sflag:s4] =	ssyncset.s32 $0xFFFFF086  }
0x25: {  	[simem:s6], [sflag:s4] =	dma.local [hbm:s3], $0xF7A  }
0x26: {  	[smem:$0x3F9F] =	sst s1;
	(tag) =	ssettag s2;
	_ =	strace s9  }
0x27: {  	s1 =	sld [smem:$0x3FAF]  }
0x28: {  	s2 =	sld [smem:$0x3FB0]  }
0x29: {  	s4 =	sld [smem:$0x3FB2]  }
0x2a: {  	p0 =	seq.s32 s5, $0x0;
	s5 =	sld [smem:$0x3FB3]  }
0x2b: {  	s6 =	sld [smem:$0x3FB4]  }
0x2c: {  	s7 =	sld [smem:$0x3FB5]  }
0x2d: {  	s3 =	simm.s32 $0x108;
	s8 =	sld [smem:$0x3FB6]  }
0x2e: {  	s3 =	simm.s32 @!p0 $0x1082;
	s9 =	sld [smem:$0x3FB7]  }
0x2f: {  	lr =	sadd.s32 s0, s3;
	s0 =	sld [smem:$0x3FAE]  }
0x30: {  	s3 =	sld [smem:$0x3FB1]  }
0x31: {  	[smem:$0x3FBA] =	sst s10  }
0x32: {  	s10 =	sld [smem:$0x3FB8];
	_ =	sdelay $0x3  }
0x33: {  	p0 =	seq.s32 s10, $0x1;
	s10 =	sld [smem:$0x3FBA];
	_ =	sdelay $0x3  }
0x34: {  	[smem:$0x3FBA] =	sst s10  }
0x35: {  	s10 =	sld [smem:$0x3FB9];
	_ =	sdelay $0x3  }
0x36: {  	p1 =	seq.s32 s10, $0x1;
	s10 =	sld [smem:$0x3FBA];
	_ =	sdelay $0x3  }
0x37: {  	[smem:$0x3FBA] =	sst s10  }
0x38: {  	s10 =	sld [smem:$0x3FBB]  }
0x39: {  	_ = 	snop;
	(pc) =	sbr.ind lr, $3  }
0x3a: {  	_ = 	snop  }
0x3b: {  	_ = 	snop  }
0x3c: {  	p2 =	seq.s32 s10, $0x1;
	s10 =	sld [smem:$0x3FBA]  }
0x3d: {  	_ =	shalt  }
0x3e: {  	_ =	shalt  }
0x3f: {  	_ =	shalt  }
0x40: {  	_ =	shalt  }
0x41: {  	_ =	shalt  }
0x42: {  	_ =	shalt  }
0x43: {  	_ =	shalt  }
0x44: {  	_ =	shalt  }
0x45: {  	_ =	shalt  }
0x46: {  	_ =	shalt  }
0x47: {  	_ =	shalt  }
0x48: {  	_ =	shalt  }
0x49: {  	_ =	shalt  }
0x4a: {  	_ =	shalt  }
0x4b: {  	_ =	shalt  }
0x4c: {  	_ =	shalt  }
0x4d: {  	_ =	shalt  }
0x4e: {  	_ =	shalt  }
0x4f: {  	_ =	shalt  }
0x50: {  	_ =	shalt  }
0x51: {  	_ =	shalt  }
0x52: {  	_ =	shalt  }
0x53: {  	_ =	shalt  }
0x54: {  	_ =	shalt  }
0x55: {  	_ =	shalt  }
0x56: {  	_ =	shalt  }
0x57: {  	_ =	shalt  }
0x58: {  	_ =	shalt  }
0x59: {  	_ =	shalt  }
0x5a: {  	_ =	shalt  }
0x5b: {  	_ =	shalt  }
0x5c: {  	_ =	shalt  }
0x5d: {  	_ =	shalt  }
0x5e: {  	_ =	shalt  }
0x5f: {  	_ =	shalt  }
0x60: {  	_ =	shalt  }
0x61: {  	_ =	shalt  }
0x62: {  	_ =	shalt  }
0x63: {  	_ =	shalt  }
0x64: {  	_ =	shalt  }
0x65: {  	_ =	shalt  }
0x66: {  	_ =	shalt  }
0x67: {  	_ =	shalt  }
0x68: {  	_ =	shalt  }
0x69: {  	_ =	shalt  }
0x6a: {  	_ =	shalt  }
0x6b: {  	_ =	shalt  }
0x6c: {  	_ =	shalt  }
0x6d: {  	_ =	shalt  }
0x6e: {  	_ =	shalt  }
0x6f: {  	_ =	shalt  }
0x70: {  	_ =	shalt  }
0x71: {  	_ =	shalt  }
0x72: {  	_ =	shalt  }
0x73: {  	_ =	shalt  }
0x74: {  	_ =	shalt  }
0x75: {  	_ =	shalt  }
0x76: {  	_ =	shalt  }
0x77: {  	_ =	shalt  }
0x78: {  	_ =	shalt  }
0x79: {  	_ =	shalt  }
0x7a: {  	_ =	shalt  }
0x7b: {  	_ =	shalt  }
0x7c: {  	_ =	shalt  }
0x7d: {  	_ =	shalt  }
0x7e: {  	_ =	shalt  }
0x7f: {  	_ =	shalt  }
0x80: {  	_ =	shalt  }
0x81: {  	_ =	shalt  }
0x82: {  	_ =	shalt  }
0x83: {  	_ =	shalt  }
0x84: {  	_ =	shalt  }
0x85: {  	_ =	shalt  }
0x86: {  	_ =	shalt  }
0x87: {  	_ =	shalt  }
.Lfunc_end0:
.L_simem_size_0:
called_computation_lowered:
.L_overlay_start_0:
0x88: {  	s2 =	sld [smem:$0x3FD9]  }
0x89: {  	s3 =	sld [smem:$0x3FFE];
	_ =	sdelay $0x1  }
0x8a: {  	s1 =	srdreg.scid  }
0x8b: {  	s0 =	sand.u32 $0x1, s1  }
0x8c: {  	s17 =	sshll.u32 s0, $0xA;
	s2 =	sadd.s32 s3, s2  }
0x8d: {  	s2 =	sadd.s32 s2, s17  }
0x8e: {  	[smem:$0x3FC6] =	sst s2  }
0x8f: {  	_ = 	snop  }
0x90: {  	s2 =	sld [smem:$0x3FD0];
	(tm) =	ssettm $0x1  }
0x91: {  	s18 =	sld [smem:$0x3FFB];
	_ =	sdelay $0x3  }
0x92: {  	_ =	strace s18  }
0x93: {  	s3 =	sld [smem:$0x3FFC];
	_ =	sdelay $0x3  }
0x94: {  	_ =	strace s3  }
0x95: {  	s3 =	sld [smem:$0x3FFD];
	_ =	sdelay $0x3  }
0x96: {  	_ =	strace s3  }
0x97: {  	_ =	strace $0x8FFFFFFF  }
0x98: {  	s19 =	sld [smem:$0x3FDB];
	_ =	sdelay $0x1  }
0x99: {  	s4 =	simm.s32 $_scs_section_size  }
0x9a: {  	s5 =	simm.s32 $_size__tile_overlayer_lowered;
	s6 =	simm.s32 $_tile_overlayer_lowered  }
0x9b: {  	s22 =	simm.s32 $0x1BFF;
	s21 =	sshll.u32 s6, $0x1;
	s3 =	sadd.s32 s4, s19  }
0x9c: {  	s7 =	simm.s32 $0x0;
	s20 =	sshll.u32 s5, $0x1;
	s5 =	sadd.s32 s21, s3  }
0x9d: {  	[timem:s7], [sflag:s22] =	dma.local [hbm:s5], s20  }
0x9e: {  	_ =	swait.ge [sflag:s22], s20  }
0x9f: {  	s4 =	ssub.s32 $0x0, s20;
	[sflag:s22] =	ssyncset.done $0x0  }
0xa0: {  	[sflag:s22] =	ssyncadd.s32 s4;
	_ =	sdelay $0x1  }
0xa1: {  	s23 =	simm.s32 $0x1B8B  }
0xa2: {  	_ =	swait.ge [sflag:s23], $0x1  }
0xa3: {  	[sflag:s23] =	ssyncset.done $0x0  }
0xa4: {  	s25 =	simm.s32 $0x1B8E;
	s24 =	sld [smem:$0x3FFE];
	[sflag:s23] =	ssyncadd.s32 $0xFFFFFFFF  }
0xa5: {  	s26 =	simm.s32 $execute0_lowered;
	[smem:$0x3FD2] =	sst s25  }
0xa6: {  	s5 =	sshll.u32 s26, $0x1;
	_ =	strace $0x80000046;
	[dreg:$0x1] =	wrdreg $0xFFFFFFFF  }
0xa7: {  	s28 =	simm.s32 $_size_execute0_lowered;
	s3 =	sadd.s32 s3, s5;
	[dreg:$0x0] =	wrdreg $0x0  }
0xa8: {  	s5 =	sshll.u32 s28, $0x1;
	[dreg:$0x2] =	wrdreg s3  }
0xa9: {  	[dreg:$0x3] =	wrdreg s5  }
0xaa: {  	[dreg:$0x4] =	wrdreg $0xC0  }
0xab: {  	_ =	task [dreg:s7], $0x5FFFF  }
0xac: {  	[dreg:$0x1] =	wrdreg $0xFFFFFFFF  }
0xad: {  	[dreg:$0x0] =	wrdreg $0x60  }
0xae: {  	[dreg:$0x2] =	wrdreg s24  }
0xaf: {  	[dreg:$0x3] =	wrdreg s2  }
0xb0: {  	[dreg:$0x4] =	wrdreg $0x9  }
0xb1: {  	_ =	task.clear_ibuf [dreg:s7], $0x5FFFF;
	_ =	strace $0x90000046  }
0xb2: {  	s29 =	simm.s32 $0x9;
	_ =	strace $0x80000048  }
0xb3: {  	_ =	swait.ge [sflag:s29], $0x1  }
0xb4: {  	[sflag:s29] =	ssyncadd.s32 $0xFFFFFFFF  }
0xb5: {  	_ =	strace $0x90000048  }
0xb6: {  	_ =	sfence  }
0xb7: {  	s30 =	sld [smem:$0x0];
	_ =	sdelay $0x2  }
0xb8: {  	s31 =	sshll.u32 s1, $0xD;
	s1 =	sshrl.u32 s1, $0x2  }
0xb9: {  	s3 =	sand.u32 $0x4000, s31;
	s1 =	sadd.s32 s1, s30  }
0xba: {  	s0 =	sor.u32 s3, s0;
	s1 =	sshll.u32 s1, $0x11  }
0xbb: {  	s0 =	sor.u32 s1, s0  }
0xbc: {  	s0 =	sadd.s32 $0x8F2B, s0  }
0xbd: {  	[sflag:s0] =	ssyncadd.remote.s32 $0x1  }
0xbe: {  	_ =	sfence.sel $0xFFFF  }
0xbf: {  	[dreg:$0x0] =	wrdreg $0xFFFFFFFF;
	(pc) =	sbr.abs _section_cstart, $3  }
0xc0: {  	[dreg:$0x1] =	wrdreg $0xFFFFFFFF  }
0xc1: {  	_ =	task.clear_ibuf [dreg:s7], $0x2FFFF;
	_ =	strace $0x9FFFFFFF  }
0xc2: {  	(tm) =	ssettm $0x7FFFFFFF  }
0xc3: {  	_ =	shalt  }
tec
execute0_lowered:
.L_overlay_start_1:
0x0: {  	(tag) =	ssettag $0x1  }
0x1: {  	s1 =	srdreg.scid;
	s4 =	rddreg [dreg:$0x0]  }
0x2: {  	s0 =	stileid.u32;
	s6 =	rddreg [dreg:$0x1]  }
0x3: {  	s10 =	simm.s32 $0x64;
	s11 =	simm.s32 $0x3400;
	s12 =	simm.s32 $0x68  }
0x4: {  	s13 =	simm.s32 $0x3A40;
	s14 =	simm.s32 $0xD0;
	s15 =	simm.s32 $0x4080  }
0x5: {  	s16 =	simm.s32 $0x138;
	s17 =	simm.s32 $0x46C0;
	s18 =	simm.s32 $0x1  }
0x6: {  	s19 =	simm.s32 $0x2;
	s20 =	simm.s32 $0x3;
	s21 =	simm.s32 $0x4  }
0x7: {  	s22 =	simm.s32 $0x4D00;
	s23 =	simm.s32 $0x0;
	s3 =	sand.u32 $0x1, s1  }
0x8: {  	s31 =	sshll.u32 s0, $0x8;
	s1 =	rddreg [dreg:$0x2];
	s2 =	sshll.u32 s3, $0x7  }
0x9: {  	s8 =	ssub.s32 $0x2, s3;
	s3 =	sadd.s32 $0xF42A00, s4;
	s7 =	sor.u32 s2, s31  }
.Ltmp0:
0xa: {  	s2 =	simm.s32 $0x0;
	s9 =	sshrl.u32 s8, $0x1;
	(pc) =	sbr.rel .LBB2_1-.Ltmp0, $4  }
0xb: {  	s5 =	smul.u32 $0xD, s7;
	[smem:$0x7FF] =	sst s2;
	s8 =	ssub.s32 s8, s9  }
0xc: {  	s7 =	sshll.u32 s7, $0x2;
	s9 =	simm.s32 $0x5;
	_ =	strace $0x80000047  }
0xd: {  	s6 =	sadd.s32 s6, s7;
	s7 =	smax.u32 s8, $0x1;
	s5 =	sadd.s32 s5, s4  }
0xe: {  	s8 =	simm.s32 $0x5D00;
	s4 =	sadd.s32 $0xD600, s4;
	s5 =	sadd.s32 $0x600, s5  }
.LBB2_4:
0xf: {  	s23 =	sadd.s32 $0x1, s23  }
0x10: {  	p0 =	sne.s32 s23, s7  }
.Ltmp1:
0x11: {  	_ = 	snop;
	(pc) =	sbr.rel @!p0 .LBB2_5-.Ltmp1, $4  }
0x12: {  	[hbm4b:s6+s2] =	stream.linear.scatter [tilespmem:s22], [sflag:$0x5], $0x1000, $0x38;
	[tilespmem:$0x5D10] =	vst v63  }
0x13: {  	_ =	swait.ge [sflag:s9], $0x1000  }
0x14: {  	[sflag:s9] =	ssyncset.done $0x0  }
0x15: {  	[sflag:s9] =	ssyncadd.s32 $0xFFFFF000  }
.LBB2_1:
0x16: {  	[tilespmem:s8], [sflag:$0x5] =	stream.linear.gather [hbm4b:s4+s2], $0x1, $0x38;
	[tilespmem:$0x5D10] =	vst v63  }
0x17: {  	_ =	swait.ge [sflag:s9], $0x1  }
0x18: {  	[sflag:s9] =	ssyncset.done $0x0  }
0x19: {  	[sflag:s9] =	ssyncadd.s32 $0xFFFFFFFF  }
0x1a: {  	v0 =	vld.msk [tilespmem:$0x5D00 ss:$0x0], $0xffff;
	[tilespmem:s2], [sflag:$0x5] =	stream.linear.gather [hbm4b:s5+s2], $0x3400, $0x38  }
0x1b: {  	_ =	swait.ge [sflag:s9], $0x3400  }
0x1c: {  	[sflag:s9] =	ssyncset.done $0x0  }
0x1d: {  	[sflag:s9] =	ssyncadd.s32 $0xFFFFCC00  }
0x1e: {  	[tilespmem:s11], [sflag:$0x1] =	stream.indirect.gather [hbm4b:s3+s10], $0x10, s2, s10, $0xb8;
	[tilespmem:$0x5D10] =	vst v63  }
0x1f: {  	_ = 	snop  }
0x20: {  	[tilespmem:s13], [sflag:$0x2] =	stream.indirect.gather [hbm4b:s3+s10], $0x10, s12, s10, $0xb8;
	[tilespmem:$0x5D10] =	vst v63  }
0x21: {  	_ = 	snop  }
0x22: {  	[tilespmem:s15], [sflag:$0x3] =	stream.indirect.gather [hbm4b:s3+s10], $0x10, s14, s10, $0xb8;
	[tilespmem:$0x5D10] =	vst v63  }
0x23: {  	s24 =	simm.s32 $0xFFFF3680;
	s25 =	simm.s32 $0x4D40  }
0x24: {  	[tilespmem:s17], [sflag:$0x4] =	stream.indirect.gather [hbm4b:s3+s10], $0x10, s16, s10, $0xb8;
	[tilespmem:$0x5D10] =	vst v63  }
.LBB2_2:
0x25: {  	_ =	swait.ge [sflag:s18], $0x640  }
0x26: {  	[sflag:s18] =	ssyncset.done $0x0  }
0x27: {  	[sflag:s18] =	ssyncadd.s32 $0xFFFFF9C0  }
0x28: {  	v1 =	vld [tilespmem:$0x3400]  }
0x29: {  	v2 =	vld [tilespmem:$0x3410]  }
0x2a: {  	v3 =	vld [tilespmem:$0x3420]  }
0x2b: {  	v4 =	vld [tilespmem:$0x3430]  }
0x2c: {  	v5 =	vld [tilespmem:$0x3440]  }
0x2d: {  	v6 =	vld [tilespmem:$0x3450];
	v1 =	vadd.f32 $0.0e+00, v1  }
0x2e: {  	v7 =	vld [tilespmem:$0x3460];
	v2 =	vadd.f32 $0.0e+00, v2  }
0x2f: {  	v1 =	vadd.f32 v3, v1;
	v3 =	vld [tilespmem:$0x3470]  }
0x30: {  	v31 =	vld [tilespmem:$0x3480];
	v2 =	vadd.f32 v4, v2  }
0x31: {  	v32 =	vld [tilespmem:$0x3490];
	v1 =	vadd.f32 v5, v1  }
0x32: {  	v33 =	vld [tilespmem:$0x34A0];
	v2 =	vadd.f32 v6, v2  }
0x33: {  	v34 =	vld [tilespmem:$0x34B0];
	v1 =	vadd.f32 v7, v1  }
0x34: {  	v2 =	vadd.f32 v3, v2;
	v3 =	vld [tilespmem:$0x34C0]  }
0x35: {  	v35 =	vld [tilespmem:$0x34D0];
	v1 =	vadd.f32 v31, v1  }
0x36: {  	v36 =	vld [tilespmem:$0x34E0];
	v2 =	vadd.f32 v32, v2  }
0x37: {  	v37 =	vld [tilespmem:$0x34F0];
	v1 =	vadd.f32 v33, v1  }
0x38: {  	v38 =	vld [tilespmem:$0x3500];
	v2 =	vadd.f32 v34, v2  }
0x39: {  	v1 =	vadd.f32 v3, v1;
	v3 =	vld [tilespmem:$0x3510]  }
0x3a: {  	v39 =	vld [tilespmem:$0x3520];
	v2 =	vadd.f32 v35, v2  }
0x3b: {  	v40 =	vld [tilespmem:$0x3530];
	v1 =	vadd.f32 v36, v1  }
0x3c: {  	v41 =	vld [tilespmem:$0x3540];
	v2 =	vadd.f32 v37, v2  }
0x3d: {  	v42 =	vld [tilespmem:$0x3550];
	v1 =	vadd.f32 v38, v1  }
0x3e: {  	v2 =	vadd.f32 v3, v2;
	v3 =	vld [tilespmem:$0x3560]  }
0x3f: {  	v43 =	vld [tilespmem:$0x3570];
	v1 =	vadd.f32 v39, v1  }
0x40: {  	v44 =	vld [tilespmem:$0x3580];
	v2 =	vadd.f32 v40, v2  }
0x41: {  	v45 =	vld [tilespmem:$0x3590];
	v1 =	vadd.f32 v41, v1  }
0x42: {  	v46 =	vld [tilespmem:$0x35A0];
	v2 =	vadd.f32 v42, v2  }
0x43: {  	v1 =	vadd.f32 v3, v1;
	v3 =	vld [tilespmem:$0x35B0]  }
0x44: {  	v47 =	vld [tilespmem:$0x35C0];
	v2 =	vadd.f32 v43, v2  }
0x45: {  	v48 =	vld [tilespmem:$0x35D0];
	v1 =	vadd.f32 v44, v1  }
0x46: {  	v49 =	vld [tilespmem:$0x35E0];
	v2 =	vadd.f32 v45, v2  }
0x47: {  	v50 =	vld [tilespmem:$0x35F0];
	v1 =	vadd.f32 v46, v1  }
0x48: {  	v2 =	vadd.f32 v3, v2;
	v3 =	vld [tilespmem:$0x3600]  }
0x49: {  	v51 =	vld [tilespmem:$0x3610];
	v1 =	vadd.f32 v47, v1  }
0x4a: {  	v52 =	vld [tilespmem:$0x3620];
	v2 =	vadd.f32 v48, v2  }
0x4b: {  	v53 =	vld [tilespmem:$0x3630];
	v1 =	vadd.f32 v49, v1  }
0x4c: {  	v54 =	vld [tilespmem:$0x3640];
	v2 =	vadd.f32 v50, v2  }
0x4d: {  	v1 =	vadd.f32 v3, v1;
	v3 =	vld [tilespmem:$0x3650]  }
0x4e: {  	v55 =	vld [tilespmem:$0x3660];
	v2 =	vadd.f32 v51, v2  }
0x4f: {  	v56 =	vld [tilespmem:$0x3670];
	v1 =	vadd.f32 v52, v1  }
0x50: {  	v57 =	vld [tilespmem:$0x3680];
	v2 =	vadd.f32 v53, v2  }
0x51: {  	v58 =	vld [tilespmem:$0x3690];
	v1 =	vadd.f32 v54, v1  }
0x52: {  	v2 =	vadd.f32 v3, v2;
	v3 =	vld [tilespmem:$0x36A0]  }
0x53: {  	v59 =	vld [tilespmem:$0x36B0];
	v1 =	vadd.f32 v55, v1  }
0x54: {  	v60 =	vld [tilespmem:$0x36C0];
	v2 =	vadd.f32 v56, v2  }
0x55: {  	v61 =	vld [tilespmem:$0x36D0];
	v1 =	vadd.f32 v57, v1  }
0x56: {  	v62 =	vld [tilespmem:$0x36E0];
	v2 =	vadd.f32 v58, v2  }
0x57: {  	v1 =	vadd.f32 v3, v1;
	v3 =	vld [tilespmem:$0x36F0]  }
0x58: {  	v63 =	vld [tilespmem:$0x3700];
	v2 =	vadd.f32 v59, v2  }
0x59: {  	v9 =	vld [tilespmem:$0x3710];
	v1 =	vadd.f32 v60, v1  }
0x5a: {  	v10 =	vld [tilespmem:$0x3720];
	v2 =	vadd.f32 v61, v2  }
0x5b: {  	v11 =	vld [tilespmem:$0x3730];
	v1 =	vadd.f32 v62, v1  }
0x5c: {  	v2 =	vadd.f32 v3, v2;
	v3 =	vld [tilespmem:$0x3740]  }
0x5d: {  	v12 =	vld [tilespmem:$0x3750];
	v1 =	vadd.f32 v63, v1  }
0x5e: {  	v13 =	vld [tilespmem:$0x3760];
	v2 =	vadd.f32 v9, v2  }
0x5f: {  	v14 =	vld [tilespmem:$0x3770];
	v1 =	vadd.f32 v10, v1  }
0x60: {  	v15 =	vld [tilespmem:$0x3780];
	v2 =	vadd.f32 v11, v2  }
0x61: {  	v1 =	vadd.f32 v3, v1;
	v3 =	vld [tilespmem:$0x3790]  }
0x62: {  	v16 =	vld [tilespmem:$0x37A0];
	v2 =	vadd.f32 v12, v2  }
0x63: {  	v17 =	vld [tilespmem:$0x37B0];
	v1 =	vadd.f32 v13, v1  }
0x64: {  	v18 =	vld [tilespmem:$0x37C0];
	v2 =	vadd.f32 v14, v2  }
0x65: {  	v19 =	vld [tilespmem:$0x37D0];
	v1 =	vadd.f32 v15, v1  }
0x66: {  	v2 =	vadd.f32 v3, v2;
	v3 =	vld [tilespmem:$0x37E0]  }
0x67: {  	v20 =	vld [tilespmem:$0x37F0];
	v1 =	vadd.f32 v16, v1  }
0x68: {  	v21 =	vld [tilespmem:$0x3800];
	v2 =	vadd.f32 v17, v2  }
0x69: {  	v22 =	vld [tilespmem:$0x3810];
	v1 =	vadd.f32 v18, v1  }
0x6a: {  	v23 =	vld [tilespmem:$0x3820];
	v2 =	vadd.f32 v19, v2  }
0x6b: {  	v1 =	vadd.f32 v3, v1;
	v3 =	vld [tilespmem:$0x3830]  }
0x6c: {  	v24 =	vld [tilespmem:$0x3840];
	v2 =	vadd.f32 v20, v2  }
0x6d: {  	v25 =	vld [tilespmem:$0x3850];
	v1 =	vadd.f32 v21, v1  }
0x6e: {  	v26 =	vld [tilespmem:$0x3860];
	v2 =	vadd.f32 v22, v2  }
0x6f: {  	v27 =	vld [tilespmem:$0x3870];
	v1 =	vadd.f32 v23, v1  }
0x70: {  	v2 =	vadd.f32 v3, v2;
	v3 =	vld [tilespmem:$0x3880]  }
0x71: {  	v28 =	vld [tilespmem:$0x3890];
	v1 =	vadd.f32 v24, v1  }
0x72: {  	v29 =	vld [tilespmem:$0x38A0];
	v2 =	vadd.f32 v25, v2  }
0x73: {  	v30 =	vld [tilespmem:$0x38B0];
	v1 =	vadd.f32 v26, v1  }
0x74: {  	v31 =	vld [tilespmem:$0x38C0];
	v2 =	vadd.f32 v27, v2  }
0x75: {  	v1 =	vadd.f32 v3, v1;
	v3 =	vld [tilespmem:$0x38D0]  }
0x76: {  	v32 =	vld [tilespmem:$0x38E0];
	v2 =	vadd.f32 v28, v2  }
0x77: {  	v33 =	vld [tilespmem:$0x38F0];
	v1 =	vadd.f32 v29, v1  }
0x78: {  	v34 =	vld [tilespmem:$0x3900];
	v2 =	vadd.f32 v30, v2  }
0x79: {  	v35 =	vld [tilespmem:$0x3910];
	v1 =	vadd.f32 v31, v1  }
0x7a: {  	v2 =	vadd.f32 v3, v2;
	v3 =	vld [tilespmem:$0x3920]  }
0x7b: {  	v36 =	vld [tilespmem:$0x3930];
	v1 =	vadd.f32 v32, v1  }
0x7c: {  	v37 =	vld [tilespmem:$0x3940];
	v2 =	vadd.f32 v33, v2  }
0x7d: {  	v38 =	vld [tilespmem:$0x3950];
	v1 =	vadd.f32 v34, v1  }
0x7e: {  	v39 =	vld [tilespmem:$0x3960];
	v2 =	vadd.f32 v35, v2  }
0x7f: {  	v1 =	vadd.f32 v3, v1;
	v3 =	vld [tilespmem:$0x3970]  }
0x80: {  	v40 =	vld [tilespmem:$0x3980];
	v2 =	vadd.f32 v36, v2  }
0x81: {  	v41 =	vld [tilespmem:$0x3990];
	v1 =	vadd.f32 v37, v1  }
0x82: {  	v42 =	vld [tilespmem:$0x39A0];
	v2 =	vadd.f32 v38, v2  }
0x83: {  	v43 =	vld [tilespmem:$0x39B0];
	v1 =	vadd.f32 v39, v1  }
0x84: {  	v2 =	vadd.f32 v3, v2;
	v3 =	vld [tilespmem:$0x39C0]  }
0x85: {  	v44 =	vld [tilespmem:$0x39D0];
	v1 =	vadd.f32 v40, v1  }
0x86: {  	v45 =	vld [tilespmem:$0x39E0];
	v2 =	vadd.f32 v41, v2  }
0x87: {  	v46 =	vld [tilespmem:$0x39F0];
	v1 =	vadd.f32 v42, v1  }
0x88: {  	v47 =	vld [tilespmem:$0x3A00];
	v2 =	vadd.f32 v43, v2  }
0x89: {  	v1 =	vadd.f32 v3, v1;
	v3 =	vld [tilespmem:$0x3A10]  }
0x8a: {  	v48 =	vld [tilespmem:$0x3A20];
	v2 =	vadd.f32 v44, v2  }
0x8b: {  	v49 =	vld [tilespmem:$0x3A30];
	v1 =	vadd.f32 v45, v1  }
0x8c: {  	v2 =	vadd.f32 v46, v2  }
0x8d: {  	v1 =	vadd.f32 v47, v1  }
0x8e: {  	v2 =	vadd.f32 v3, v2  }
0x8f: {  	v1 =	vadd.f32 v48, v1  }
0x90: {  	v2 =	vadd.f32 v49, v2  }
0x91: {  	v1 =	vmul.f32 v1, v0  }
0x92: {  	p0 =	seq.s32 s24, $0x0;
	v2 =	vmul.f32 v2, v0  }
0x93: {  	s26 =	sshra.s32 @!p0 s24, $0x2;
	[tilespmem:s25+$0xFFFFFFC0] =	vst v1  }
0x94: {  	s28 =	simm.s32 @!p0 $0x64;
	s30 =	simm.s32 @!p0 $0x3400;
	s29 =	sadd.s32 @!p0 $0x3400, s26;
	[tilespmem:s25+$0xFFFFFFD0] =	vst v2  }
0x95: {  	[tilespmem:s30], [sflag:$0x1] =	stream.indirect.gather @!p0 [hbm4b:s3+s28], $0x10, s29, s28, $0xb8;
	[tilespmem:$0x5D10] =	vst v63  }
0x96: {  	_ =	swait.ge [sflag:s19], $0x640  }
0x97: {  	[sflag:s19] =	ssyncset.done $0x0  }
0x98: {  	[sflag:s19] =	ssyncadd.s32 $0xFFFFF9C0  }
0x99: {  	v1 =	vld [tilespmem:$0x3A40]  }
0x9a: {  	v2 =	vld [tilespmem:$0x3A50]  }
0x9b: {  	v3 =	vld [tilespmem:$0x3A60]  }
0x9c: {  	v50 =	vld [tilespmem:$0x3A70]  }
0x9d: {  	v51 =	vld [tilespmem:$0x3A80]  }
0x9e: {  	v52 =	vld [tilespmem:$0x3A90];
	v1 =	vadd.f32 $0.0e+00, v1  }
0x9f: {  	v53 =	vld [tilespmem:$0x3AA0];
	v2 =	vadd.f32 $0.0e+00, v2  }
0xa0: {  	v1 =	vadd.f32 v3, v1;
	v3 =	vld [tilespmem:$0x3AB0]  }
0xa1: {  	v54 =	vld [tilespmem:$0x3AC0];
	v2 =	vadd.f32 v50, v2  }
0xa2: {  	v55 =	vld [tilespmem:$0x3AD0];
	v1 =	vadd.f32 v51, v1  }
0xa3: {  	v56 =	vld [tilespmem:$0x3AE0];
	v2 =	vadd.f32 v52, v2  }
0xa4: {  	v57 =	vld [tilespmem:$0x3AF0];
	v1 =	vadd.f32 v53, v1  }
0xa5: {  	v2 =	vadd.f32 v3, v2;
	v3 =	vld [tilespmem:$0x3B00]  }
0xa6: {  	v58 =	vld [tilespmem:$0x3B10];
	v1 =	vadd.f32 v54, v1  }
0xa7: {  	v59 =	vld [tilespmem:$0x3B20];
	v2 =	vadd.f32 v55, v2  }
0xa8: {  	v60 =	vld [tilespmem:$0x3B30];
	v1 =	vadd.f32 v56, v1  }
0xa9: {  	v61 =	vld [tilespmem:$0x3B40];
	v2 =	vadd.f32 v57, v2  }
0xaa: {  	v1 =	vadd.f32 v3, v1;
	v3 =	vld [tilespmem:$0x3B50]  }
0xab: {  	v62 =	vld [tilespmem:$0x3B60];
	v2 =	vadd.f32 v58, v2  }
0xac: {  	v63 =	vld [tilespmem:$0x3B70];
	v1 =	vadd.f32 v59, v1  }
0xad: {  	v9 =	vld [tilespmem:$0x3B80];
	v2 =	vadd.f32 v60, v2  }
0xae: {  	v10 =	vld [tilespmem:$0x3B90];
	v1 =	vadd.f32 v61, v1  }
0xaf: {  	v2 =	vadd.f32 v3, v2;
	v3 =	vld [tilespmem:$0x3BA0]  }
0xb0: {  	v11 =	vld [tilespmem:$0x3BB0];
	v1 =	vadd.f32 v62, v1  }
0xb1: {  	v12 =	vld [tilespmem:$0x3BC0];
	v2 =	vadd.f32 v63, v2  }
0xb2: {  	v13 =	vld [tilespmem:$0x3BD0];
	v1 =	vadd.f32 v9, v1  }
0xb3: {  	v14 =	vld [tilespmem:$0x3BE0];
	v2 =	vadd.f32 v10, v2  }
0xb4: {  	v1 =	vadd.f32 v3, v1;
	v3 =	vld [tilespmem:$0x3BF0]  }
0xb5: {  	v15 =	vld [tilespmem:$0x3C00];
	v2 =	vadd.f32 v11, v2  }
0xb6: {  	v16 =	vld [tilespmem:$0x3C10];
	v1 =	vadd.f32 v12, v1  }
0xb7: {  	v17 =	vld [tilespmem:$0x3C20];
	v2 =	vadd.f32 v13, v2  }
0xb8: {  	v18 =	vld [tilespmem:$0x3C30];
	v1 =	vadd.f32 v14, v1  }
0xb9: {  	v2 =	vadd.f32 v3, v2;
	v3 =	vld [tilespmem:$0x3C40]  }
0xba: {  	v19 =	vld [tilespmem:$0x3C50];
	v1 =	vadd.f32 v15, v1  }
0xbb: {  	v20 =	vld [tilespmem:$0x3C60];
	v2 =	vadd.f32 v16, v2  }
0xbc: {  	v21 =	vld [tilespmem:$0x3C70];
	v1 =	vadd.f32 v17, v1  }
0xbd: {  	v22 =	vld [tilespmem:$0x3C80];
	v2 =	vadd.f32 v18, v2  }
0xbe: {  	v1 =	vadd.f32 v3, v1;
	v3 =	vld [tilespmem:$0x3C90]  }
0xbf: {  	v23 =	vld [tilespmem:$0x3CA0];
	v2 =	vadd.f32 v19, v2  }
0xc0: {  	v24 =	vld [tilespmem:$0x3CB0];
	v1 =	vadd.f32 v20, v1  }
0xc1: {  	v25 =	vld [tilespmem:$0x3CC0];
	v2 =	vadd.f32 v21, v2  }
0xc2: {  	v26 =	vld [tilespmem:$0x3CD0];
	v1 =	vadd.f32 v22, v1  }
0xc3: {  	v2 =	vadd.f32 v3, v2;
	v3 =	vld [tilespmem:$0x3CE0]  }
0xc4: {  	v27 =	vld [tilespmem:$0x3CF0];
	v1 =	vadd.f32 v23, v1  }
0xc5: {  	v28 =	vld [tilespmem:$0x3D00];
	v2 =	vadd.f32 v24, v2  }
0xc6: {  	v29 =	vld [tilespmem:$0x3D10];
	v1 =	vadd.f32 v25, v1  }
0xc7: {  	v30 =	vld [tilespmem:$0x3D20];
	v2 =	vadd.f32 v26, v2  }
0xc8: {  	v1 =	vadd.f32 v3, v1;
	v3 =	vld [tilespmem:$0x3D30]  }
0xc9: {  	v31 =	vld [tilespmem:$0x3D40];
	v2 =	vadd.f32 v27, v2  }
0xca: {  	v32 =	vld [tilespmem:$0x3D50];
	v1 =	vadd.f32 v28, v1  }
0xcb: {  	v33 =	vld [tilespmem:$0x3D60];
	v2 =	vadd.f32 v29, v2  }
0xcc: {  	v34 =	vld [tilespmem:$0x3D70];
	v1 =	vadd.f32 v30, v1  }
0xcd: {  	v2 =	vadd.f32 v3, v2;
	v3 =	vld [tilespmem:$0x3D80]  }
0xce: {  	v35 =	vld [tilespmem:$0x3D90];
	v1 =	vadd.f32 v31, v1  }
0xcf: {  	v36 =	vld [tilespmem:$0x3DA0];
	v2 =	vadd.f32 v32, v2  }
0xd0: {  	v37 =	vld [tilespmem:$0x3DB0];
	v1 =	vadd.f32 v33, v1  }
0xd1: {  	v38 =	vld [tilespmem:$0x3DC0];
	v2 =	vadd.f32 v34, v2  }
0xd2: {  	v1 =	vadd.f32 v3, v1;
	v3 =	vld [tilespmem:$0x3DD0]  }
0xd3: {  	v39 =	vld [tilespmem:$0x3DE0];
	v2 =	vadd.f32 v35, v2  }
0xd4: {  	v40 =	vld [tilespmem:$0x3DF0];
	v1 =	vadd.f32 v36, v1  }
0xd5: {  	v41 =	vld [tilespmem:$0x3E00];
	v2 =	vadd.f32 v37, v2  }
0xd6: {  	v42 =	vld [tilespmem:$0x3E10];
	v1 =	vadd.f32 v38, v1  }
0xd7: {  	v2 =	vadd.f32 v3, v2;
	v3 =	vld [tilespmem:$0x3E20]  }
0xd8: {  	v43 =	vld [tilespmem:$0x3E30];
	v1 =	vadd.f32 v39, v1  }
0xd9: {  	v44 =	vld [tilespmem:$0x3E40];
	v2 =	vadd.f32 v40, v2  }
0xda: {  	v45 =	vld [tilespmem:$0x3E50];
	v1 =	vadd.f32 v41, v1  }
0xdb: {  	v46 =	vld [tilespmem:$0x3E60];
	v2 =	vadd.f32 v42, v2  }
0xdc: {  	v1 =	vadd.f32 v3, v1;
	v3 =	vld [tilespmem:$0x3E70]  }
0xdd: {  	v47 =	vld [tilespmem:$0x3E80];
	v2 =	vadd.f32 v43, v2  }
0xde: {  	v48 =	vld [tilespmem:$0x3E90];
	v1 =	vadd.f32 v44, v1  }
0xdf: {  	v49 =	vld [tilespmem:$0x3EA0];
	v2 =	vadd.f32 v45, v2  }
0xe0: {  	v50 =	vld [tilespmem:$0x3EB0];
	v1 =	vadd.f32 v46, v1  }
0xe1: {  	v2 =	vadd.f32 v3, v2;
	v3 =	vld [tilespmem:$0x3EC0]  }
0xe2: {  	v51 =	vld [tilespmem:$0x3ED0];
	v1 =	vadd.f32 v47, v1  }
0xe3: {  	v52 =	vld [tilespmem:$0x3EE0];
	v2 =	vadd.f32 v48, v2  }
0xe4: {  	v53 =	vld [tilespmem:$0x3EF0];
	v1 =	vadd.f32 v49, v1  }
0xe5: {  	v54 =	vld [tilespmem:$0x3F00];
	v2 =	vadd.f32 v50, v2  }
0xe6: {  	v1 =	vadd.f32 v3, v1;
	v3 =	vld [tilespmem:$0x3F10]  }
0xe7: {  	v55 =	vld [tilespmem:$0x3F20];
	v2 =	vadd.f32 v51, v2  }
0xe8: {  	v56 =	vld [tilespmem:$0x3F30];
	v1 =	vadd.f32 v52, v1  }
0xe9: {  	v57 =	vld [tilespmem:$0x3F40];
	v2 =	vadd.f32 v53, v2  }
0xea: {  	v58 =	vld [tilespmem:$0x3F50];
	v1 =	vadd.f32 v54, v1  }
0xeb: {  	v2 =	vadd.f32 v3, v2;
	v3 =	vld [tilespmem:$0x3F60]  }
0xec: {  	v59 =	vld [tilespmem:$0x3F70];
	v1 =	vadd.f32 v55, v1  }
0xed: {  	v60 =	vld [tilespmem:$0x3F80];
	v2 =	vadd.f32 v56, v2  }
0xee: {  	v61 =	vld [tilespmem:$0x3F90];
	v1 =	vadd.f32 v57, v1  }
0xef: {  	v62 =	vld [tilespmem:$0x3FA0];
	v2 =	vadd.f32 v58, v2  }
0xf0: {  	v1 =	vadd.f32 v3, v1;
	v3 =	vld [tilespmem:$0x3FB0]  }
0xf1: {  	v63 =	vld [tilespmem:$0x3FC0];
	v2 =	vadd.f32 v59, v2  }
0xf2: {  	v9 =	vld [tilespmem:$0x3FD0];
	v1 =	vadd.f32 v60, v1  }
0xf3: {  	v10 =	vld [tilespmem:$0x3FE0];
	v2 =	vadd.f32 v61, v2  }
0xf4: {  	v11 =	vld [tilespmem:$0x3FF0];
	v1 =	vadd.f32 v62, v1  }
0xf5: {  	v2 =	vadd.f32 v3, v2;
	v3 =	vld [tilespmem:$0x4000]  }
0xf6: {  	v12 =	vld [tilespmem:$0x4010];
	v1 =	vadd.f32 v63, v1  }
0xf7: {  	v13 =	vld [tilespmem:$0x4020];
	v2 =	vadd.f32 v9, v2  }
0xf8: {  	v14 =	vld [tilespmem:$0x4030];
	v1 =	vadd.f32 v10, v1  }
0xf9: {  	v15 =	vld [tilespmem:$0x4040];
	v2 =	vadd.f32 v11, v2  }
0xfa: {  	v1 =	vadd.f32 v3, v1;
	v3 =	vld [tilespmem:$0x4050]  }
0xfb: {  	v16 =	vld [tilespmem:$0x4060];
	v2 =	vadd.f32 v12, v2  }
0xfc: {  	v17 =	vld [tilespmem:$0x4070];
	v1 =	vadd.f32 v13, v1  }
0xfd: {  	v2 =	vadd.f32 v14, v2  }
0xfe: {  	v1 =	vadd.f32 v15, v1  }
0xff: {  	v2 =	vadd.f32 v3, v2  }
0x100: {  	v1 =	vadd.f32 v16, v1  }
0x101: {  	v2 =	vadd.f32 v17, v2  }
0x102: {  	v1 =	vmul.f32 v1, v0  }
0x103: {  	v2 =	vmul.f32 v2, v0  }
0x104: {  	[tilespmem:s25+$0xFFFFFFE0] =	vst v1  }
0x105: {  	s29 =	sadd.s32 @!p0 $0x3468, s26;
	s30 =	simm.s32 @!p0 $0x3A40;
	[tilespmem:s25+$0xFFFFFFF0] =	vst v2  }
0x106: {  	[tilespmem:s30], [sflag:$0x2] =	stream.indirect.gather @!p0 [hbm4b:s3+s28], $0x10, s29, s28, $0xb8;
	[tilespmem:$0x5D10] =	vst v63  }
0x107: {  	_ =	swait.ge [sflag:s20], $0x640  }
0x108: {  	[sflag:s20] =	ssyncset.done $0x0  }
0x109: {  	[sflag:s20] =	ssyncadd.s32 $0xFFFFF9C0  }
0x10a: {  	v1 =	vld [tilespmem:$0x4080]  }
0x10b: {  	v2 =	vld [tilespmem:$0x4090]  }
0x10c: {  	v3 =	vld [tilespmem:$0x40A0]  }
0x10d: {  	v18 =	vld [tilespmem:$0x40B0]  }
0x10e: {  	v19 =	vld [tilespmem:$0x40C0]  }
0x10f: {  	v20 =	vld [tilespmem:$0x40D0];
	v1 =	vadd.f32 $0.0e+00, v1  }
0x110: {  	v21 =	vld [tilespmem:$0x40E0];
	v2 =	vadd.f32 $0.0e+00, v2  }
0x111: {  	v1 =	vadd.f32 v3, v1;
	v3 =	vld [tilespmem:$0x40F0]  }
0x112: {  	v22 =	vld [tilespmem:$0x4100];
	v2 =	vadd.f32 v18, v2  }
0x113: {  	v23 =	vld [tilespmem:$0x4110];
	v1 =	vadd.f32 v19, v1  }
0x114: {  	v24 =	vld [tilespmem:$0x4120];
	v2 =	vadd.f32 v20, v2  }
0x115: {  	v25 =	vld [tilespmem:$0x4130];
	v1 =	vadd.f32 v21, v1  }
0x116: {  	v2 =	vadd.f32 v3, v2;
	v3 =	vld [tilespmem:$0x4140]  }
0x117: {  	v26 =	vld [tilespmem:$0x4150];
	v1 =	vadd.f32 v22, v1  }
0x118: {  	v27 =	vld [tilespmem:$0x4160];
	v2 =	vadd.f32 v23, v2  }
0x119: {  	v28 =	vld [tilespmem:$0x4170];
	v1 =	vadd.f32 v24, v1  }
0x11a: {  	v29 =	vld [tilespmem:$0x4180];
	v2 =	vadd.f32 v25, v2  }
0x11b: {  	v1 =	vadd.f32 v3, v1;
	v3 =	vld [tilespmem:$0x4190]  }
0x11c: {  	v30 =	vld [tilespmem:$0x41A0];
	v2 =	vadd.f32 v26, v2  }
0x11d: {  	v31 =	vld [tilespmem:$0x41B0];
	v1 =	vadd.f32 v27, v1  }
0x11e: {  	v32 =	vld [tilespmem:$0x41C0];
	v2 =	vadd.f32 v28, v2  }
0x11f: {  	v33 =	vld [tilespmem:$0x41D0];
	v1 =	vadd.f32 v29, v1  }
0x120: {  	v2 =	vadd.f32 v3, v2;
	v3 =	vld [tilespmem:$0x41E0]  }
0x121: {  	v34 =	vld [tilespmem:$0x41F0];
	v1 =	vadd.f32 v30, v1  }
0x122: {  	v35 =	vld [tilespmem:$0x4200];
	v2 =	vadd.f32 v31, v2  }
0x123: {  	v36 =	vld [tilespmem:$0x4210];
	v1 =	vadd.f32 v32, v1  }
0x124: {  	v37 =	vld [tilespmem:$0x4220];
	v2 =	vadd.f32 v33, v2  }
0x125: {  	v1 =	vadd.f32 v3, v1;
	v3 =	vld [tilespmem:$0x4230]  }
0x126: {  	v38 =	vld [tilespmem:$0x4240];
	v2 =	vadd.f32 v34, v2  }
0x127: {  	v39 =	vld [tilespmem:$0x4250];
	v1 =	vadd.f32 v35, v1  }
0x128: {  	v40 =	vld [tilespmem:$0x4260];
	v2 =	vadd.f32 v36, v2  }
0x129: {  	v41 =	vld [tilespmem:$0x4270];
	v1 =	vadd.f32 v37, v1  }
0x12a: {  	v2 =	vadd.f32 v3, v2;
	v3 =	vld [tilespmem:$0x4280]  }
0x12b: {  	v42 =	vld [tilespmem:$0x4290];
	v1 =	vadd.f32 v38, v1  }
0x12c: {  	v43 =	vld [tilespmem:$0x42A0];
	v2 =	vadd.f32 v39, v2  }
0x12d: {  	v44 =	vld [tilespmem:$0x42B0];
	v1 =	vadd.f32 v40, v1  }
0x12e: {  	v45 =	vld [tilespmem:$0x42C0];
	v2 =	vadd.f32 v41, v2  }
0x12f: {  	v1 =	vadd.f32 v3, v1;
	v3 =	vld [tilespmem:$0x42D0]  }
0x130: {  	v46 =	vld [tilespmem:$0x42E0];
	v2 =	vadd.f32 v42, v2  }
0x131: {  	v47 =	vld [tilespmem:$0x42F0];
	v1 =	vadd.f32 v43, v1  }
0x132: {  	v48 =	vld [tilespmem:$0x4300];
	v2 =	vadd.f32 v44, v2  }
0x133: {  	v49 =	vld [tilespmem:$0x4310];
	v1 =	vadd.f32 v45, v1  }
0x134: {  	v2 =	vadd.f32 v3, v2;
	v3 =	vld [tilespmem:$0x4320]  }
0x135: {  	v50 =	vld [tilespmem:$0x4330];
	v1 =	vadd.f32 v46, v1  }
0x136: {  	v51 =	vld [tilespmem:$0x4340];
	v2 =	vadd.f32 v47, v2  }
0x137: {  	v52 =	vld [tilespmem:$0x4350];
	v1 =	vadd.f32 v48, v1  }
0x138: {  	v53 =	vld [tilespmem:$0x4360];
	v2 =	vadd.f32 v49, v2  }
0x139: {  	v1 =	vadd.f32 v3, v1;
	v3 =	vld [tilespmem:$0x4370]  }
0x13a: {  	v54 =	vld [tilespmem:$0x4380];
	v2 =	vadd.f32 v50, v2  }
0x13b: {  	v55 =	vld [tilespmem:$0x4390];
	v1 =	vadd.f32 v51, v1  }
0x13c: {  	v56 =	vld [tilespmem:$0x43A0];
	v2 =	vadd.f32 v52, v2  }
0x13d: {  	v57 =	vld [tilespmem:$0x43B0];
	v1 =	vadd.f32 v53, v1  }
0x13e: {  	v2 =	vadd.f32 v3, v2;
	v3 =	vld [tilespmem:$0x43C0]  }
0x13f: {  	v58 =	vld [tilespmem:$0x43D0];
	v1 =	vadd.f32 v54, v1  }
0x140: {  	v59 =	vld [tilespmem:$0x43E0];
	v2 =	vadd.f32 v55, v2  }
0x141: {  	v60 =	vld [tilespmem:$0x43F0];
	v1 =	vadd.f32 v56, v1  }
0x142: {  	v61 =	vld [tilespmem:$0x4400];
	v2 =	vadd.f32 v57, v2  }
0x143: {  	v1 =	vadd.f32 v3, v1;
	v3 =	vld [tilespmem:$0x4410]  }
0x144: {  	v62 =	vld [tilespmem:$0x4420];
	v2 =	vadd.f32 v58, v2  }
0x145: {  	v63 =	vld [tilespmem:$0x4430];
	v1 =	vadd.f32 v59, v1  }
0x146: {  	v9 =	vld [tilespmem:$0x4440];
	v2 =	vadd.f32 v60, v2  }
0x147: {  	v10 =	vld [tilespmem:$0x4450];
	v1 =	vadd.f32 v61, v1  }
0x148: {  	v2 =	vadd.f32 v3, v2;
	v3 =	vld [tilespmem:$0x4460]  }
0x149: {  	v11 =	vld [tilespmem:$0x4470];
	v1 =	vadd.f32 v62, v1  }
0x14a: {  	v12 =	vld [tilespmem:$0x4480];
	v2 =	vadd.f32 v63, v2  }
0x14b: {  	v13 =	vld [tilespmem:$0x4490];
	v1 =	vadd.f32 v9, v1  }
0x14c: {  	v14 =	vld [tilespmem:$0x44A0];
	v2 =	vadd.f32 v10, v2  }
0x14d: {  	v1 =	vadd.f32 v3, v1;
	v3 =	vld [tilespmem:$0x44B0]  }
0x14e: {  	v15 =	vld [tilespmem:$0x44C0];
	v2 =	vadd.f32 v11, v2  }
0x14f: {  	v16 =	vld [tilespmem:$0x44D0];
	v1 =	vadd.f32 v12, v1  }
0x150: {  	v17 =	vld [tilespmem:$0x44E0];
	v2 =	vadd.f32 v13, v2  }
0x151: {  	v18 =	vld [tilespmem:$0x44F0];
	v1 =	vadd.f32 v14, v1  }
0x152: {  	v2 =	vadd.f32 v3, v2;
	v3 =	vld [tilespmem:$0x4500]  }
0x153: {  	v19 =	vld [tilespmem:$0x4510];
	v1 =	vadd.f32 v15, v1  }
0x154: {  	v20 =	vld [tilespmem:$0x4520];
	v2 =	vadd.f32 v16, v2  }
0x155: {  	v21 =	vld [tilespmem:$0x4530];
	v1 =	vadd.f32 v17, v1  }
0x156: {  	v22 =	vld [tilespmem:$0x4540];
	v2 =	vadd.f32 v18, v2  }
0x157: {  	v1 =	vadd.f32 v3, v1;
	v3 =	vld [tilespmem:$0x4550]  }
0x158: {  	v23 =	vld [tilespmem:$0x4560];
	v2 =	vadd.f32 v19, v2  }
0x159: {  	v24 =	vld [tilespmem:$0x4570];
	v1 =	vadd.f32 v20, v1  }
0x15a: {  	v25 =	vld [tilespmem:$0x4580];
	v2 =	vadd.f32 v21, v2  }
0x15b: {  	v26 =	vld [tilespmem:$0x4590];
	v1 =	vadd.f32 v22, v1  }
0x15c: {  	v2 =	vadd.f32 v3, v2;
	v3 =	vld [tilespmem:$0x45A0]  }
0x15d: {  	v27 =	vld [tilespmem:$0x45B0];
	v1 =	vadd.f32 v23, v1  }
0x15e: {  	v28 =	vld [tilespmem:$0x45C0];
	v2 =	vadd.f32 v24, v2  }
0x15f: {  	v29 =	vld [tilespmem:$0x45D0];
	v1 =	vadd.f32 v25, v1  }
0x160: {  	v30 =	vld [tilespmem:$0x45E0];
	v2 =	vadd.f32 v26, v2  }
0x161: {  	v1 =	vadd.f32 v3, v1;
	v3 =	vld [tilespmem:$0x45F0]  }
0x162: {  	v31 =	vld [tilespmem:$0x4600];
	v2 =	vadd.f32 v27, v2  }
0x163: {  	v32 =	vld [tilespmem:$0x4610];
	v1 =	vadd.f32 v28, v1  }
0x164: {  	v33 =	vld [tilespmem:$0x4620];
	v2 =	vadd.f32 v29, v2  }
0x165: {  	v34 =	vld [tilespmem:$0x4630];
	v1 =	vadd.f32 v30, v1  }
0x166: {  	v2 =	vadd.f32 v3, v2;
	v3 =	vld [tilespmem:$0x4640]  }
0x167: {  	v35 =	vld [tilespmem:$0x4650];
	v1 =	vadd.f32 v31, v1  }
0x168: {  	v36 =	vld [tilespmem:$0x4660];
	v2 =	vadd.f32 v32, v2  }
0x169: {  	v37 =	vld [tilespmem:$0x4670];
	v1 =	vadd.f32 v33, v1  }
0x16a: {  	v38 =	vld [tilespmem:$0x4680];
	v2 =	vadd.f32 v34, v2  }
0x16b: {  	v1 =	vadd.f32 v3, v1;
	v3 =	vld [tilespmem:$0x4690]  }
0x16c: {  	v39 =	vld [tilespmem:$0x46A0];
	v2 =	vadd.f32 v35, v2  }
0x16d: {  	v40 =	vld [tilespmem:$0x46B0];
	v1 =	vadd.f32 v36, v1  }
0x16e: {  	v2 =	vadd.f32 v37, v2  }
0x16f: {  	v1 =	vadd.f32 v38, v1  }
0x170: {  	v2 =	vadd.f32 v3, v2  }
0x171: {  	v1 =	vadd.f32 v39, v1  }
0x172: {  	v2 =	vadd.f32 v40, v2  }
0x173: {  	v1 =	vmul.f32 v1, v0  }
0x174: {  	v2 =	vmul.f32 v2, v0  }
0x175: {  	[tilespmem:s25+$0x0] =	vst v1  }
0x176: {  	s26 =	sadd.s32 @!p0 $0x34D0, s26;
	s29 =	simm.s32 @!p0 $0x4080;
	[tilespmem:s25+$0x10] =	vst v2  }
0x177: {  	[tilespmem:s29], [sflag:$0x3] =	stream.indirect.gather @!p0 [hbm4b:s3+s28], $0x10, s26, s28, $0xb8;
	[tilespmem:$0x5D10] =	vst v63  }
0x178: {  	_ =	swait.ge [sflag:s21], $0x640  }
0x179: {  	[sflag:s21] =	ssyncset.done $0x0  }
0x17a: {  	[sflag:s21] =	ssyncadd.s32 $0xFFFFF9C0  }
0x17b: {  	v1 =	vld [tilespmem:$0x46C0]  }
0x17c: {  	v2 =	vld [tilespmem:$0x46D0]  }
0x17d: {  	v3 =	vld [tilespmem:$0x46E0]  }
0x17e: {  	v41 =	vld [tilespmem:$0x46F0]  }
0x17f: {  	v42 =	vld [tilespmem:$0x4700]  }
0x180: {  	v43 =	vld [tilespmem:$0x4710];
	v1 =	vadd.f32 $0.0e+00, v1  }
0x181: {  	v44 =	vld [tilespmem:$0x4720];
	v2 =	vadd.f32 $0.0e+00, v2  }
0x182: {  	v1 =	vadd.f32 v3, v1;
	v3 =	vld [tilespmem:$0x4730]  }
0x183: {  	v45 =	vld [tilespmem:$0x4740];
	v2 =	vadd.f32 v41, v2  }
0x184: {  	v46 =	vld [tilespmem:$0x4750];
	v1 =	vadd.f32 v42, v1  }
0x185: {  	v47 =	vld [tilespmem:$0x4760];
	v2 =	vadd.f32 v43, v2  }
0x186: {  	v48 =	vld [tilespmem:$0x4770];
	v1 =	vadd.f32 v44, v1  }
0x187: {  	v2 =	vadd.f32 v3, v2;
	v3 =	vld [tilespmem:$0x4780]  }
0x188: {  	v49 =	vld [tilespmem:$0x4790];
	v1 =	vadd.f32 v45, v1  }
0x189: {  	v50 =	vld [tilespmem:$0x47A0];
	v2 =	vadd.f32 v46, v2  }
0x18a: {  	v51 =	vld [tilespmem:$0x47B0];
	v1 =	vadd.f32 v47, v1  }
0x18b: {  	v52 =	vld [tilespmem:$0x47C0];
	v2 =	vadd.f32 v48, v2  }
0x18c: {  	v1 =	vadd.f32 v3, v1;
	v3 =	vld [tilespmem:$0x47D0]  }
0x18d: {  	v53 =	vld [tilespmem:$0x47E0];
	v2 =	vadd.f32 v49, v2  }
0x18e: {  	v54 =	vld [tilespmem:$0x47F0];
	v1 =	vadd.f32 v50, v1  }
0x18f: {  	v55 =	vld [tilespmem:$0x4800];
	v2 =	vadd.f32 v51, v2  }
0x190: {  	v56 =	vld [tilespmem:$0x4810];
	v1 =	vadd.f32 v52, v1  }
0x191: {  	v2 =	vadd.f32 v3, v2;
	v3 =	vld [tilespmem:$0x4820]  }
0x192: {  	v57 =	vld [tilespmem:$0x4830];
	v1 =	vadd.f32 v53, v1  }
0x193: {  	v58 =	vld [tilespmem:$0x4840];
	v2 =	vadd.f32 v54, v2  }
0x194: {  	v59 =	vld [tilespmem:$0x4850];
	v1 =	vadd.f32 v55, v1  }
0x195: {  	v60 =	vld [tilespmem:$0x4860];
	v2 =	vadd.f32 v56, v2  }
0x196: {  	v1 =	vadd.f32 v3, v1;
	v3 =	vld [tilespmem:$0x4870]  }
0x197: {  	v61 =	vld [tilespmem:$0x4880];
	v2 =	vadd.f32 v57, v2  }
0x198: {  	v62 =	vld [tilespmem:$0x4890];
	v1 =	vadd.f32 v58, v1  }
0x199: {  	v63 =	vld [tilespmem:$0x48A0];
	v2 =	vadd.f32 v59, v2  }
0x19a: {  	v9 =	vld [tilespmem:$0x48B0];
	v1 =	vadd.f32 v60, v1  }
0x19b: {  	v2 =	vadd.f32 v3, v2;
	v3 =	vld [tilespmem:$0x48C0]  }
0x19c: {  	v10 =	vld [tilespmem:$0x48D0];
	v1 =	vadd.f32 v61, v1  }
0x19d: {  	v11 =	vld [tilespmem:$0x48E0];
	v2 =	vadd.f32 v62, v2  }
0x19e: {  	v12 =	vld [tilespmem:$0x48F0];
	v1 =	vadd.f32 v63, v1  }
0x19f: {  	v13 =	vld [tilespmem:$0x4900];
	v2 =	vadd.f32 v9, v2  }
0x1a0: {  	v1 =	vadd.f32 v3, v1;
	v3 =	vld [tilespmem:$0x4910]  }
0x1a1: {  	v14 =	vld [tilespmem:$0x4920];
	v2 =	vadd.f32 v10, v2  }
0x1a2: {  	v15 =	vld [tilespmem:$0x4930];
	v1 =	vadd.f32 v11, v1  }
0x1a3: {  	v16 =	vld [tilespmem:$0x4940];
	v2 =	vadd.f32 v12, v2  }
0x1a4: {  	v17 =	vld [tilespmem:$0x4950];
	v1 =	vadd.f32 v13, v1  }
0x1a5: {  	v2 =	vadd.f32 v3, v2;
	v3 =	vld [tilespmem:$0x4960]  }
0x1a6: {  	v18 =	vld [tilespmem:$0x4970];
	v1 =	vadd.f32 v14, v1  }
0x1a7: {  	v19 =	vld [tilespmem:$0x4980];
	v2 =	vadd.f32 v15, v2  }
0x1a8: {  	v20 =	vld [tilespmem:$0x4990];
	v1 =	vadd.f32 v16, v1  }
0x1a9: {  	v21 =	vld [tilespmem:$0x49A0];
	v2 =	vadd.f32 v17, v2  }
0x1aa: {  	v1 =	vadd.f32 v3, v1;
	v3 =	vld [tilespmem:$0x49B0]  }
0x1ab: {  	v22 =	vld [tilespmem:$0x49C0];
	v2 =	vadd.f32 v18, v2  }
0x1ac: {  	v23 =	vld [tilespmem:$0x49D0];
	v1 =	vadd.f32 v19, v1  }
0x1ad: {  	v24 =	vld [tilespmem:$0x49E0];
	v2 =	vadd.f32 v20, v2  }
0x1ae: {  	v25 =	vld [tilespmem:$0x49F0];
	v1 =	vadd.f32 v21, v1  }
0x1af: {  	v2 =	vadd.f32 v3, v2;
	v3 =	vld [tilespmem:$0x4A00]  }
0x1b0: {  	v26 =	vld [tilespmem:$0x4A10];
	v1 =	vadd.f32 v22, v1  }
0x1b1: {  	v27 =	vld [tilespmem:$0x4A20];
	v2 =	vadd.f32 v23, v2  }
0x1b2: {  	v28 =	vld [tilespmem:$0x4A30];
	v1 =	vadd.f32 v24, v1  }
0x1b3: {  	v29 =	vld [tilespmem:$0x4A40];
	v2 =	vadd.f32 v25, v2  }
0x1b4: {  	v1 =	vadd.f32 v3, v1;
	v3 =	vld [tilespmem:$0x4A50]  }
0x1b5: {  	v30 =	vld [tilespmem:$0x4A60];
	v2 =	vadd.f32 v26, v2  }
0x1b6: {  	v31 =	vld [tilespmem:$0x4A70];
	v1 =	vadd.f32 v27, v1  }
0x1b7: {  	v32 =	vld [tilespmem:$0x4A80];
	v2 =	vadd.f32 v28, v2  }
0x1b8: {  	v33 =	vld [tilespmem:$0x4A90];
	v1 =	vadd.f32 v29, v1  }
0x1b9: {  	v2 =	vadd.f32 v3, v2;
	v3 =	vld [tilespmem:$0x4AA0]  }
0x1ba: {  	v34 =	vld [tilespmem:$0x4AB0];
	v1 =	vadd.f32 v30, v1  }
0x1bb: {  	v35 =	vld [tilespmem:$0x4AC0];
	v2 =	vadd.f32 v31, v2  }
0x1bc: {  	v36 =	vld [tilespmem:$0x4AD0];
	v1 =	vadd.f32 v32, v1  }
0x1bd: {  	v37 =	vld [tilespmem:$0x4AE0];
	v2 =	vadd.f32 v33, v2  }
0x1be: {  	v1 =	vadd.f32 v3, v1;
	v3 =	vld [tilespmem:$0x4AF0]  }
0x1bf: {  	v38 =	vld [tilespmem:$0x4B00];
	v2 =	vadd.f32 v34, v2  }
0x1c0: {  	v39 =	vld [tilespmem:$0x4B10];
	v1 =	vadd.f32 v35, v1  }
0x1c1: {  	v40 =	vld [tilespmem:$0x4B20];
	v2 =	vadd.f32 v36, v2  }
0x1c2: {  	v41 =	vld [tilespmem:$0x4B30];
	v1 =	vadd.f32 v37, v1  }
0x1c3: {  	v2 =	vadd.f32 v3, v2;
	v3 =	vld [tilespmem:$0x4B40]  }
0x1c4: {  	v42 =	vld [tilespmem:$0x4B50];
	v1 =	vadd.f32 v38, v1  }
0x1c5: {  	v43 =	vld [tilespmem:$0x4B60];
	v2 =	vadd.f32 v39, v2  }
0x1c6: {  	v44 =	vld [tilespmem:$0x4B70];
	v1 =	vadd.f32 v40, v1  }
0x1c7: {  	v45 =	vld [tilespmem:$0x4B80];
	v2 =	vadd.f32 v41, v2  }
0x1c8: {  	v1 =	vadd.f32 v3, v1;
	v3 =	vld [tilespmem:$0x4B90]  }
0x1c9: {  	v46 =	vld [tilespmem:$0x4BA0];
	v2 =	vadd.f32 v42, v2  }
0x1ca: {  	v47 =	vld [tilespmem:$0x4BB0];
	v1 =	vadd.f32 v43, v1  }
0x1cb: {  	v48 =	vld [tilespmem:$0x4BC0];
	v2 =	vadd.f32 v44, v2  }
0x1cc: {  	v49 =	vld [tilespmem:$0x4BD0];
	v1 =	vadd.f32 v45, v1  }
0x1cd: {  	v2 =	vadd.f32 v3, v2;
	v3 =	vld [tilespmem:$0x4BE0]  }
0x1ce: {  	v50 =	vld [tilespmem:$0x4BF0];
	v1 =	vadd.f32 v46, v1  }
0x1cf: {  	v51 =	vld [tilespmem:$0x4C00];
	v2 =	vadd.f32 v47, v2  }
0x1d0: {  	v52 =	vld [tilespmem:$0x4C10];
	v1 =	vadd.f32 v48, v1  }
0x1d1: {  	v53 =	vld [tilespmem:$0x4C20];
	v2 =	vadd.f32 v49, v2  }
0x1d2: {  	v1 =	vadd.f32 v3, v1;
	v3 =	vld [tilespmem:$0x4C30]  }
0x1d3: {  	v54 =	vld [tilespmem:$0x4C40];
	v2 =	vadd.f32 v50, v2  }
0x1d4: {  	v55 =	vld [tilespmem:$0x4C50];
	v1 =	vadd.f32 v51, v1  }
0x1d5: {  	v56 =	vld [tilespmem:$0x4C60];
	v2 =	vadd.f32 v52, v2  }
0x1d6: {  	v57 =	vld [tilespmem:$0x4C70];
	v1 =	vadd.f32 v53, v1  }
0x1d7: {  	v2 =	vadd.f32 v3, v2;
	v3 =	vld [tilespmem:$0x4C80]  }
0x1d8: {  	v58 =	vld [tilespmem:$0x4C90];
	v1 =	vadd.f32 v54, v1  }
0x1d9: {  	v59 =	vld [tilespmem:$0x4CA0];
	v2 =	vadd.f32 v55, v2  }
0x1da: {  	v60 =	vld [tilespmem:$0x4CB0];
	v1 =	vadd.f32 v56, v1  }
0x1db: {  	v61 =	vld [tilespmem:$0x4CC0];
	v2 =	vadd.f32 v57, v2  }
0x1dc: {  	v1 =	vadd.f32 v3, v1;
	v3 =	vld [tilespmem:$0x4CD0]  }
0x1dd: {  	v62 =	vld [tilespmem:$0x4CE0];
	v2 =	vadd.f32 v58, v2  }
0x1de: {  	v63 =	vld [tilespmem:$0x4CF0];
	v1 =	vadd.f32 v59, v1  }
0x1df: {  	v2 =	vadd.f32 v60, v2  }
0x1e0: {  	v1 =	vadd.f32 v61, v1  }
0x1e1: {  	v2 =	vadd.f32 v3, v2  }
0x1e2: {  	v1 =	vadd.f32 v62, v1  }
.Ltmp2:
0x1e3: {  	v2 =	vadd.f32 v63, v2;
	(pc) =	sbr.rel @p0 .LBB2_4-.Ltmp2, $4  }
0x1e4: {  	v1 =	vmul.f32 v1, v0  }
0x1e5: {  	v2 =	vmul.f32 v2, v0  }
0x1e6: {  	[tilespmem:s25+$0x20] =	vst v1  }
0x1e7: {  	[tilespmem:s25+$0x30] =	vst v2  }
.Ltmp3:
0x1e8: {  	(pc) =	sbr.rel .LBB2_2-.Ltmp3, $4  }
0x1e9: {  	_ = 	snop  }
0x1ea: {  	s26 =	sshra.s32 s24, $0x2  }
0x1eb: {  	s24 =	sadd.s32 $0x680, s24;
	s25 =	sadd.s32 $0x80, s25;
	s26 =	sadd.s32 $0x3538, s26  }
0x1ec: {  	[tilespmem:s17], [sflag:$0x4] =	stream.indirect.gather [hbm4b:s3+s10], $0x10, s26, s10, $0xb8;
	[tilespmem:$0x5D10] =	vst v63  }
.LBB2_5:
0x1ed: {  	_ =	sfence.sel $0x180000  }
0x1ee: {  	[bflag:$0x0] =	sbarrier.arrive $0xFFFF  }
0x1ef: {  	p0 =	sne.s32 s0, $0x0;
	_ =	strace $0x90000047  }
0x1f0: {  	s0 =	sadd.s32 @!p0 $0x100000, s1;
	[bflag:$0x2] =	sbarrier.arrive $0xFFFF  }
0x1f1: {  	[sflag:s0] =	ssyncadd.tile.s32 @!p0 $0x1;
	_ =	shalt  }
.Lfunc_end2:
_tile_overlayer_lowered:
.L_overlay_start_2:
0x1f2: {  	(tag) =	ssettag $0x2  }
0x1f3: {  	s0 =	rddreg [dreg:$0x0];
	s2 =	stileid.u32  }
0x1f4: {  	s1 =	rddreg [dreg:$0x1];
	p0 =	sne.s32 s2, $0x0  }
0x1f5: {  	s3 =	rddreg [dreg:$0x2];
	[bflag:$0x3] =	sbarrier.arrive $0xFFFF;
	s2 =	simm.s32 @!p0 $0x1C05  }
0x1f6: {  	[timem:s3], [sflag:s2] =	dma.local @!p0 [hbm:s0], s1  }
0x1f7: {  	s0 =	simm.s32 @!p0 $0x5  }
0x1f8: {  	_ =	swait.ge @!p0 [sflag:s0], s1  }
0x1f9: {  	s1 =	ssub.s32 @!p0 $0x0, s1;
	[sflag:s0] =	ssyncset.done @!p0 $0x0  }
0x1fa: {  	[sflag:s0] =	ssyncadd.s32 @!p0 s1  }
0x1fb: {  	[bflag:$0x3] =	sbarrier.arrive $0xFFFF  }
0x1fc: {  	_ =	shalt  }

</sc_bundles>
